<compile_context>
chip_gen: v7x
topology: tpu7x:2x2x1
jax: 0.10.2.dev20260603
libtpu: 0.0.44.dev20260713+nightly
codegen_flags: <defaults>
</compile_context>

<pallas_src>
import functools

import numpy as np

import jax
import jax.numpy as jnp
from jax import lax
from jax.experimental import pallas as pl
from jax.experimental.pallas import tpu as pltpu
from jax.experimental.pallas import tpu_sc as plsc

N_CORES = 2
N_SUBCORES = 16
N_WORKERS = N_CORES * N_SUBCORES
LANES = 16
ROW = 128
CHUNK_E = 2048

CUTOFF = 5.0
CUTON = 3.5
A_COEF = 0.8854
A_EXP = 0.23
PHI_C = (0.18175, 0.50986, 0.28022, 0.02817)
PHI_E = (3.1998, 0.94229, 0.4029, 0.20162)


ZTAB = 64
_ZA_TABLE = (np.arange(ZTAB, dtype=np.float64) ** A_EXP).astype(np.float32)


def _scatter_slices(n_edges):
  out = []
  o = 0
  while o < n_edges:
    out.append((o, min(ROW, n_edges - o)))
    o += out[-1][1]
  return out


def _sc_kernel(e_w, a_pad, slice_w,
               an_hbm, zt_hbm, d_hbm, ii_hbm, ij_hbm, out_hbm,
               an_tab, zt_tab, d_buf, ii_buf, ij_buf, vals_buf, zbuf, accum,
               in_sem, sc_sem, tab_sem):
  cid = lax.axis_index("c")
  sid = lax.axis_index("s")
  wid = sid * N_CORES + cid
  n_full = e_w // CHUNK_E
  tail_e = e_w % CHUNK_E
  base = wid * e_w

  an_copy = pltpu.make_async_copy(an_hbm, an_tab, tab_sem)
  zt_copy = pltpu.make_async_copy(zt_hbm, zt_tab, tab_sem)
  an_copy.start()
  zt_copy.start()

  zeros16 = jnp.zeros((LANES,), jnp.float32)

  def _zero_body(k, _):
    zbuf[pl.ds(k * LANES, LANES)] = zeros16
    return _

  lax.fori_loop(0, slice_w // LANES, _zero_body, None)
  pltpu.sync_copy(zbuf, accum.at[pl.ds(sid * slice_w, slice_w)])
  an_copy.wait()
  zt_copy.wait()
  plsc.subcore_barrier()

  csum = PHI_C[0] + PHI_C[1] + PHI_C[2] + PHI_C[3]
  c0, c1, c2, c3 = (0.5 * c / csum for c in PHI_C)
  e0, e1, e2, e3 = (e / A_COEF for e in PHI_E)
  inv_switch = 1.0 / (CUTOFF - CUTON)

  def _in_copies(k, b, width):
    es = pl.ds(base + k * CHUNK_E, width)
    w = pl.ds(b * CHUNK_E, width)
    return (
        pltpu.make_async_copy(d_hbm.at[es], d_buf.at[w], in_sem.at[b]),
        pltpu.make_async_copy(ii_hbm.at[es], ii_buf.at[w], in_sem.at[b]),
        pltpu.make_async_copy(ij_hbm.at[es], ij_buf.at[w], in_sem.at[b]),
    )

  def _issue_in(k, b, width=CHUNK_E):
    for c in _in_copies(k, b, width):
      c.start()

  def _wait_in(k, b, width=CHUNK_E):
    for c in _in_copies(k, b, width):
      c.wait()

  def _scatter(b, width=CHUNK_E):
    ob = b * CHUNK_E
    for o, w in _scatter_slices(width):
      pltpu.async_copy(
          vals_buf.at[pl.ds(ob + o, w)],
          accum.at[ii_buf.at[pl.ds(ob + o, w)]], sc_sem.at[b], add=True)

  def _drain_scatter(b, width=CHUNK_E):
    ob = b * CHUNK_E
    for o, w in _scatter_slices(width):
      pltpu.make_async_copy(
          vals_buf.at[pl.ds(ob + o, w)],
          accum.at[ii_buf.at[pl.ds(ob + o, w)]], sc_sem.at[b]).wait()

  def _vreg_compute(ob, v):
    sf = pl.ds(ob + v * LANES, LANES)
    ii = ii_buf[sf]
    ij = ij_buf[sf]
    d = d_buf[sf]
    ai = plsc.load_gather(an_tab, [ii])
    aj = plsc.load_gather(an_tab, [ij])
    zi = plsc.load_gather(zt_tab, [ai.astype(jnp.int32)])
    zj = plsc.load_gather(zt_tab, [aj.astype(jnp.int32)])
    x = (CUTOFF - d) * inv_switch
    poly = ((6.0 * x - 15.0) * x + 10.0) * x * x * x
    sw = jnp.where(d < CUTON, 1.0, jnp.where(d >= CUTOFF, 0.0, poly))
    t = d * (zi + zj)
    phi = (c0 * jnp.exp(-e0 * t) + c1 * jnp.exp(-e1 * t)
           + c2 * jnp.exp(-e2 * t) + c3 * jnp.exp(-e3 * t))
    vals_buf[sf] = ai * aj * phi * sw / d

  def _compute(b, width=CHUNK_E):
    ob = b * CHUNK_E
    plsc.parallel_loop(0, width // LANES, unroll=8)(
        lambda v: _vreg_compute(ob, v))

  _issue_in(0, 0)

  def _chunk_body(k, _):
    b = lax.rem(k, 2)
    b2 = lax.rem(k + 1, 2)
    pl.when(k > 0)(lambda: _drain_scatter(b2))
    pl.when(k + 1 < n_full)(lambda: _issue_in(k + 1, b2))
    if tail_e:
      pl.when(k + 1 == n_full)(lambda: _issue_in(n_full, b2, tail_e))
    _wait_in(k, b)
    _compute(b)
    _scatter(b)
    return _

  lax.fori_loop(0, n_full, _chunk_body, None)

  if tail_e:
    bt = n_full % 2
    _wait_in(n_full, bt, tail_e)
    _compute(bt, tail_e)
    _scatter(bt, tail_e)
    _drain_scatter((n_full - 1) % 2)
    _drain_scatter(bt, tail_e)
  else:
    _drain_scatter((n_full - 1) % 2)

  plsc.subcore_barrier()

  asl = pl.ds(sid * slice_w, slice_w)
  pltpu.sync_copy(accum.at[asl], zbuf)
  pltpu.sync_copy(zbuf, out_hbm.at[pl.ds(cid * a_pad + sid * slice_w, slice_w)])


def kernel(atomic_numbers, distances, idx_i, idx_j):
  n_atoms = atomic_numbers.shape[0]
  n_edges = distances.shape[0]

  a_pad = -(-n_atoms // (N_SUBCORES * LANES)) * (N_SUBCORES * LANES)
  slice_w = a_pad // N_SUBCORES
  grain = N_WORKERS * 2 * LANES
  e_pad = -(-n_edges // grain) * grain
  e_w = e_pad // N_WORKERS

  an = jnp.pad(atomic_numbers.astype(jnp.float32), (0, a_pad - n_atoms),
               constant_values=1.0)
  zt = jnp.asarray(_ZA_TABLE)

  d = distances.astype(jnp.float32)
  ii = idx_i.astype(jnp.int32)
  ij = idx_j.astype(jnp.int32)
  if e_pad != n_edges:
    d = jnp.pad(d, (0, e_pad - n_edges), constant_values=2.0 * CUTOFF)
    ii = jnp.pad(ii, (0, e_pad - n_edges))
    ij = jnp.pad(ij, (0, e_pad - n_edges))

  mesh = plsc.VectorSubcoreMesh(core_axis_name="c", subcore_axis_name="s")
  out = pl.kernel(
      functools.partial(_sc_kernel, e_w, a_pad, slice_w),
      out_type=jax.ShapeDtypeStruct((N_CORES * a_pad,), jnp.float32),
      mesh=mesh,
      compiler_params=pltpu.CompilerParams(needs_layout_passes=False),
      scratch_types=[
          pltpu.VMEM((a_pad,), jnp.float32),
          pltpu.VMEM((ZTAB,), jnp.float32),
          pltpu.VMEM((2 * CHUNK_E,), jnp.float32),
          pltpu.VMEM((2 * CHUNK_E,), jnp.int32),
          pltpu.VMEM((2 * CHUNK_E,), jnp.int32),
          pltpu.VMEM((2 * CHUNK_E,), jnp.float32),
          pltpu.VMEM((slice_w,), jnp.float32),
          pltpu.VMEM_SHARED((a_pad,), jnp.float32),
          pltpu.SemaphoreType.DMA((2,)),
          pltpu.SemaphoreType.DMA((2,)),
          pltpu.SemaphoreType.DMA,
      ],
  )(an, zt, d, ii, ij)
  return (out[:a_pad] + out[a_pad:])[:n_atoms]

# --- scband reference (transcript-rebuilt; emitter-appended) ---
"""Pipeline reference for scband-zblrepulsion-47493748359406 (READ-ONLY COPY).

The authoritative reference and input builder live on the scoring server;
editing this copy changes nothing except your own understanding.
"""

import jax, jax.numpy as jnp
import numpy as np

N_ATOMS = 50000
N_EDGES = 1600000
CUTOFF = 5.0
CUTON = 3.5


def setup_inputs(seed: int = 0) -> dict:
    key = jax.random.key(seed)
    k1, k2, k3, k4 = jax.random.split(key, 4)
    # atomic numbers in [1, 9] (H..F), stored as float32 as the module expects
    atomic_numbers = jax.random.randint(k1, (N_ATOMS,), 1, 10).astype(jnp.float32)
    # interatomic distances in (0.5, 6.0) Angstrom; spans below cuton, in switch region, and beyond cutoff
    distances = jax.random.uniform(k2, (N_EDGES,), minval=0.5, maxval=6.0, dtype=jnp.float32)
    # idx_i sorted (neighbor lists are grouped by center atom); idx_j arbitrary
    idx_i = jnp.sort(jax.random.randint(k3, (N_EDGES,), 0, N_ATOMS)).astype(jnp.int64)
    idx_j = jax.random.randint(k4, (N_EDGES,), 0, N_ATOMS).astype(jnp.int64)
    return {"atomic_numbers": atomic_numbers, "distances": distances, "idx_i": idx_i, "idx_j": idx_j}


def reference(atomic_numbers, distances, idx_i, idx_j):
    dtype = jnp.float32
    cutoff_dist = jnp.array([CUTOFF], dtype=dtype)
    cuton_dist = jnp.array([CUTON], dtype=dtype)
    switchoff_range = jnp.array([CUTOFF - CUTON], dtype=dtype)
    a_coefficient = jnp.array(0.8854, dtype=dtype)
    a_exponent = jnp.array(0.23, dtype=dtype)
    phi_coefficients = jnp.array([0.18175, 0.50986, 0.28022, 0.02817], dtype=dtype)
    phi_exponents = jnp.array([3.1998, 0.94229, 0.4029, 0.20162], dtype=dtype)

    # smooth switch-off function (use_switch=True since cuton < cutoff)
    x = (cutoff_dist - distances) / switchoff_range
    switch_off = jnp.where(
        distances < cuton_dist,
        jnp.ones_like(x),
        jnp.where(distances >= cutoff_dist, jnp.zeros_like(x), ((6.0 * x - 15.0) * x + 10.0) * x ** 3),
    )

    za = atomic_numbers ** jnp.abs(a_exponent)
    a_ij = jnp.abs(a_coefficient) / (za[idx_i] + za[idx_j])
    arguments = distances / a_ij
    # L1-normalized coefficients (jax.nn.normalize(..., ord=1) semantics)
    abs_c = jnp.abs(phi_coefficients)
    coefficients = abs_c / jnp.sum(abs_c)
    exponents = jnp.abs(phi_exponents)
    phi = jnp.sum(coefficients[None, :] * jnp.exp(-exponents[None, :] * arguments[:, None]), axis=1)
    repulsion = 0.5 * 1.0 * atomic_numbers[idx_i] * atomic_numbers[idx_j] / distances * phi * switch_off
    Erep = jax.ops.segment_sum(repulsion, segment_ids=idx_i, num_segments=atomic_numbers.shape[0])
    return Erep

if __name__ == "__main__":
    import jax
    _d = setup_inputs()
    print(jax.jit(kernel)(*tuple(_d.values())))

</pallas_src>

<mosaic_0001>
#map = affine_map<(d0, d1) -> (0)>
module attributes {stable_mosaic.version = 14 : i64} {
  func.func @_sc_kernel(%arg0: i32, %arg1: i32, %arg2: memref<50176xf32, #tpu.memory_space<hbm>>, %arg3: memref<64xf32, #tpu.memory_space<hbm>>, %arg4: memref<1600512xf32, #tpu.memory_space<hbm>>, %arg5: memref<1600512xi32, #tpu.memory_space<hbm>>, %arg6: memref<1600512xi32, #tpu.memory_space<hbm>>, %arg7: memref<100352xf32, #tpu.memory_space<hbm>>, %arg8: memref<50176xf32, #tpu.memory_space<vmem>>, %arg9: memref<64xf32, #tpu.memory_space<vmem>>, %arg10: memref<4096xf32, #tpu.memory_space<vmem>>, %arg11: memref<4096xi32, #tpu.memory_space<vmem>>, %arg12: memref<4096xi32, #tpu.memory_space<vmem>>, %arg13: memref<4096xf32, #tpu.memory_space<vmem>>, %arg14: memref<3136xf32, #tpu.memory_space<vmem>>, %arg15: memref<50176xf32, #tpu.memory_space<vmem_shared>>, %arg16: memref<2x!tpu.dma_semaphore, #tpu.memory_space<semaphore_mem>>, %arg17: memref<2x!tpu.dma_semaphore, #tpu.memory_space<semaphore_mem>>, %arg18: memref<!tpu.dma_semaphore, #tpu.memory_space<semaphore_mem>>) attributes {dimension_semantics = [#tpu.dimension_semantics<core_parallel>, #tpu.dimension_semantics<subcore_parallel>], iteration_bounds = array<i64: 2, 16>, scalar_prefetch = 0 : i64, scratch_operands = 11 : i64, tpu.core_type = #tpu.core_type<sc_vector_subcore>, window_params = [{transform_indices = #map}, {transform_indices = #map}, {transform_indices = #map}, {transform_indices = #map}, {transform_indices = #map}, {transform_indices = #map}]} {
    %mul3A = arith.constant 2 : i32
    %mul3A_0 = arith.muli %arg1, %mul3A : i32
    %add3A = arith.addi %mul3A_0, %arg0 : i32
    %mul3A_1 = arith.constant 50016 : i32
    %mul3A_2 = arith.muli %add3A, %mul3A_1 : i32
    tpu.enqueue_dma source(%arg2 : memref<50176xf32, #tpu.memory_space<hbm>>) target(%arg8 : memref<50176xf32, #tpu.memory_space<vmem>>) target_semaphore(%arg18 : memref<!tpu.dma_semaphore, #tpu.memory_space<semaphore_mem>>)
    tpu.enqueue_dma source(%arg3 : memref<64xf32, #tpu.memory_space<hbm>>) target(%arg9 : memref<64xf32, #tpu.memory_space<vmem>>) target_semaphore(%arg18 : memref<!tpu.dma_semaphore, #tpu.memory_space<semaphore_mem>>)
    %broadcast_in_dim3A = arith.constant 0.000000e+00 : f32
    %broadcast_in_dim3A_3 = vector.broadcast %broadcast_in_dim3A : f32 to vector<16xf32>
    %scan3A = arith.constant 0 : i32
    %scan3A_4 = arith.constant 196 : i32
    %scan3A_5 = arith.addi %scan3A, %scan3A_4 : i32
    %scan3A_6 = arith.constant 1 : i32
    scf.for %scan3A_351 = %scan3A to %scan3A_5 step %scan3A_6  : i32 {
      %mul3A_352 = arith.constant 16 : i32
      %mul3A_353 = arith.muli %scan3A_351, %mul3A_352 : i32
      %swap3A = arith.index_cast %mul3A_353 : i32 to index
      %swap3A_354 = tpu.vector_load %arg14[%swap3A] {strides = array<i32>} : memref<3136xf32, #tpu.memory_space<vmem>>, vector<16xf32>,
      tpu.vector_store %arg14[%swap3A], %broadcast_in_dim3A_3 {strides = array<i32>} : memref<3136xf32, #tpu.memory_space<vmem>>, vector<16xf32>,
    }
    %scan3A_7 = arith.constant 196 : i32
    %mul3A_8 = arith.constant 3136 : i32
    %mul3A_9 = arith.muli %arg1, %mul3A_8 : i32
    "tpu.region"() ({
      %run_scoped3A = tpu.sem_alloc : memref<!tpu.dma_semaphore, #tpu.memory_space<semaphore_mem>>
      %dma_start3A_351 = tpu.memref_slice %arg15[%mul3A_9] : memref<50176xf32, #tpu.memory_space<vmem_shared>> -> memref<3136xf32, #tpu.memory_space<vmem_shared>>
      %dma_start3A_352 = tpu.memref_slice %arg15[%mul3A_9] : memref<50176xf32, #tpu.memory_space<vmem_shared>> -> memref<3136xf32, #tpu.memory_space<vmem_shared>>
      tpu.enqueue_dma source(%arg14 : memref<3136xf32, #tpu.memory_space<vmem>>) target(%dma_start3A_352 : memref<3136xf32, #tpu.memory_space<vmem_shared>>) target_semaphore(%run_scoped3A : memref<!tpu.dma_semaphore, #tpu.memory_space<semaphore_mem>>)
      %dma_wait3A_353 = tpu.memref_slice %arg15[%mul3A_9] : memref<50176xf32, #tpu.memory_space<vmem_shared>> -> memref<3136xf32, #tpu.memory_space<vmem_shared>>
      %dma_wait3A_354 = tpu.memref_slice %arg15[%mul3A_9] : memref<50176xf32, #tpu.memory_space<vmem_shared>> -> memref<3136xf32, #tpu.memory_space<vmem_shared>>
      tpu.wait_dma2 semaphore(%run_scoped3A : memref<!tpu.dma_semaphore, #tpu.memory_space<semaphore_mem>>) src(%arg14 : memref<3136xf32, #tpu.memory_space<vmem>>) dst(%dma_wait3A_354 : memref<3136xf32, #tpu.memory_space<vmem_shared>>)
      tpu.yield
    }) : () -> ()
    tpu.wait_dma2 semaphore(%arg18 : memref<!tpu.dma_semaphore, #tpu.memory_space<semaphore_mem>>) src(%arg2 : memref<50176xf32, #tpu.memory_space<hbm>>) dst(%arg8 : memref<50176xf32, #tpu.memory_space<vmem>>)
    tpu.wait_dma2 semaphore(%arg18 : memref<!tpu.dma_semaphore, #tpu.memory_space<semaphore_mem>>) src(%arg3 : memref<64xf32, #tpu.memory_space<hbm>>) dst(%arg9 : memref<64xf32, #tpu.memory_space<vmem>>)
    %barrier3A = arith.constant 0 : index
    tpu.barrier barrier_id(%barrier3A)
    %add3A_10 = arith.constant 0 : i32
    %add3A_11 = arith.addi %mul3A_2, %add3A_10 : i32
    %dma_start3A = arith.constant 0 : i32
    %dma_start3A_12 = arith.constant 0 : i32
    %dma_start3A_13 = tpu.memref_slice %arg10[%dma_start3A_12] : memref<4096xf32, #tpu.memory_space<vmem>> -> memref<2048xf32, #tpu.memory_space<vmem>>
    %dma_start3A_14 = tpu.memref_slice %arg4[%add3A_11] : memref<1600512xf32, #tpu.memory_space<hbm>> -> memref<2048xf32, #tpu.memory_space<hbm>>
    %dma_start3A_15 = tpu.memref_slice %arg16[%dma_start3A] : memref<2x!tpu.dma_semaphore, #tpu.memory_space<semaphore_mem>> -> memref<1x!tpu.dma_semaphore, #tpu.memory_space<semaphore_mem>>
    %dma_start3A_16 = tpu.memref_squeeze %dma_start3A_15 : memref<1x!tpu.dma_semaphore, #tpu.memory_space<semaphore_mem>> -> memref<!tpu.dma_semaphore, #tpu.memory_space<semaphore_mem>>
    %dma_start3A_17 = arith.constant 0 : i32
    %dma_start3A_18 = tpu.memref_slice %arg10[%dma_start3A_17] : memref<4096xf32, #tpu.memory_space<vmem>> -> memref<2048xf32, #tpu.memory_space<vmem>>
    %dma_start3A_19 = tpu.memref_slice %arg4[%add3A_11] : memref<1600512xf32, #tpu.memory_space<hbm>> -> memref<2048xf32, #tpu.memory_space<hbm>>
    tpu.enqueue_dma source(%dma_start3A_19 : memref<2048xf32, #tpu.memory_space<hbm>>) target(%dma_start3A_18 : memref<2048xf32, #tpu.memory_space<vmem>>) target_semaphore(%dma_start3A_16 : memref<!tpu.dma_semaphore, #tpu.memory_space<semaphore_mem>>)
    %dma_start3A_20 = arith.constant 0 : i32
    %dma_start3A_21 = arith.constant 0 : i32
    %dma_start3A_22 = tpu.memref_slice %arg11[%dma_start3A_21] : memref<4096xi32, #tpu.memory_space<vmem>> -> memref<2048xi32, #tpu.memory_space<vmem>>
    %dma_start3A_23 = tpu.memref_slice %arg5[%add3A_11] : memref<1600512xi32, #tpu.memory_space<hbm>> -> memref<2048xi32, #tpu.memory_space<hbm>>
    %dma_start3A_24 = tpu.memref_slice %arg16[%dma_start3A_20] : memref<2x!tpu.dma_semaphore, #tpu.memory_space<semaphore_mem>> -> memref<1x!tpu.dma_semaphore, #tpu.memory_space<semaphore_mem>>
    %dma_start3A_25 = tpu.memref_squeeze %dma_start3A_24 : memref<1x!tpu.dma_semaphore, #tpu.memory_space<semaphore_mem>> -> memref<!tpu.dma_semaphore, #tpu.memory_space<semaphore_mem>>
    %dma_start3A_26 = arith.constant 0 : i32
    %dma_start3A_27 = tpu.memref_slice %arg11[%dma_start3A_26] : memref<4096xi32, #tpu.memory_space<vmem>> -> memref<2048xi32, #tpu.memory_space<vmem>>
    %dma_start3A_28 = tpu.memref_slice %arg5[%add3A_11] : memref<1600512xi32, #tpu.memory_space<hbm>> -> memref<2048xi32, #tpu.memory_space<hbm>>
    tpu.enqueue_dma source(%dma_start3A_28 : memref<2048xi32, #tpu.memory_space<hbm>>) target(%dma_start3A_27 : memref<2048xi32, #tpu.memory_space<vmem>>) target_semaphore(%dma_start3A_25 : memref<!tpu.dma_semaphore, #tpu.memory_space<semaphore_mem>>)
    %dma_start3A_29 = arith.constant 0 : i32
    %dma_start3A_30 = arith.constant 0 : i32
    %dma_start3A_31 = tpu.memref_slice %arg12[%dma_start3A_30] : memref<4096xi32, #tpu.memory_space<vmem>> -> memref<2048xi32, #tpu.memory_space<vmem>>
    %dma_start3A_32 = tpu.memref_slice %arg6[%add3A_11] : memref<1600512xi32, #tpu.memory_space<hbm>> -> memref<2048xi32, #tpu.memory_space<hbm>>
    %dma_start3A_33 = tpu.memref_slice %arg16[%dma_start3A_29] : memref<2x!tpu.dma_semaphore, #tpu.memory_space<semaphore_mem>> -> memref<1x!tpu.dma_semaphore, #tpu.memory_space<semaphore_mem>>
    %dma_start3A_34 = tpu.memref_squeeze %dma_start3A_33 : memref<1x!tpu.dma_semaphore, #tpu.memory_space<semaphore_mem>> -> memref<!tpu.dma_semaphore, #tpu.memory_space<semaphore_mem>>
    %dma_start3A_35 = arith.constant 0 : i32
    %dma_start3A_36 = tpu.memref_slice %arg12[%dma_start3A_35] : memref<4096xi32, #tpu.memory_space<vmem>> -> memref<2048xi32, #tpu.memory_space<vmem>>
    %dma_start3A_37 = tpu.memref_slice %arg6[%add3A_11] : memref<1600512xi32, #tpu.memory_space<hbm>> -> memref<2048xi32, #tpu.memory_space<hbm>>
    tpu.enqueue_dma source(%dma_start3A_37 : memref<2048xi32, #tpu.memory_space<hbm>>) target(%dma_start3A_36 : memref<2048xi32, #tpu.memory_space<vmem>>) target_semaphore(%dma_start3A_34 : memref<!tpu.dma_semaphore, #tpu.memory_space<semaphore_mem>>)
    %scan3A_38 = arith.constant 0 : i32
    %scan3A_39 = arith.constant 24 : i32
    %scan3A_40 = arith.addi %scan3A_38, %scan3A_39 : i32
    %scan3A_41 = arith.constant 1 : i32
    scf.for %scan3A_351 = %scan3A_38 to %scan3A_40 step %scan3A_41  : i32 {
      %rem3A = arith.constant 2 : i32
      %rem3A_352 = arith.remsi %scan3A_351, %rem3A : i32
      %add3A_353 = arith.constant 1 : i32
      %add3A_354 = arith.addi %scan3A_351, %add3A_353 : i32
      %rem3A_355 = arith.constant 2 : i32
      %rem3A_356 = arith.remsi %add3A_354, %rem3A_355 : i32
      %gt3A = arith.constant 0 : i32
      %gt3A_357 = arith.cmpi sgt, %scan3A_351, %gt3A : i32
      %convert_element_type3A = arith.extui %gt3A_357 : i1 to i32
      %cond3A = arith.constant 0 : i32
      %cond3A_358 = arith.cmpi ne, %convert_element_type3A, %cond3A : i32
      scf.if %cond3A_358 {
        %mul3A_561 = arith.constant 2048 : i32
        %mul3A_562 = arith.muli %rem3A_356, %mul3A_561 : i32
        %add3A_563 = arith.constant 0 : i32
        %add3A_564 = arith.addi %mul3A_562, %add3A_563 : i32
        %add3A_565 = arith.constant 0 : i32
        %add3A_566 = arith.addi %mul3A_562, %add3A_565 : i32
        %dma_wait3A_567 = tpu.memref_slice %arg13[%add3A_564] : memref<4096xf32, #tpu.memory_space<vmem>> -> memref<128xf32, #tpu.memory_space<vmem>>
        %dma_wait3A_568 = tpu.memref_slice %arg11[%add3A_566] : memref<4096xi32, #tpu.memory_space<vmem>> -> memref<128xi32, #tpu.memory_space<vmem>>
        %dma_wait3A_569 = arith.constant 0 : i32
        %dma_wait3A_570 = tpu.memref_slice %arg15[%dma_wait3A_569] : memref<50176xf32, #tpu.memory_space<vmem_shared>> -> memref<50176xf32, #tpu.memory_space<vmem_shared>>
        %dma_wait3A_571 = tpu.memref_slice %arg17[%rem3A_356] : memref<2x!tpu.dma_semaphore, #tpu.memory_space<semaphore_mem>> -> memref<1x!tpu.dma_semaphore, #tpu.memory_space<semaphore_mem>>
        %dma_wait3A_572 = tpu.memref_squeeze %dma_wait3A_571 : memref<1x!tpu.dma_semaphore, #tpu.memory_space<semaphore_mem>> -> memref<!tpu.dma_semaphore, #tpu.memory_space<semaphore_mem>>
        tpu.wait_indirect_dma semaphore(%dma_wait3A_572 : memref<!tpu.dma_semaphore, #tpu.memory_space<semaphore_mem>>) src(%dma_wait3A_567 : memref<128xf32, #tpu.memory_space<vmem>>) dst(%dma_wait3A_570 : memref<50176xf32, #tpu.memory_space<vmem_shared>>)
        %add3A_573 = arith.constant 128 : i32
        %add3A_574 = arith.addi %mul3A_562, %add3A_573 : i32
        %add3A_575 = arith.constant 128 : i32
        %add3A_576 = arith.addi %mul3A_562, %add3A_575 : i32
        %dma_wait3A_577 = tpu.memref_slice %arg13[%add3A_574] : memref<4096xf32, #tpu.memory_space<vmem>> -> memref<128xf32, #tpu.memory_space<vmem>>
        %dma_wait3A_578 = tpu.memref_slice %arg11[%add3A_576] : memref<4096xi32, #tpu.memory_space<vmem>> -> memref<128xi32, #tpu.memory_space<vmem>>
        %dma_wait3A_579 = arith.constant 0 : i32
        %dma_wait3A_580 = tpu.memref_slice %arg15[%dma_wait3A_579] : memref<50176xf32, #tpu.memory_space<vmem_shared>> -> memref<50176xf32, #tpu.memory_space<vmem_shared>>
        %dma_wait3A_581 = tpu.memref_slice %arg17[%rem3A_356] : memref<2x!tpu.dma_semaphore, #tpu.memory_space<semaphore_mem>> -> memref<1x!tpu.dma_semaphore, #tpu.memory_space<semaphore_mem>>
        %dma_wait3A_582 = tpu.memref_squeeze %dma_wait3A_581 : memref<1x!tpu.dma_semaphore, #tpu.memory_space<semaphore_mem>> -> memref<!tpu.dma_semaphore, #tpu.memory_space<semaphore_mem>>
        tpu.wait_indirect_dma semaphore(%dma_wait3A_582 : memref<!tpu.dma_semaphore, #tpu.memory_space<semaphore_mem>>) src(%dma_wait3A_577 : memref<128xf32, #tpu.memory_space<vmem>>) dst(%dma_wait3A_580 : memref<50176xf32, #tpu.memory_space<vmem_shared>>)
        %add3A_583 = arith.constant 256 : i32
        %add3A_584 = arith.addi %mul3A_562, %add3A_583 : i32
        %add3A_585 = arith.constant 256 : i32
        %add3A_586 = arith.addi %mul3A_562, %add3A_585 : i32
        %dma_wait3A_587 = tpu.memref_slice %arg13[%add3A_584] : memref<4096xf32, #tpu.memory_space<vmem>> -> memref<128xf32, #tpu.memory_space<vmem>>
        %dma_wait3A_588 = tpu.memref_slice %arg11[%add3A_586] : memref<4096xi32, #tpu.memory_space<vmem>> -> memref<128xi32, #tpu.memory_space<vmem>>
        %dma_wait3A_589 = arith.constant 0 : i32
        %dma_wait3A_590 = tpu.memref_slice %arg15[%dma_wait3A_589] : memref<50176xf32, #tpu.memory_space<vmem_shared>> -> memref<50176xf32, #tpu.memory_space<vmem_shared>>
        %dma_wait3A_591 = tpu.memref_slice %arg17[%rem3A_356] : memref<2x!tpu.dma_semaphore, #tpu.memory_space<semaphore_mem>> -> memref<1x!tpu.dma_semaphore, #tpu.memory_space<semaphore_mem>>
        %dma_wait3A_592 = tpu.memref_squeeze %dma_wait3A_591 : memref<1x!tpu.dma_semaphore, #tpu.memory_space<semaphore_mem>> -> memref<!tpu.dma_semaphore, #tpu.memory_space<semaphore_mem>>
        tpu.wait_indirect_dma semaphore(%dma_wait3A_592 : memref<!tpu.dma_semaphore, #tpu.memory_space<semaphore_mem>>) src(%dma_wait3A_587 : memref<128xf32, #tpu.memory_space<vmem>>) dst(%dma_wait3A_590 : memref<50176xf32, #tpu.memory_space<vmem_shared>>)
        %add3A_593 = arith.constant 384 : i32
        %add3A_594 = arith.addi %mul3A_562, %add3A_593 : i32
        %add3A_595 = arith.constant 384 : i32
        %add3A_596 = arith.addi %mul3A_562, %add3A_595 : i32
        %dma_wait3A_597 = tpu.memref_slice %arg13[%add3A_594] : memref<4096xf32, #tpu.memory_space<vmem>> -> memref<128xf32, #tpu.memory_space<vmem>>
        %dma_wait3A_598 = tpu.memref_slice %arg11[%add3A_596] : memref<4096xi32, #tpu.memory_space<vmem>> -> memref<128xi32, #tpu.memory_space<vmem>>
        %dma_wait3A_599 = arith.constant 0 : i32
        %dma_wait3A_600 = tpu.memref_slice %arg15[%dma_wait3A_599] : memref<50176xf32, #tpu.memory_space<vmem_shared>> -> memref<50176xf32, #tpu.memory_space<vmem_shared>>
        %dma_wait3A_601 = tpu.memref_slice %arg17[%rem3A_356] : memref<2x!tpu.dma_semaphore, #tpu.memory_space<semaphore_mem>> -> memref<1x!tpu.dma_semaphore, #tpu.memory_space<semaphore_mem>>
        %dma_wait3A_602 = tpu.memref_squeeze %dma_wait3A_601 : memref<1x!tpu.dma_semaphore, #tpu.memory_space<semaphore_mem>> -> memref<!tpu.dma_semaphore, #tpu.memory_space<semaphore_mem>>
        tpu.wait_indirect_dma semaphore(%dma_wait3A_602 : memref<!tpu.dma_semaphore, #tpu.memory_space<semaphore_mem>>) src(%dma_wait3A_597 : memref<128xf32, #tpu.memory_space<vmem>>) dst(%dma_wait3A_600 : memref<50176xf32, #tpu.memory_space<vmem_shared>>)
        %add3A_603 = arith.constant 512 : i32
        %add3A_604 = arith.addi %mul3A_562, %add3A_603 : i32
        %add3A_605 = arith.constant 512 : i32
        %add3A_606 = arith.addi %mul3A_562, %add3A_605 : i32
        %dma_wait3A_607 = tpu.memref_slice %arg13[%add3A_604] : memref<4096xf32, #tpu.memory_space<vmem>> -> memref<128xf32, #tpu.memory_space<vmem>>
        %dma_wait3A_608 = tpu.memref_slice %arg11[%add3A_606] : memref<4096xi32, #tpu.memory_space<vmem>> -> memref<128xi32, #tpu.memory_space<vmem>>
        %dma_wait3A_609 = arith.constant 0 : i32
        %dma_wait3A_610 = tpu.memref_slice %arg15[%dma_wait3A_609] : memref<50176xf32, #tpu.memory_space<vmem_shared>> -> memref<50176xf32, #tpu.memory_space<vmem_shared>>
        %dma_wait3A_611 = tpu.memref_slice %arg17[%rem3A_356] : memref<2x!tpu.dma_semaphore, #tpu.memory_space<semaphore_mem>> -> memref<1x!tpu.dma_semaphore, #tpu.memory_space<semaphore_mem>>
        %dma_wait3A_612 = tpu.memref_squeeze %dma_wait3A_611 : memref<1x!tpu.dma_semaphore, #tpu.memory_space<semaphore_mem>> -> memref<!tpu.dma_semaphore, #tpu.memory_space<semaphore_mem>>
        tpu.wait_indirect_dma semaphore(%dma_wait3A_612 : memref<!tpu.dma_semaphore, #tpu.memory_space<semaphore_mem>>) src(%dma_wait3A_607 : memref<128xf32, #tpu.memory_space<vmem>>) dst(%dma_wait3A_610 : memref<50176xf32, #tpu.memory_space<vmem_shared>>)
        %add3A_613 = arith.constant 640 : i32
        %add3A_614 = arith.addi %mul3A_562, %add3A_613 : i32
        %add3A_615 = arith.constant 640 : i32
        %add3A_616 = arith.addi %mul3A_562, %add3A_615 : i32
        %dma_wait3A_617 = tpu.memref_slice %arg13[%add3A_614] : memref<4096xf32, #tpu.memory_space<vmem>> -> memref<128xf32, #tpu.memory_space<vmem>>
        %dma_wait3A_618 = tpu.memref_slice %arg11[%add3A_616] : memref<4096xi32, #tpu.memory_space<vmem>> -> memref<128xi32, #tpu.memory_space<vmem>>
        %dma_wait3A_619 = arith.constant 0 : i32
        %dma_wait3A_620 = tpu.memref_slice %arg15[%dma_wait3A_619] : memref<50176xf32, #tpu.memory_space<vmem_shared>> -> memref<50176xf32, #tpu.memory_space<vmem_shared>>
        %dma_wait3A_621 = tpu.memref_slice %arg17[%rem3A_356] : memref<2x!tpu.dma_semaphore, #tpu.memory_space<semaphore_mem>> -> memref<1x!tpu.dma_semaphore, #tpu.memory_space<semaphore_mem>>
        %dma_wait3A_622 = tpu.memref_squeeze %dma_wait3A_621 : memref<1x!tpu.dma_semaphore, #tpu.memory_space<semaphore_mem>> -> memref<!tpu.dma_semaphore, #tpu.memory_space<semaphore_mem>>
        tpu.wait_indirect_dma semaphore(%dma_wait3A_622 : memref<!tpu.dma_semaphore, #tpu.memory_space<semaphore_mem>>) src(%dma_wait3A_617 : memref<128xf32, #tpu.memory_space<vmem>>) dst(%dma_wait3A_620 : memref<50176xf32, #tpu.memory_space<vmem_shared>>)
        %add3A_623 = arith.constant 768 : i32
        %add3A_624 = arith.addi %mul3A_562, %add3A_623 : i32
        %add3A_625 = arith.constant 768 : i32
        %add3A_626 = arith.addi %mul3A_562, %add3A_625 : i32
        %dma_wait3A_627 = tpu.memref_slice %arg13[%add3A_624] : memref<4096xf32, #tpu.memory_space<vmem>> -> memref<128xf32, #tpu.memory_space<vmem>>
        %dma_wait3A_628 = tpu.memref_slice %arg11[%add3A_626] : memref<4096xi32, #tpu.memory_space<vmem>> -> memref<128xi32, #tpu.memory_space<vmem>>
        %dma_wait3A_629 = arith.constant 0 : i32
        %dma_wait3A_630 = tpu.memref_slice %arg15[%dma_wait3A_629] : memref<50176xf32, #tpu.memory_space<vmem_shared>> -> memref<50176xf32, #tpu.memory_space<vmem_shared>>
        %dma_wait3A_631 = tpu.memref_slice %arg17[%rem3A_356] : memref<2x!tpu.dma_semaphore, #tpu.memory_space<semaphore_mem>> -> memref<1x!tpu.dma_semaphore, #tpu.memory_space<semaphore_mem>>
        %dma_wait3A_632 = tpu.memref_squeeze %dma_wait3A_631 : memref<1x!tpu.dma_semaphore, #tpu.memory_space<semaphore_mem>> -> memref<!tpu.dma_semaphore, #tpu.memory_space<semaphore_mem>>
        tpu.wait_indirect_dma semaphore(%dma_wait3A_632 : memref<!tpu.dma_semaphore, #tpu.memory_space<semaphore_mem>>) src(%dma_wait3A_627 : memref<128xf32, #tpu.memory_space<vmem>>) dst(%dma_wait3A_630 : memref<50176xf32, #tpu.memory_space<vmem_shared>>)
        %add3A_633 = arith.constant 896 : i32
        %add3A_634 = arith.addi %mul3A_562, %add3A_633 : i32
        %add3A_635 = arith.constant 896 : i32
        %add3A_636 = arith.addi %mul3A_562, %add3A_635 : i32
        %dma_wait3A_637 = tpu.memref_slice %arg13[%add3A_634] : memref<4096xf32, #tpu.memory_space<vmem>> -> memref<128xf32, #tpu.memory_space<vmem>>
        %dma_wait3A_638 = tpu.memref_slice %arg11[%add3A_636] : memref<4096xi32, #tpu.memory_space<vmem>> -> memref<128xi32, #tpu.memory_space<vmem>>
        %dma_wait3A_639 = arith.constant 0 : i32
        %dma_wait3A_640 = tpu.memref_slice %arg15[%dma_wait3A_639] : memref<50176xf32, #tpu.memory_space<vmem_shared>> -> memref<50176xf32, #tpu.memory_space<vmem_shared>>
        %dma_wait3A_641 = tpu.memref_slice %arg17[%rem3A_356] : memref<2x!tpu.dma_semaphore, #tpu.memory_space<semaphore_mem>> -> memref<1x!tpu.dma_semaphore, #tpu.memory_space<semaphore_mem>>
        %dma_wait3A_642 = tpu.memref_squeeze %dma_wait3A_641 : memref<1x!tpu.dma_semaphore, #tpu.memory_space<semaphore_mem>> -> memref<!tpu.dma_semaphore, #tpu.memory_space<semaphore_mem>>
        tpu.wait_indirect_dma semaphore(%dma_wait3A_642 : memref<!tpu.dma_semaphore, #tpu.memory_space<semaphore_mem>>) src(%dma_wait3A_637 : memref<128xf32, #tpu.memory_space<vmem>>) dst(%dma_wait3A_640 : memref<50176xf32, #tpu.memory_space<vmem_shared>>)
        %add3A_643 = arith.constant 1024 : i32
        %add3A_644 = arith.addi %mul3A_562, %add3A_643 : i32
        %add3A_645 = arith.constant 1024 : i32
        %add3A_646 = arith.addi %mul3A_562, %add3A_645 : i32
        %dma_wait3A_647 = tpu.memref_slice %arg13[%add3A_644] : memref<4096xf32, #tpu.memory_space<vmem>> -> memref<128xf32, #tpu.memory_space<vmem>>
        %dma_wait3A_648 = tpu.memref_slice %arg11[%add3A_646] : memref<4096xi32, #tpu.memory_space<vmem>> -> memref<128xi32, #tpu.memory_space<vmem>>
        %dma_wait3A_649 = arith.constant 0 : i32
        %dma_wait3A_650 = tpu.memref_slice %arg15[%dma_wait3A_649] : memref<50176xf32, #tpu.memory_space<vmem_shared>> -> memref<50176xf32, #tpu.memory_space<vmem_shared>>
        %dma_wait3A_651 = tpu.memref_slice %arg17[%rem3A_356] : memref<2x!tpu.dma_semaphore, #tpu.memory_space<semaphore_mem>> -> memref<1x!tpu.dma_semaphore, #tpu.memory_space<semaphore_mem>>
        %dma_wait3A_652 = tpu.memref_squeeze %dma_wait3A_651 : memref<1x!tpu.dma_semaphore, #tpu.memory_space<semaphore_mem>> -> memref<!tpu.dma_semaphore, #tpu.memory_space<semaphore_mem>>
        tpu.wait_indirect_dma semaphore(%dma_wait3A_652 : memref<!tpu.dma_semaphore, #tpu.memory_space<semaphore_mem>>) src(%dma_wait3A_647 : memref<128xf32, #tpu.memory_space<vmem>>) dst(%dma_wait3A_650 : memref<50176xf32, #tpu.memory_space<vmem_shared>>)
        %add3A_653 = arith.constant 1152 : i32
        %add3A_654 = arith.addi %mul3A_562, %add3A_653 : i32
        %add3A_655 = arith.constant 1152 : i32
        %add3A_656 = arith.addi %mul3A_562, %add3A_655 : i32
        %dma_wait3A_657 = tpu.memref_slice %arg13[%add3A_654] : memref<4096xf32, #tpu.memory_space<vmem>> -> memref<128xf32, #tpu.memory_space<vmem>>
        %dma_wait3A_658 = tpu.memref_slice %arg11[%add3A_656] : memref<4096xi32, #tpu.memory_space<vmem>> -> memref<128xi32, #tpu.memory_space<vmem>>
        %dma_wait3A_659 = arith.constant 0 : i32
        %dma_wait3A_660 = tpu.memref_slice %arg15[%dma_wait3A_659] : memref<50176xf32, #tpu.memory_space<vmem_shared>> -> memref<50176xf32, #tpu.memory_space<vmem_shared>>
        %dma_wait3A_661 = tpu.memref_slice %arg17[%rem3A_356] : memref<2x!tpu.dma_semaphore, #tpu.memory_space<semaphore_mem>> -> memref<1x!tpu.dma_semaphore, #tpu.memory_space<semaphore_mem>>
        %dma_wait3A_662 = tpu.memref_squeeze %dma_wait3A_661 : memref<1x!tpu.dma_semaphore, #tpu.memory_space<semaphore_mem>> -> memref<!tpu.dma_semaphore, #tpu.memory_space<semaphore_mem>>
        tpu.wait_indirect_dma semaphore(%dma_wait3A_662 : memref<!tpu.dma_semaphore, #tpu.memory_space<semaphore_mem>>) src(%dma_wait3A_657 : memref<128xf32, #tpu.memory_space<vmem>>) dst(%dma_wait3A_660 : memref<50176xf32, #tpu.memory_space<vmem_shared>>)
        %add3A_663 = arith.constant 1280 : i32
        %add3A_664 = arith.addi %mul3A_562, %add3A_663 : i32
        %add3A_665 = arith.constant 1280 : i32
        %add3A_666 = arith.addi %mul3A_562, %add3A_665 : i32
        %dma_wait3A_667 = tpu.memref_slice %arg13[%add3A_664] : memref<4096xf32, #tpu.memory_space<vmem>> -> memref<128xf32, #tpu.memory_space<vmem>>
        %dma_wait3A_668 = tpu.memref_slice %arg11[%add3A_666] : memref<4096xi32, #tpu.memory_space<vmem>> -> memref<128xi32, #tpu.memory_space<vmem>>
        %dma_wait3A_669 = arith.constant 0 : i32
        %dma_wait3A_670 = tpu.memref_slice %arg15[%dma_wait3A_669] : memref<50176xf32, #tpu.memory_space<vmem_shared>> -> memref<50176xf32, #tpu.memory_space<vmem_shared>>
        %dma_wait3A_671 = tpu.memref_slice %arg17[%rem3A_356] : memref<2x!tpu.dma_semaphore, #tpu.memory_space<semaphore_mem>> -> memref<1x!tpu.dma_semaphore, #tpu.memory_space<semaphore_mem>>
        %dma_wait3A_672 = tpu.memref_squeeze %dma_wait3A_671 : memref<1x!tpu.dma_semaphore, #tpu.memory_space<semaphore_mem>> -> memref<!tpu.dma_semaphore, #tpu.memory_space<semaphore_mem>>
        tpu.wait_indirect_dma semaphore(%dma_wait3A_672 : memref<!tpu.dma_semaphore, #tpu.memory_space<semaphore_mem>>) src(%dma_wait3A_667 : memref<128xf32, #tpu.memory_space<vmem>>) dst(%dma_wait3A_670 : memref<50176xf32, #tpu.memory_space<vmem_shared>>)
        %add3A_673 = arith.constant 1408 : i32
        %add3A_674 = arith.addi %mul3A_562, %add3A_673 : i32
        %add3A_675 = arith.constant 1408 : i32
        %add3A_676 = arith.addi %mul3A_562, %add3A_675 : i32
        %dma_wait3A_677 = tpu.memref_slice %arg13[%add3A_674] : memref<4096xf32, #tpu.memory_space<vmem>> -> memref<128xf32, #tpu.memory_space<vmem>>
        %dma_wait3A_678 = tpu.memref_slice %arg11[%add3A_676] : memref<4096xi32, #tpu.memory_space<vmem>> -> memref<128xi32, #tpu.memory_space<vmem>>
        %dma_wait3A_679 = arith.constant 0 : i32
        %dma_wait3A_680 = tpu.memref_slice %arg15[%dma_wait3A_679] : memref<50176xf32, #tpu.memory_space<vmem_shared>> -> memref<50176xf32, #tpu.memory_space<vmem_shared>>
        %dma_wait3A_681 = tpu.memref_slice %arg17[%rem3A_356] : memref<2x!tpu.dma_semaphore, #tpu.memory_space<semaphore_mem>> -> memref<1x!tpu.dma_semaphore, #tpu.memory_space<semaphore_mem>>
        %dma_wait3A_682 = tpu.memref_squeeze %dma_wait3A_681 : memref<1x!tpu.dma_semaphore, #tpu.memory_space<semaphore_mem>> -> memref<!tpu.dma_semaphore, #tpu.memory_space<semaphore_mem>>
        tpu.wait_indirect_dma semaphore(%dma_wait3A_682 : memref<!tpu.dma_semaphore, #tpu.memory_space<semaphore_mem>>) src(%dma_wait3A_677 : memref<128xf32, #tpu.memory_space<vmem>>) dst(%dma_wait3A_680 : memref<50176xf32, #tpu.memory_space<vmem_shared>>)
        %add3A_683 = arith.constant 1536 : i32
        %add3A_684 = arith.addi %mul3A_562, %add3A_683 : i32
        %add3A_685 = arith.constant 1536 : i32
        %add3A_686 = arith.addi %mul3A_562, %add3A_685 : i32
        %dma_wait3A_687 = tpu.memref_slice %arg13[%add3A_684] : memref<4096xf32, #tpu.memory_space<vmem>> -> memref<128xf32, #tpu.memory_space<vmem>>
        %dma_wait3A_688 = tpu.memref_slice %arg11[%add3A_686] : memref<4096xi32, #tpu.memory_space<vmem>> -> memref<128xi32, #tpu.memory_space<vmem>>
        %dma_wait3A_689 = arith.constant 0 : i32
        %dma_wait3A_690 = tpu.memref_slice %arg15[%dma_wait3A_689] : memref<50176xf32, #tpu.memory_space<vmem_shared>> -> memref<50176xf32, #tpu.memory_space<vmem_shared>>
        %dma_wait3A_691 = tpu.memref_slice %arg17[%rem3A_356] : memref<2x!tpu.dma_semaphore, #tpu.memory_space<semaphore_mem>> -> memref<1x!tpu.dma_semaphore, #tpu.memory_space<semaphore_mem>>
        %dma_wait3A_692 = tpu.memref_squeeze %dma_wait3A_691 : memref<1x!tpu.dma_semaphore, #tpu.memory_space<semaphore_mem>> -> memref<!tpu.dma_semaphore, #tpu.memory_space<semaphore_mem>>
        tpu.wait_indirect_dma semaphore(%dma_wait3A_692 : memref<!tpu.dma_semaphore, #tpu.memory_space<semaphore_mem>>) src(%dma_wait3A_687 : memref<128xf32, #tpu.memory_space<vmem>>) dst(%dma_wait3A_690 : memref<50176xf32, #tpu.memory_space<vmem_shared>>)
        %add3A_693 = arith.constant 1664 : i32
        %add3A_694 = arith.addi %mul3A_562, %add3A_693 : i32
        %add3A_695 = arith.constant 1664 : i32
        %add3A_696 = arith.addi %mul3A_562, %add3A_695 : i32
        %dma_wait3A_697 = tpu.memref_slice %arg13[%add3A_694] : memref<4096xf32, #tpu.memory_space<vmem>> -> memref<128xf32, #tpu.memory_space<vmem>>
        %dma_wait3A_698 = tpu.memref_slice %arg11[%add3A_696] : memref<4096xi32, #tpu.memory_space<vmem>> -> memref<128xi32, #tpu.memory_space<vmem>>
        %dma_wait3A_699 = arith.constant 0 : i32
        %dma_wait3A_700 = tpu.memref_slice %arg15[%dma_wait3A_699] : memref<50176xf32, #tpu.memory_space<vmem_shared>> -> memref<50176xf32, #tpu.memory_space<vmem_shared>>
        %dma_wait3A_701 = tpu.memref_slice %arg17[%rem3A_356] : memref<2x!tpu.dma_semaphore, #tpu.memory_space<semaphore_mem>> -> memref<1x!tpu.dma_semaphore, #tpu.memory_space<semaphore_mem>>
        %dma_wait3A_702 = tpu.memref_squeeze %dma_wait3A_701 : memref<1x!tpu.dma_semaphore, #tpu.memory_space<semaphore_mem>> -> memref<!tpu.dma_semaphore, #tpu.memory_space<semaphore_mem>>
        tpu.wait_indirect_dma semaphore(%dma_wait3A_702 : memref<!tpu.dma_semaphore, #tpu.memory_space<semaphore_mem>>) src(%dma_wait3A_697 : memref<128xf32, #tpu.memory_space<vmem>>) dst(%dma_wait3A_700 : memref<50176xf32, #tpu.memory_space<vmem_shared>>)
        %add3A_703 = arith.constant 1792 : i32
        %add3A_704 = arith.addi %mul3A_562, %add3A_703 : i32
        %add3A_705 = arith.constant 1792 : i32
        %add3A_706 = arith.addi %mul3A_562, %add3A_705 : i32
        %dma_wait3A_707 = tpu.memref_slice %arg13[%add3A_704] : memref<4096xf32, #tpu.memory_space<vmem>> -> memref<128xf32, #tpu.memory_space<vmem>>
        %dma_wait3A_708 = tpu.memref_slice %arg11[%add3A_706] : memref<4096xi32, #tpu.memory_space<vmem>> -> memref<128xi32, #tpu.memory_space<vmem>>
        %dma_wait3A_709 = arith.constant 0 : i32
        %dma_wait3A_710 = tpu.memref_slice %arg15[%dma_wait3A_709] : memref<50176xf32, #tpu.memory_space<vmem_shared>> -> memref<50176xf32, #tpu.memory_space<vmem_shared>>
        %dma_wait3A_711 = tpu.memref_slice %arg17[%rem3A_356] : memref<2x!tpu.dma_semaphore, #tpu.memory_space<semaphore_mem>> -> memref<1x!tpu.dma_semaphore, #tpu.memory_space<semaphore_mem>>
        %dma_wait3A_712 = tpu.memref_squeeze %dma_wait3A_711 : memref<1x!tpu.dma_semaphore, #tpu.memory_space<semaphore_mem>> -> memref<!tpu.dma_semaphore, #tpu.memory_space<semaphore_mem>>
        tpu.wait_indirect_dma semaphore(%dma_wait3A_712 : memref<!tpu.dma_semaphore, #tpu.memory_space<semaphore_mem>>) src(%dma_wait3A_707 : memref<128xf32, #tpu.memory_space<vmem>>) dst(%dma_wait3A_710 : memref<50176xf32, #tpu.memory_space<vmem_shared>>)
        %add3A_713 = arith.constant 1920 : i32
        %add3A_714 = arith.addi %mul3A_562, %add3A_713 : i32
        %add3A_715 = arith.constant 1920 : i32
        %add3A_716 = arith.addi %mul3A_562, %add3A_715 : i32
        %dma_wait3A_717 = tpu.memref_slice %arg13[%add3A_714] : memref<4096xf32, #tpu.memory_space<vmem>> -> memref<128xf32, #tpu.memory_space<vmem>>
        %dma_wait3A_718 = tpu.memref_slice %arg11[%add3A_716] : memref<4096xi32, #tpu.memory_space<vmem>> -> memref<128xi32, #tpu.memory_space<vmem>>
        %dma_wait3A_719 = arith.constant 0 : i32
        %dma_wait3A_720 = tpu.memref_slice %arg15[%dma_wait3A_719] : memref<50176xf32, #tpu.memory_space<vmem_shared>> -> memref<50176xf32, #tpu.memory_space<vmem_shared>>
        %dma_wait3A_721 = tpu.memref_slice %arg17[%rem3A_356] : memref<2x!tpu.dma_semaphore, #tpu.memory_space<semaphore_mem>> -> memref<1x!tpu.dma_semaphore, #tpu.memory_space<semaphore_mem>>
        %dma_wait3A_722 = tpu.memref_squeeze %dma_wait3A_721 : memref<1x!tpu.dma_semaphore, #tpu.memory_space<semaphore_mem>> -> memref<!tpu.dma_semaphore, #tpu.memory_space<semaphore_mem>>
        tpu.wait_indirect_dma semaphore(%dma_wait3A_722 : memref<!tpu.dma_semaphore, #tpu.memory_space<semaphore_mem>>) src(%dma_wait3A_717 : memref<128xf32, #tpu.memory_space<vmem>>) dst(%dma_wait3A_720 : memref<50176xf32, #tpu.memory_space<vmem_shared>>)
      } else {
      }
      %add3A_359 = arith.constant 1 : i32
      %add3A_360 = arith.addi %scan3A_351, %add3A_359 : i32
      %lt3A = arith.constant 24 : i32
      %lt3A_361 = arith.cmpi slt, %add3A_360, %lt3A : i32
      %convert_element_type3A_362 = arith.extui %lt3A_361 : i1 to i32
      %cond3A_363 = arith.constant 0 : i32
      %cond3A_364 = arith.cmpi ne, %convert_element_type3A_362, %cond3A_363 : i32
      scf.if %cond3A_364 {
        %add3A_561 = arith.constant 1 : i32
        %add3A_562 = arith.addi %scan3A_351, %add3A_561 : i32
        %mul3A_563 = arith.constant 2048 : i32
        %mul3A_564 = arith.muli %add3A_562, %mul3A_563 : i32
        %add3A_565 = arith.addi %mul3A_2, %mul3A_564 : i32
        %mul3A_566 = arith.constant 2048 : i32
        %mul3A_567 = arith.muli %rem3A_356, %mul3A_566 : i32
        %dma_start3A_568 = tpu.memref_slice %arg10[%mul3A_567] : memref<4096xf32, #tpu.memory_space<vmem>> -> memref<2048xf32, #tpu.memory_space<vmem>>
        %dma_start3A_569 = tpu.memref_slice %arg4[%add3A_565] : memref<1600512xf32, #tpu.memory_space<hbm>> -> memref<2048xf32, #tpu.memory_space<hbm>>
        %dma_start3A_570 = tpu.memref_slice %arg16[%rem3A_356] : memref<2x!tpu.dma_semaphore, #tpu.memory_space<semaphore_mem>> -> memref<1x!tpu.dma_semaphore, #tpu.memory_space<semaphore_mem>>
        %dma_start3A_571 = tpu.memref_squeeze %dma_start3A_570 : memref<1x!tpu.dma_semaphore, #tpu.memory_space<semaphore_mem>> -> memref<!tpu.dma_semaphore, #tpu.memory_space<semaphore_mem>>
        %dma_start3A_572 = tpu.memref_slice %arg10[%mul3A_567] : memref<4096xf32, #tpu.memory_space<vmem>> -> memref<2048xf32, #tpu.memory_space<vmem>>
        %dma_start3A_573 = tpu.memref_slice %arg4[%add3A_565] : memref<1600512xf32, #tpu.memory_space<hbm>> -> memref<2048xf32, #tpu.memory_space<hbm>>
        tpu.enqueue_dma source(%dma_start3A_573 : memref<2048xf32, #tpu.memory_space<hbm>>) target(%dma_start3A_572 : memref<2048xf32, #tpu.memory_space<vmem>>) target_semaphore(%dma_start3A_571 : memref<!tpu.dma_semaphore, #tpu.memory_space<semaphore_mem>>)
        %dma_start3A_574 = tpu.memref_slice %arg11[%mul3A_567] : memref<4096xi32, #tpu.memory_space<vmem>> -> memref<2048xi32, #tpu.memory_space<vmem>>
        %dma_start3A_575 = tpu.memref_slice %arg5[%add3A_565] : memref<1600512xi32, #tpu.memory_space<hbm>> -> memref<2048xi32, #tpu.memory_space<hbm>>
        %dma_start3A_576 = tpu.memref_slice %arg16[%rem3A_356] : memref<2x!tpu.dma_semaphore, #tpu.memory_space<semaphore_mem>> -> memref<1x!tpu.dma_semaphore, #tpu.memory_space<semaphore_mem>>
        %dma_start3A_577 = tpu.memref_squeeze %dma_start3A_576 : memref<1x!tpu.dma_semaphore, #tpu.memory_space<semaphore_mem>> -> memref<!tpu.dma_semaphore, #tpu.memory_space<semaphore_mem>>
        %dma_start3A_578 = tpu.memref_slice %arg11[%mul3A_567] : memref<4096xi32, #tpu.memory_space<vmem>> -> memref<2048xi32, #tpu.memory_space<vmem>>
        %dma_start3A_579 = tpu.memref_slice %arg5[%add3A_565] : memref<1600512xi32, #tpu.memory_space<hbm>> -> memref<2048xi32, #tpu.memory_space<hbm>>
        tpu.enqueue_dma source(%dma_start3A_579 : memref<2048xi32, #tpu.memory_space<hbm>>) target(%dma_start3A_578 : memref<2048xi32, #tpu.memory_space<vmem>>) target_semaphore(%dma_start3A_577 : memref<!tpu.dma_semaphore, #tpu.memory_space<semaphore_mem>>)
        %dma_start3A_580 = tpu.memref_slice %arg12[%mul3A_567] : memref<4096xi32, #tpu.memory_space<vmem>> -> memref<2048xi32, #tpu.memory_space<vmem>>
        %dma_start3A_581 = tpu.memref_slice %arg6[%add3A_565] : memref<1600512xi32, #tpu.memory_space<hbm>> -> memref<2048xi32, #tpu.memory_space<hbm>>
        %dma_start3A_582 = tpu.memref_slice %arg16[%rem3A_356] : memref<2x!tpu.dma_semaphore, #tpu.memory_space<semaphore_mem>> -> memref<1x!tpu.dma_semaphore, #tpu.memory_space<semaphore_mem>>
        %dma_start3A_583 = tpu.memref_squeeze %dma_start3A_582 : memref<1x!tpu.dma_semaphore, #tpu.memory_space<semaphore_mem>> -> memref<!tpu.dma_semaphore, #tpu.memory_space<semaphore_mem>>
        %dma_start3A_584 = tpu.memref_slice %arg12[%mul3A_567] : memref<4096xi32, #tpu.memory_space<vmem>> -> memref<2048xi32, #tpu.memory_space<vmem>>
        %dma_start3A_585 = tpu.memref_slice %arg6[%add3A_565] : memref<1600512xi32, #tpu.memory_space<hbm>> -> memref<2048xi32, #tpu.memory_space<hbm>>
        tpu.enqueue_dma source(%dma_start3A_585 : memref<2048xi32, #tpu.memory_space<hbm>>) target(%dma_start3A_584 : memref<2048xi32, #tpu.memory_space<vmem>>) target_semaphore(%dma_start3A_583 : memref<!tpu.dma_semaphore, #tpu.memory_space<semaphore_mem>>)
      } else {
      }
      %add3A_365 = arith.constant 1 : i32
      %add3A_366 = arith.addi %scan3A_351, %add3A_365 : i32
      %eq3A = arith.constant 24 : i32
      %eq3A_367 = arith.cmpi eq, %add3A_366, %eq3A : i32
      %convert_element_type3A_368 = arith.extui %eq3A_367 : i1 to i32
      %cond3A_369 = arith.constant 0 : i32
      %cond3A_370 = arith.cmpi ne, %convert_element_type3A_368, %cond3A_369 : i32
      scf.if %cond3A_370 {
        %add3A_561 = arith.constant 49152 : i32
        %add3A_562 = arith.addi %mul3A_2, %add3A_561 : i32
        %mul3A_563 = arith.constant 2048 : i32
        %mul3A_564 = arith.muli %rem3A_356, %mul3A_563 : i32
        %dma_start3A_565 = tpu.memref_slice %arg10[%mul3A_564] : memref<4096xf32, #tpu.memory_space<vmem>> -> memref<864xf32, #tpu.memory_space<vmem>>
        %dma_start3A_566 = tpu.memref_slice %arg4[%add3A_562] : memref<1600512xf32, #tpu.memory_space<hbm>> -> memref<864xf32, #tpu.memory_space<hbm>>
        %dma_start3A_567 = tpu.memref_slice %arg16[%rem3A_356] : memref<2x!tpu.dma_semaphore, #tpu.memory_space<semaphore_mem>> -> memref<1x!tpu.dma_semaphore, #tpu.memory_space<semaphore_mem>>
        %dma_start3A_568 = tpu.memref_squeeze %dma_start3A_567 : memref<1x!tpu.dma_semaphore, #tpu.memory_space<semaphore_mem>> -> memref<!tpu.dma_semaphore, #tpu.memory_space<semaphore_mem>>
        %dma_start3A_569 = tpu.memref_slice %arg10[%mul3A_564] : memref<4096xf32, #tpu.memory_space<vmem>> -> memref<864xf32, #tpu.memory_space<vmem>>
        %dma_start3A_570 = tpu.memref_slice %arg4[%add3A_562] : memref<1600512xf32, #tpu.memory_space<hbm>> -> memref<864xf32, #tpu.memory_space<hbm>>
        tpu.enqueue_dma source(%dma_start3A_570 : memref<864xf32, #tpu.memory_space<hbm>>) target(%dma_start3A_569 : memref<864xf32, #tpu.memory_space<vmem>>) target_semaphore(%dma_start3A_568 : memref<!tpu.dma_semaphore, #tpu.memory_space<semaphore_mem>>)
        %dma_start3A_571 = tpu.memref_slice %arg11[%mul3A_564] : memref<4096xi32, #tpu.memory_space<vmem>> -> memref<864xi32, #tpu.memory_space<vmem>>
        %dma_start3A_572 = tpu.memref_slice %arg5[%add3A_562] : memref<1600512xi32, #tpu.memory_space<hbm>> -> memref<864xi32, #tpu.memory_space<hbm>>
        %dma_start3A_573 = tpu.memref_slice %arg16[%rem3A_356] : memref<2x!tpu.dma_semaphore, #tpu.memory_space<semaphore_mem>> -> memref<1x!tpu.dma_semaphore, #tpu.memory_space<semaphore_mem>>
        %dma_start3A_574 = tpu.memref_squeeze %dma_start3A_573 : memref<1x!tpu.dma_semaphore, #tpu.memory_space<semaphore_mem>> -> memref<!tpu.dma_semaphore, #tpu.memory_space<semaphore_mem>>
        %dma_start3A_575 = tpu.memref_slice %arg11[%mul3A_564] : memref<4096xi32, #tpu.memory_space<vmem>> -> memref<864xi32, #tpu.memory_space<vmem>>
        %dma_start3A_576 = tpu.memref_slice %arg5[%add3A_562] : memref<1600512xi32, #tpu.memory_space<hbm>> -> memref<864xi32, #tpu.memory_space<hbm>>
        tpu.enqueue_dma source(%dma_start3A_576 : memref<864xi32, #tpu.memory_space<hbm>>) target(%dma_start3A_575 : memref<864xi32, #tpu.memory_space<vmem>>) target_semaphore(%dma_start3A_574 : memref<!tpu.dma_semaphore, #tpu.memory_space<semaphore_mem>>)
        %dma_start3A_577 = tpu.memref_slice %arg12[%mul3A_564] : memref<4096xi32, #tpu.memory_space<vmem>> -> memref<864xi32, #tpu.memory_space<vmem>>
        %dma_start3A_578 = tpu.memref_slice %arg6[%add3A_562] : memref<1600512xi32, #tpu.memory_space<hbm>> -> memref<864xi32, #tpu.memory_space<hbm>>
        %dma_start3A_579 = tpu.memref_slice %arg16[%rem3A_356] : memref<2x!tpu.dma_semaphore, #tpu.memory_space<semaphore_mem>> -> memref<1x!tpu.dma_semaphore, #tpu.memory_space<semaphore_mem>>
        %dma_start3A_580 = tpu.memref_squeeze %dma_start3A_579 : memref<1x!tpu.dma_semaphore, #tpu.memory_space<semaphore_mem>> -> memref<!tpu.dma_semaphore, #tpu.memory_space<semaphore_mem>>
        %dma_start3A_581 = tpu.memref_slice %arg12[%mul3A_564] : memref<4096xi32, #tpu.memory_space<vmem>> -> memref<864xi32, #tpu.memory_space<vmem>>
        %dma_start3A_582 = tpu.memref_slice %arg6[%add3A_562] : memref<1600512xi32, #tpu.memory_space<hbm>> -> memref<864xi32, #tpu.memory_space<hbm>>
        tpu.enqueue_dma source(%dma_start3A_582 : memref<864xi32, #tpu.memory_space<hbm>>) target(%dma_start3A_581 : memref<864xi32, #tpu.memory_space<vmem>>) target_semaphore(%dma_start3A_580 : memref<!tpu.dma_semaphore, #tpu.memory_space<semaphore_mem>>)
      } else {
      }
      %mul3A_371 = arith.constant 2048 : i32
      %mul3A_372 = arith.muli %scan3A_351, %mul3A_371 : i32
      %add3A_373 = arith.addi %mul3A_2, %mul3A_372 : i32
      %mul3A_374 = arith.constant 2048 : i32
      %mul3A_375 = arith.muli %rem3A_352, %mul3A_374 : i32
      %dma_wait3A_376 = tpu.memref_slice %arg10[%mul3A_375] : memref<4096xf32, #tpu.memory_space<vmem>> -> memref<2048xf32, #tpu.memory_space<vmem>>
      %dma_wait3A_377 = tpu.memref_slice %arg4[%add3A_373] : memref<1600512xf32, #tpu.memory_space<hbm>> -> memref<2048xf32, #tpu.memory_space<hbm>>
      %dma_wait3A_378 = tpu.memref_slice %arg16[%rem3A_352] : memref<2x!tpu.dma_semaphore, #tpu.memory_space<semaphore_mem>> -> memref<1x!tpu.dma_semaphore, #tpu.memory_space<semaphore_mem>>
      %dma_wait3A_379 = tpu.memref_squeeze %dma_wait3A_378 : memref<1x!tpu.dma_semaphore, #tpu.memory_space<semaphore_mem>> -> memref<!tpu.dma_semaphore, #tpu.memory_space<semaphore_mem>>
      %dma_wait3A_380 = tpu.memref_slice %arg10[%mul3A_375] : memref<4096xf32, #tpu.memory_space<vmem>> -> memref<2048xf32, #tpu.memory_space<vmem>>
      %dma_wait3A_381 = tpu.memref_slice %arg4[%add3A_373] : memref<1600512xf32, #tpu.memory_space<hbm>> -> memref<2048xf32, #tpu.memory_space<hbm>>
      tpu.wait_dma2 semaphore(%dma_wait3A_379 : memref<!tpu.dma_semaphore, #tpu.memory_space<semaphore_mem>>) src(%dma_wait3A_381 : memref<2048xf32, #tpu.memory_space<hbm>>) dst(%dma_wait3A_380 : memref<2048xf32, #tpu.memory_space<vmem>>)
      %dma_wait3A_382 = tpu.memref_slice %arg11[%mul3A_375] : memref<4096xi32, #tpu.memory_space<vmem>> -> memref<2048xi32, #tpu.memory_space<vmem>>
      %dma_wait3A_383 = tpu.memref_slice %arg5[%add3A_373] : memref<1600512xi32, #tpu.memory_space<hbm>> -> memref<2048xi32, #tpu.memory_space<hbm>>
      %dma_wait3A_384 = tpu.memref_slice %arg16[%rem3A_352] : memref<2x!tpu.dma_semaphore, #tpu.memory_space<semaphore_mem>> -> memref<1x!tpu.dma_semaphore, #tpu.memory_space<semaphore_mem>>
      %dma_wait3A_385 = tpu.memref_squeeze %dma_wait3A_384 : memref<1x!tpu.dma_semaphore, #tpu.memory_space<semaphore_mem>> -> memref<!tpu.dma_semaphore, #tpu.memory_space<semaphore_mem>>
      %dma_wait3A_386 = tpu.memref_slice %arg11[%mul3A_375] : memref<4096xi32, #tpu.memory_space<vmem>> -> memref<2048xi32, #tpu.memory_space<vmem>>
      %dma_wait3A_387 = tpu.memref_slice %arg5[%add3A_373] : memref<1600512xi32, #tpu.memory_space<hbm>> -> memref<2048xi32, #tpu.memory_space<hbm>>
      tpu.wait_dma2 semaphore(%dma_wait3A_385 : memref<!tpu.dma_semaphore, #tpu.memory_space<semaphore_mem>>) src(%dma_wait3A_387 : memref<2048xi32, #tpu.memory_space<hbm>>) dst(%dma_wait3A_386 : memref<2048xi32, #tpu.memory_space<vmem>>)
      %dma_wait3A_388 = tpu.memref_slice %arg12[%mul3A_375] : memref<4096xi32, #tpu.memory_space<vmem>> -> memref<2048xi32, #tpu.memory_space<vmem>>
      %dma_wait3A_389 = tpu.memref_slice %arg6[%add3A_373] : memref<1600512xi32, #tpu.memory_space<hbm>> -> memref<2048xi32, #tpu.memory_space<hbm>>
      %dma_wait3A_390 = tpu.memref_slice %arg16[%rem3A_352] : memref<2x!tpu.dma_semaphore, #tpu.memory_space<semaphore_mem>> -> memref<1x!tpu.dma_semaphore, #tpu.memory_space<semaphore_mem>>
      %dma_wait3A_391 = tpu.memref_squeeze %dma_wait3A_390 : memref<1x!tpu.dma_semaphore, #tpu.memory_space<semaphore_mem>> -> memref<!tpu.dma_semaphore, #tpu.memory_space<semaphore_mem>>
      %dma_wait3A_392 = tpu.memref_slice %arg12[%mul3A_375] : memref<4096xi32, #tpu.memory_space<vmem>> -> memref<2048xi32, #tpu.memory_space<vmem>>
      %dma_wait3A_393 = tpu.memref_slice %arg6[%add3A_373] : memref<1600512xi32, #tpu.memory_space<hbm>> -> memref<2048xi32, #tpu.memory_space<hbm>>
      tpu.wait_dma2 semaphore(%dma_wait3A_391 : memref<!tpu.dma_semaphore, #tpu.memory_space<semaphore_mem>>) src(%dma_wait3A_393 : memref<2048xi32, #tpu.memory_space<hbm>>) dst(%dma_wait3A_392 : memref<2048xi32, #tpu.memory_space<vmem>>)
      %mul3A_394 = arith.constant 2048 : i32
      %mul3A_395 = arith.muli %rem3A_352, %mul3A_394 : i32
      %parallel_loop3A_396 = arith.constant 0 : i32
      %parallel_loop3A_397 = arith.constant 128 : i32
      %parallel_loop3A_398 = arith.constant 1 : i32
      scf.for %parallel_loop3A_561 = %parallel_loop3A_396 to %parallel_loop3A_397 step %parallel_loop3A_398  : i32 {
        %parallel_loop3A_562 = arith.constant 16 : i32
        %parallel_loop3A_563 = arith.muli %parallel_loop3A_561, %parallel_loop3A_562 : i32
        %parallel_loop3A_564 = arith.addi %mul3A_395, %parallel_loop3A_563 : i32
        %parallel_loop3A_565 = arith.index_cast %parallel_loop3A_564 : i32 to index
        %parallel_loop3A_566 = tpu.vector_load %arg11[%parallel_loop3A_565] {strides = array<i32>} : memref<4096xi32, #tpu.memory_space<vmem>>, vector<16xi32>,
        %parallel_loop3A_567 = arith.index_cast %parallel_loop3A_564 : i32 to index
        %parallel_loop3A_568 = tpu.vector_load %arg12[%parallel_loop3A_567] {strides = array<i32>} : memref<4096xi32, #tpu.memory_space<vmem>>, vector<16xi32>,
        %parallel_loop3A_569 = arith.index_cast %parallel_loop3A_564 : i32 to index
        %parallel_loop3A_570 = tpu.vector_load %arg10[%parallel_loop3A_569] {strides = array<i32>} : memref<4096xf32, #tpu.memory_space<vmem>>, vector<16xf32>,
        %parallel_loop3A_571 = tpu.vector_load_idx %arg8[%parallel_loop3A_566] : memref<50176xf32, #tpu.memory_space<vmem>>[vector<16xi32>], vector<16xf32>,
        %parallel_loop3A_572 = tpu.vector_load_idx %arg8[%parallel_loop3A_568] : memref<50176xf32, #tpu.memory_space<vmem>>[vector<16xi32>], vector<16xf32>,
        %parallel_loop3A_573 = arith.fptosi %parallel_loop3A_571 : vector<16xf32> to vector<16xi32>
        %parallel_loop3A_574 = tpu.vector_load_idx %arg9[%parallel_loop3A_573] : memref<64xf32, #tpu.memory_space<vmem>>[vector<16xi32>], vector<16xf32>,
        %parallel_loop3A_575 = arith.fptosi %parallel_loop3A_572 : vector<16xf32> to vector<16xi32>
        %parallel_loop3A_576 = tpu.vector_load_idx %arg9[%parallel_loop3A_575] : memref<64xf32, #tpu.memory_space<vmem>>[vector<16xi32>], vector<16xf32>,
        %parallel_loop3A_577 = arith.constant 5.000000e+00 : f32
        %parallel_loop3A_578 = vector.broadcast %parallel_loop3A_577 : f32 to vector<16xf32>
        %parallel_loop3A_579 = arith.subf %parallel_loop3A_578, %parallel_loop3A_570 : vector<16xf32>
        %parallel_loop3A_580 = arith.constant 0.666666686 : f32
        %parallel_loop3A_581 = vector.broadcast %parallel_loop3A_580 : f32 to vector<16xf32>
        %parallel_loop3A_582 = arith.mulf %parallel_loop3A_579, %parallel_loop3A_581 : vector<16xf32>
        %parallel_loop3A_583 = arith.constant 6.000000e+00 : f32
        %parallel_loop3A_584 = vector.broadcast %parallel_loop3A_583 : f32 to vector<16xf32>
        %parallel_loop3A_585 = arith.mulf %parallel_loop3A_584, %parallel_loop3A_582 : vector<16xf32>
        %parallel_loop3A_586 = arith.constant 1.500000e+01 : f32
        %parallel_loop3A_587 = vector.broadcast %parallel_loop3A_586 : f32 to vector<16xf32>
        %parallel_loop3A_588 = arith.subf %parallel_loop3A_585, %parallel_loop3A_587 : vector<16xf32>
        %parallel_loop3A_589 = arith.mulf %parallel_loop3A_588, %parallel_loop3A_582 : vector<16xf32>
        %parallel_loop3A_590 = arith.constant 1.000000e+01 : f32
        %parallel_loop3A_591 = vector.broadcast %parallel_loop3A_590 : f32 to vector<16xf32>
        %parallel_loop3A_592 = arith.addf %parallel_loop3A_589, %parallel_loop3A_591 : vector<16xf32>
        %parallel_loop3A_593 = arith.mulf %parallel_loop3A_592, %parallel_loop3A_582 : vector<16xf32>
        %parallel_loop3A_594 = arith.mulf %parallel_loop3A_593, %parallel_loop3A_582 : vector<16xf32>
        %parallel_loop3A_595 = arith.mulf %parallel_loop3A_594, %parallel_loop3A_582 : vector<16xf32>
        %parallel_loop3A_596 = arith.constant 3.500000e+00 : f32
        %parallel_loop3A_597 = vector.broadcast %parallel_loop3A_596 : f32 to vector<16xf32>
        %parallel_loop3A_598 = arith.cmpf olt, %parallel_loop3A_570, %parallel_loop3A_597 : vector<16xf32>
        %parallel_loop3A_599 = arith.constant 5.000000e+00 : f32
        %parallel_loop3A_600 = vector.broadcast %parallel_loop3A_599 : f32 to vector<16xf32>
        %parallel_loop3A_601 = arith.cmpf oge, %parallel_loop3A_570, %parallel_loop3A_600 : vector<16xf32>
        %parallel_loop3A_602 = arith.constant 0.000000e+00 : f32
        %parallel_loop3A_603 = vector.broadcast %parallel_loop3A_602 : f32 to vector<16xf32>
        %parallel_loop3A_604 = arith.select %parallel_loop3A_601, %parallel_loop3A_603, %parallel_loop3A_595 : vector<16xi1>, vector<16xf32>
        %parallel_loop3A_605 = arith.constant 1.000000e+00 : f32
        %parallel_loop3A_606 = vector.broadcast %parallel_loop3A_605 : f32 to vector<16xf32>
        %parallel_loop3A_607 = arith.select %parallel_loop3A_598, %parallel_loop3A_606, %parallel_loop3A_604 : vector<16xi1>, vector<16xf32>
        %parallel_loop3A_608 = arith.addf %parallel_loop3A_574, %parallel_loop3A_576 : vector<16xf32>
        %parallel_loop3A_609 = arith.mulf %parallel_loop3A_570, %parallel_loop3A_608 : vector<16xf32>
        %parallel_loop3A_610 = arith.constant -3.61395979 : f32
        %parallel_loop3A_611 = vector.broadcast %parallel_loop3A_610 : f32 to vector<16xf32>
        %parallel_loop3A_612 = arith.mulf %parallel_loop3A_611, %parallel_loop3A_609 : vector<16xf32>
        %parallel_loop3A_613 = math.exp %parallel_loop3A_612 : vector<16xf32>
        %parallel_loop3A_614 = arith.constant 0.0908749997 : f32
        %parallel_loop3A_615 = vector.broadcast %parallel_loop3A_614 : f32 to vector<16xf32>
        %parallel_loop3A_616 = arith.mulf %parallel_loop3A_615, %parallel_loop3A_613 : vector<16xf32>
        %parallel_loop3A_617 = arith.constant -1.06425345 : f32
        %parallel_loop3A_618 = vector.broadcast %parallel_loop3A_617 : f32 to vector<16xf32>
        %parallel_loop3A_619 = arith.mulf %parallel_loop3A_618, %parallel_loop3A_609 : vector<16xf32>
        %parallel_loop3A_620 = math.exp %parallel_loop3A_619 : vector<16xf32>
        %parallel_loop3A_621 = arith.constant 2.549300e-01 : f32
        %parallel_loop3A_622 = vector.broadcast %parallel_loop3A_621 : f32 to vector<16xf32>
        %parallel_loop3A_623 = arith.mulf %parallel_loop3A_622, %parallel_loop3A_620 : vector<16xf32>
        %parallel_loop3A_624 = arith.addf %parallel_loop3A_616, %parallel_loop3A_623 : vector<16xf32>
        %parallel_loop3A_625 = arith.constant -0.455048561 : f32
        %parallel_loop3A_626 = vector.broadcast %parallel_loop3A_625 : f32 to vector<16xf32>
        %parallel_loop3A_627 = arith.mulf %parallel_loop3A_626, %parallel_loop3A_609 : vector<16xf32>
        %parallel_loop3A_628 = math.exp %parallel_loop3A_627 : vector<16xf32>
        %parallel_loop3A_629 = arith.constant 1.401100e-01 : f32
        %parallel_loop3A_630 = vector.broadcast %parallel_loop3A_629 : f32 to vector<16xf32>
        %parallel_loop3A_631 = arith.mulf %parallel_loop3A_630, %parallel_loop3A_628 : vector<16xf32>
        %parallel_loop3A_632 = arith.addf %parallel_loop3A_624, %parallel_loop3A_631 : vector<16xf32>
        %parallel_loop3A_633 = arith.constant -0.227716282 : f32
        %parallel_loop3A_634 = vector.broadcast %parallel_loop3A_633 : f32 to vector<16xf32>
        %parallel_loop3A_635 = arith.mulf %parallel_loop3A_634, %parallel_loop3A_609 : vector<16xf32>
        %parallel_loop3A_636 = math.exp %parallel_loop3A_635 : vector<16xf32>
        %parallel_loop3A_637 = arith.constant 1.408500e-02 : f32
        %parallel_loop3A_638 = vector.broadcast %parallel_loop3A_637 : f32 to vector<16xf32>
        %parallel_loop3A_639 = arith.mulf %parallel_loop3A_638, %parallel_loop3A_636 : vector<16xf32>
        %parallel_loop3A_640 = arith.addf %parallel_loop3A_632, %parallel_loop3A_639 : vector<16xf32>
        %parallel_loop3A_641 = arith.mulf %parallel_loop3A_571, %parallel_loop3A_572 : vector<16xf32>
        %parallel_loop3A_642 = arith.mulf %parallel_loop3A_641, %parallel_loop3A_640 : vector<16xf32>
        %parallel_loop3A_643 = arith.mulf %parallel_loop3A_642, %parallel_loop3A_607 : vector<16xf32>
        %parallel_loop3A_644 = arith.divf %parallel_loop3A_643, %parallel_loop3A_570 : vector<16xf32>
        %parallel_loop3A_645 = arith.index_cast %parallel_loop3A_564 : i32 to index
        %parallel_loop3A_646 = tpu.vector_load %arg13[%parallel_loop3A_645] {strides = array<i32>} : memref<4096xf32, #tpu.memory_space<vmem>>, vector<16xf32>,
        tpu.vector_store %arg13[%parallel_loop3A_645], %parallel_loop3A_644 {strides = array<i32>} : memref<4096xf32, #tpu.memory_space<vmem>>, vector<16xf32>,
      } {sc.loop_unroll_factor = 8 : i64, sc.parallel_access}
      %mul3A_399 = arith.constant 2048 : i32
      %mul3A_400 = arith.muli %rem3A_352, %mul3A_399 : i32
      %add3A_401 = arith.constant 0 : i32
      %add3A_402 = arith.addi %mul3A_400, %add3A_401 : i32
      %add3A_403 = arith.constant 0 : i32
      %add3A_404 = arith.addi %mul3A_400, %add3A_403 : i32
      %dma_start3A_405 = tpu.memref_slice %arg13[%add3A_402] : memref<4096xf32, #tpu.memory_space<vmem>> -> memref<128xf32, #tpu.memory_space<vmem>>
      %dma_start3A_406 = tpu.memref_slice %arg11[%add3A_404] : memref<4096xi32, #tpu.memory_space<vmem>> -> memref<128xi32, #tpu.memory_space<vmem>>
      %dma_start3A_407 = arith.constant 0 : i32
      %dma_start3A_408 = tpu.memref_slice %arg15[%dma_start3A_407] : memref<50176xf32, #tpu.memory_space<vmem_shared>> -> memref<50176xf32, #tpu.memory_space<vmem_shared>>
      %dma_start3A_409 = tpu.memref_slice %arg17[%rem3A_352] : memref<2x!tpu.dma_semaphore, #tpu.memory_space<semaphore_mem>> -> memref<1x!tpu.dma_semaphore, #tpu.memory_space<semaphore_mem>>
      %dma_start3A_410 = tpu.memref_squeeze %dma_start3A_409 : memref<1x!tpu.dma_semaphore, #tpu.memory_space<semaphore_mem>> -> memref<!tpu.dma_semaphore, #tpu.memory_space<semaphore_mem>>
      tpu.enqueue_indirect_dma source(%dma_start3A_405 : memref<128xf32, #tpu.memory_space<vmem>>) target(%dma_start3A_408 : memref<50176xf32, #tpu.memory_space<vmem_shared>>) offsets(%dma_start3A_406 : memref<128xi32, #tpu.memory_space<vmem>>) semaphore(%dma_start3A_410 : memref<!tpu.dma_semaphore, #tpu.memory_space<semaphore_mem>>) {add = true}
      %add3A_411 = arith.constant 128 : i32
      %add3A_412 = arith.addi %mul3A_400, %add3A_411 : i32
      %add3A_413 = arith.constant 128 : i32
      %add3A_414 = arith.addi %mul3A_400, %add3A_413 : i32
      %dma_start3A_415 = tpu.memref_slice %arg13[%add3A_412] : memref<4096xf32, #tpu.memory_space<vmem>> -> memref<128xf32, #tpu.memory_space<vmem>>
      %dma_start3A_416 = tpu.memref_slice %arg11[%add3A_414] : memref<4096xi32, #tpu.memory_space<vmem>> -> memref<128xi32, #tpu.memory_space<vmem>>
      %dma_start3A_417 = arith.constant 0 : i32
      %dma_start3A_418 = tpu.memref_slice %arg15[%dma_start3A_417] : memref<50176xf32, #tpu.memory_space<vmem_shared>> -> memref<50176xf32, #tpu.memory_space<vmem_shared>>
      %dma_start3A_419 = tpu.memref_slice %arg17[%rem3A_352] : memref<2x!tpu.dma_semaphore, #tpu.memory_space<semaphore_mem>> -> memref<1x!tpu.dma_semaphore, #tpu.memory_space<semaphore_mem>>
      %dma_start3A_420 = tpu.memref_squeeze %dma_start3A_419 : memref<1x!tpu.dma_semaphore, #tpu.memory_space<semaphore_mem>> -> memref<!tpu.dma_semaphore, #tpu.memory_space<semaphore_mem>>
      tpu.enqueue_indirect_dma source(%dma_start3A_415 : memref<128xf32, #tpu.memory_space<vmem>>) target(%dma_start3A_418 : memref<50176xf32, #tpu.memory_space<vmem_shared>>) offsets(%dma_start3A_416 : memref<128xi32, #tpu.memory_space<vmem>>) semaphore(%dma_start3A_420 : memref<!tpu.dma_semaphore, #tpu.memory_space<semaphore_mem>>) {add = true}
      %add3A_421 = arith.constant 256 : i32
      %add3A_422 = arith.addi %mul3A_400, %add3A_421 : i32
      %add3A_423 = arith.constant 256 : i32
      %add3A_424 = arith.addi %mul3A_400, %add3A_423 : i32
      %dma_start3A_425 = tpu.memref_slice %arg13[%add3A_422] : memref<4096xf32, #tpu.memory_space<vmem>> -> memref<128xf32, #tpu.memory_space<vmem>>
      %dma_start3A_426 = tpu.memref_slice %arg11[%add3A_424] : memref<4096xi32, #tpu.memory_space<vmem>> -> memref<128xi32, #tpu.memory_space<vmem>>
      %dma_start3A_427 = arith.constant 0 : i32
      %dma_start3A_428 = tpu.memref_slice %arg15[%dma_start3A_427] : memref<50176xf32, #tpu.memory_space<vmem_shared>> -> memref<50176xf32, #tpu.memory_space<vmem_shared>>
      %dma_start3A_429 = tpu.memref_slice %arg17[%rem3A_352] : memref<2x!tpu.dma_semaphore, #tpu.memory_space<semaphore_mem>> -> memref<1x!tpu.dma_semaphore, #tpu.memory_space<semaphore_mem>>
      %dma_start3A_430 = tpu.memref_squeeze %dma_start3A_429 : memref<1x!tpu.dma_semaphore, #tpu.memory_space<semaphore_mem>> -> memref<!tpu.dma_semaphore, #tpu.memory_space<semaphore_mem>>
      tpu.enqueue_indirect_dma source(%dma_start3A_425 : memref<128xf32, #tpu.memory_space<vmem>>) target(%dma_start3A_428 : memref<50176xf32, #tpu.memory_space<vmem_shared>>) offsets(%dma_start3A_426 : memref<128xi32, #tpu.memory_space<vmem>>) semaphore(%dma_start3A_430 : memref<!tpu.dma_semaphore, #tpu.memory_space<semaphore_mem>>) {add = true}
      %add3A_431 = arith.constant 384 : i32
      %add3A_432 = arith.addi %mul3A_400, %add3A_431 : i32
      %add3A_433 = arith.constant 384 : i32
      %add3A_434 = arith.addi %mul3A_400, %add3A_433 : i32
      %dma_start3A_435 = tpu.memref_slice %arg13[%add3A_432] : memref<4096xf32, #tpu.memory_space<vmem>> -> memref<128xf32, #tpu.memory_space<vmem>>
      %dma_start3A_436 = tpu.memref_slice %arg11[%add3A_434] : memref<4096xi32, #tpu.memory_space<vmem>> -> memref<128xi32, #tpu.memory_space<vmem>>
      %dma_start3A_437 = arith.constant 0 : i32
      %dma_start3A_438 = tpu.memref_slice %arg15[%dma_start3A_437] : memref<50176xf32, #tpu.memory_space<vmem_shared>> -> memref<50176xf32, #tpu.memory_space<vmem_shared>>
      %dma_start3A_439 = tpu.memref_slice %arg17[%rem3A_352] : memref<2x!tpu.dma_semaphore, #tpu.memory_space<semaphore_mem>> -> memref<1x!tpu.dma_semaphore, #tpu.memory_space<semaphore_mem>>
      %dma_start3A_440 = tpu.memref_squeeze %dma_start3A_439 : memref<1x!tpu.dma_semaphore, #tpu.memory_space<semaphore_mem>> -> memref<!tpu.dma_semaphore, #tpu.memory_space<semaphore_mem>>
      tpu.enqueue_indirect_dma source(%dma_start3A_435 : memref<128xf32, #tpu.memory_space<vmem>>) target(%dma_start3A_438 : memref<50176xf32, #tpu.memory_space<vmem_shared>>) offsets(%dma_start3A_436 : memref<128xi32, #tpu.memory_space<vmem>>) semaphore(%dma_start3A_440 : memref<!tpu.dma_semaphore, #tpu.memory_space<semaphore_mem>>) {add = true}
      %add3A_441 = arith.constant 512 : i32
      %add3A_442 = arith.addi %mul3A_400, %add3A_441 : i32
      %add3A_443 = arith.constant 512 : i32
      %add3A_444 = arith.addi %mul3A_400, %add3A_443 : i32
      %dma_start3A_445 = tpu.memref_slice %arg13[%add3A_442] : memref<4096xf32, #tpu.memory_space<vmem>> -> memref<128xf32, #tpu.memory_space<vmem>>
      %dma_start3A_446 = tpu.memref_slice %arg11[%add3A_444] : memref<4096xi32, #tpu.memory_space<vmem>> -> memref<128xi32, #tpu.memory_space<vmem>>
      %dma_start3A_447 = arith.constant 0 : i32
      %dma_start3A_448 = tpu.memref_slice %arg15[%dma_start3A_447] : memref<50176xf32, #tpu.memory_space<vmem_shared>> -> memref<50176xf32, #tpu.memory_space<vmem_shared>>
      %dma_start3A_449 = tpu.memref_slice %arg17[%rem3A_352] : memref<2x!tpu.dma_semaphore, #tpu.memory_space<semaphore_mem>> -> memref<1x!tpu.dma_semaphore, #tpu.memory_space<semaphore_mem>>
      %dma_start3A_450 = tpu.memref_squeeze %dma_start3A_449 : memref<1x!tpu.dma_semaphore, #tpu.memory_space<semaphore_mem>> -> memref<!tpu.dma_semaphore, #tpu.memory_space<semaphore_mem>>
      tpu.enqueue_indirect_dma source(%dma_start3A_445 : memref<128xf32, #tpu.memory_space<vmem>>) target(%dma_start3A_448 : memref<50176xf32, #tpu.memory_space<vmem_shared>>) offsets(%dma_start3A_446 : memref<128xi32, #tpu.memory_space<vmem>>) semaphore(%dma_start3A_450 : memref<!tpu.dma_semaphore, #tpu.memory_space<semaphore_mem>>) {add = true}
      %add3A_451 = arith.constant 640 : i32
      %add3A_452 = arith.addi %mul3A_400, %add3A_451 : i32
      %add3A_453 = arith.constant 640 : i32
      %add3A_454 = arith.addi %mul3A_400, %add3A_453 : i32
      %dma_start3A_455 = tpu.memref_slice %arg13[%add3A_452] : memref<4096xf32, #tpu.memory_space<vmem>> -> memref<128xf32, #tpu.memory_space<vmem>>
      %dma_start3A_456 = tpu.memref_slice %arg11[%add3A_454] : memref<4096xi32, #tpu.memory_space<vmem>> -> memref<128xi32, #tpu.memory_space<vmem>>
      %dma_start3A_457 = arith.constant 0 : i32
      %dma_start3A_458 = tpu.memref_slice %arg15[%dma_start3A_457] : memref<50176xf32, #tpu.memory_space<vmem_shared>> -> memref<50176xf32, #tpu.memory_space<vmem_shared>>
      %dma_start3A_459 = tpu.memref_slice %arg17[%rem3A_352] : memref<2x!tpu.dma_semaphore, #tpu.memory_space<semaphore_mem>> -> memref<1x!tpu.dma_semaphore, #tpu.memory_space<semaphore_mem>>
      %dma_start3A_460 = tpu.memref_squeeze %dma_start3A_459 : memref<1x!tpu.dma_semaphore, #tpu.memory_space<semaphore_mem>> -> memref<!tpu.dma_semaphore, #tpu.memory_space<semaphore_mem>>
      tpu.enqueue_indirect_dma source(%dma_start3A_455 : memref<128xf32, #tpu.memory_space<vmem>>) target(%dma_start3A_458 : memref<50176xf32, #tpu.memory_space<vmem_shared>>) offsets(%dma_start3A_456 : memref<128xi32, #tpu.memory_space<vmem>>) semaphore(%dma_start3A_460 : memref<!tpu.dma_semaphore, #tpu.memory_space<semaphore_mem>>) {add = true}
      %add3A_461 = arith.constant 768 : i32
      %add3A_462 = arith.addi %mul3A_400, %add3A_461 : i32
      %add3A_463 = arith.constant 768 : i32
      %add3A_464 = arith.addi %mul3A_400, %add3A_463 : i32
      %dma_start3A_465 = tpu.memref_slice %arg13[%add3A_462] : memref<4096xf32, #tpu.memory_space<vmem>> -> memref<128xf32, #tpu.memory_space<vmem>>
      %dma_start3A_466 = tpu.memref_slice %arg11[%add3A_464] : memref<4096xi32, #tpu.memory_space<vmem>> -> memref<128xi32, #tpu.memory_space<vmem>>
      %dma_start3A_467 = arith.constant 0 : i32
      %dma_start3A_468 = tpu.memref_slice %arg15[%dma_start3A_467] : memref<50176xf32, #tpu.memory_space<vmem_shared>> -> memref<50176xf32, #tpu.memory_space<vmem_shared>>
      %dma_start3A_469 = tpu.memref_slice %arg17[%rem3A_352] : memref<2x!tpu.dma_semaphore, #tpu.memory_space<semaphore_mem>> -> memref<1x!tpu.dma_semaphore, #tpu.memory_space<semaphore_mem>>
      %dma_start3A_470 = tpu.memref_squeeze %dma_start3A_469 : memref<1x!tpu.dma_semaphore, #tpu.memory_space<semaphore_mem>> -> memref<!tpu.dma_semaphore, #tpu.memory_space<semaphore_mem>>
      tpu.enqueue_indirect_dma source(%dma_start3A_465 : memref<128xf32, #tpu.memory_space<vmem>>) target(%dma_start3A_468 : memref<50176xf32, #tpu.memory_space<vmem_shared>>) offsets(%dma_start3A_466 : memref<128xi32, #tpu.memory_space<vmem>>) semaphore(%dma_start3A_470 : memref<!tpu.dma_semaphore, #tpu.memory_space<semaphore_mem>>) {add = true}
      %add3A_471 = arith.constant 896 : i32
      %add3A_472 = arith.addi %mul3A_400, %add3A_471 : i32
      %add3A_473 = arith.constant 896 : i32
      %add3A_474 = arith.addi %mul3A_400, %add3A_473 : i32
      %dma_start3A_475 = tpu.memref_slice %arg13[%add3A_472] : memref<4096xf32, #tpu.memory_space<vmem>> -> memref<128xf32, #tpu.memory_space<vmem>>
      %dma_start3A_476 = tpu.memref_slice %arg11[%add3A_474] : memref<4096xi32, #tpu.memory_space<vmem>> -> memref<128xi32, #tpu.memory_space<vmem>>
      %dma_start3A_477 = arith.constant 0 : i32
      %dma_start3A_478 = tpu.memref_slice %arg15[%dma_start3A_477] : memref<50176xf32, #tpu.memory_space<vmem_shared>> -> memref<50176xf32, #tpu.memory_space<vmem_shared>>
      %dma_start3A_479 = tpu.memref_slice %arg17[%rem3A_352] : memref<2x!tpu.dma_semaphore, #tpu.memory_space<semaphore_mem>> -> memref<1x!tpu.dma_semaphore, #tpu.memory_space<semaphore_mem>>
      %dma_start3A_480 = tpu.memref_squeeze %dma_start3A_479 : memref<1x!tpu.dma_semaphore, #tpu.memory_space<semaphore_mem>> -> memref<!tpu.dma_semaphore, #tpu.memory_space<semaphore_mem>>
      tpu.enqueue_indirect_dma source(%dma_start3A_475 : memref<128xf32, #tpu.memory_space<vmem>>) target(%dma_start3A_478 : memref<50176xf32, #tpu.memory_space<vmem_shared>>) offsets(%dma_start3A_476 : memref<128xi32, #tpu.memory_space<vmem>>) semaphore(%dma_start3A_480 : memref<!tpu.dma_semaphore, #tpu.memory_space<semaphore_mem>>) {add = true}
      %add3A_481 = arith.constant 1024 : i32
      %add3A_482 = arith.addi %mul3A_400, %add3A_481 : i32
      %add3A_483 = arith.constant 1024 : i32
      %add3A_484 = arith.addi %mul3A_400, %add3A_483 : i32
      %dma_start3A_485 = tpu.memref_slice %arg13[%add3A_482] : memref<4096xf32, #tpu.memory_space<vmem>> -> memref<128xf32, #tpu.memory_space<vmem>>
      %dma_start3A_486 = tpu.memref_slice %arg11[%add3A_484] : memref<4096xi32, #tpu.memory_space<vmem>> -> memref<128xi32, #tpu.memory_space<vmem>>
      %dma_start3A_487 = arith.constant 0 : i32
      %dma_start3A_488 = tpu.memref_slice %arg15[%dma_start3A_487] : memref<50176xf32, #tpu.memory_space<vmem_shared>> -> memref<50176xf32, #tpu.memory_space<vmem_shared>>
      %dma_start3A_489 = tpu.memref_slice %arg17[%rem3A_352] : memref<2x!tpu.dma_semaphore, #tpu.memory_space<semaphore_mem>> -> memref<1x!tpu.dma_semaphore, #tpu.memory_space<semaphore_mem>>
      %dma_start3A_490 = tpu.memref_squeeze %dma_start3A_489 : memref<1x!tpu.dma_semaphore, #tpu.memory_space<semaphore_mem>> -> memref<!tpu.dma_semaphore, #tpu.memory_space<semaphore_mem>>
      tpu.enqueue_indirect_dma source(%dma_start3A_485 : memref<128xf32, #tpu.memory_space<vmem>>) target(%dma_start3A_488 : memref<50176xf32, #tpu.memory_space<vmem_shared>>) offsets(%dma_start3A_486 : memref<128xi32, #tpu.memory_space<vmem>>) semaphore(%dma_start3A_490 : memref<!tpu.dma_semaphore, #tpu.memory_space<semaphore_mem>>) {add = true}
      %add3A_491 = arith.constant 1152 : i32
      %add3A_492 = arith.addi %mul3A_400, %add3A_491 : i32
      %add3A_493 = arith.constant 1152 : i32
      %add3A_494 = arith.addi %mul3A_400, %add3A_493 : i32
      %dma_start3A_495 = tpu.memref_slice %arg13[%add3A_492] : memref<4096xf32, #tpu.memory_space<vmem>> -> memref<128xf32, #tpu.memory_space<vmem>>
      %dma_start3A_496 = tpu.memref_slice %arg11[%add3A_494] : memref<4096xi32, #tpu.memory_space<vmem>> -> memref<128xi32, #tpu.memory_space<vmem>>
      %dma_start3A_497 = arith.constant 0 : i32
      %dma_start3A_498 = tpu.memref_slice %arg15[%dma_start3A_497] : memref<50176xf32, #tpu.memory_space<vmem_shared>> -> memref<50176xf32, #tpu.memory_space<vmem_shared>>
      %dma_start3A_499 = tpu.memref_slice %arg17[%rem3A_352] : memref<2x!tpu.dma_semaphore, #tpu.memory_space<semaphore_mem>> -> memref<1x!tpu.dma_semaphore, #tpu.memory_space<semaphore_mem>>
      %dma_start3A_500 = tpu.memref_squeeze %dma_start3A_499 : memref<1x!tpu.dma_semaphore, #tpu.memory_space<semaphore_mem>> -> memref<!tpu.dma_semaphore, #tpu.memory_space<semaphore_mem>>
      tpu.enqueue_indirect_dma source(%dma_start3A_495 : memref<128xf32, #tpu.memory_space<vmem>>) target(%dma_start3A_498 : memref<50176xf32, #tpu.memory_space<vmem_shared>>) offsets(%dma_start3A_496 : memref<128xi32, #tpu.memory_space<vmem>>) semaphore(%dma_start3A_500 : memref<!tpu.dma_semaphore, #tpu.memory_space<semaphore_mem>>) {add = true}
      %add3A_501 = arith.constant 1280 : i32
      %add3A_502 = arith.addi %mul3A_400, %add3A_501 : i32
      %add3A_503 = arith.constant 1280 : i32
      %add3A_504 = arith.addi %mul3A_400, %add3A_503 : i32
      %dma_start3A_505 = tpu.memref_slice %arg13[%add3A_502] : memref<4096xf32, #tpu.memory_space<vmem>> -> memref<128xf32, #tpu.memory_space<vmem>>
      %dma_start3A_506 = tpu.memref_slice %arg11[%add3A_504] : memref<4096xi32, #tpu.memory_space<vmem>> -> memref<128xi32, #tpu.memory_space<vmem>>
      %dma_start3A_507 = arith.constant 0 : i32
      %dma_start3A_508 = tpu.memref_slice %arg15[%dma_start3A_507] : memref<50176xf32, #tpu.memory_space<vmem_shared>> -> memref<50176xf32, #tpu.memory_space<vmem_shared>>
      %dma_start3A_509 = tpu.memref_slice %arg17[%rem3A_352] : memref<2x!tpu.dma_semaphore, #tpu.memory_space<semaphore_mem>> -> memref<1x!tpu.dma_semaphore, #tpu.memory_space<semaphore_mem>>
      %dma_start3A_510 = tpu.memref_squeeze %dma_start3A_509 : memref<1x!tpu.dma_semaphore, #tpu.memory_space<semaphore_mem>> -> memref<!tpu.dma_semaphore, #tpu.memory_space<semaphore_mem>>
      tpu.enqueue_indirect_dma source(%dma_start3A_505 : memref<128xf32, #tpu.memory_space<vmem>>) target(%dma_start3A_508 : memref<50176xf32, #tpu.memory_space<vmem_shared>>) offsets(%dma_start3A_506 : memref<128xi32, #tpu.memory_space<vmem>>) semaphore(%dma_start3A_510 : memref<!tpu.dma_semaphore, #tpu.memory_space<semaphore_mem>>) {add = true}
      %add3A_511 = arith.constant 1408 : i32
      %add3A_512 = arith.addi %mul3A_400, %add3A_511 : i32
      %add3A_513 = arith.constant 1408 : i32
      %add3A_514 = arith.addi %mul3A_400, %add3A_513 : i32
      %dma_start3A_515 = tpu.memref_slice %arg13[%add3A_512] : memref<4096xf32, #tpu.memory_space<vmem>> -> memref<128xf32, #tpu.memory_space<vmem>>
      %dma_start3A_516 = tpu.memref_slice %arg11[%add3A_514] : memref<4096xi32, #tpu.memory_space<vmem>> -> memref<128xi32, #tpu.memory_space<vmem>>
      %dma_start3A_517 = arith.constant 0 : i32
      %dma_start3A_518 = tpu.memref_slice %arg15[%dma_start3A_517] : memref<50176xf32, #tpu.memory_space<vmem_shared>> -> memref<50176xf32, #tpu.memory_space<vmem_shared>>
      %dma_start3A_519 = tpu.memref_slice %arg17[%rem3A_352] : memref<2x!tpu.dma_semaphore, #tpu.memory_space<semaphore_mem>> -> memref<1x!tpu.dma_semaphore, #tpu.memory_space<semaphore_mem>>
      %dma_start3A_520 = tpu.memref_squeeze %dma_start3A_519 : memref<1x!tpu.dma_semaphore, #tpu.memory_space<semaphore_mem>> -> memref<!tpu.dma_semaphore, #tpu.memory_space<semaphore_mem>>
      tpu.enqueue_indirect_dma source(%dma_start3A_515 : memref<128xf32, #tpu.memory_space<vmem>>) target(%dma_start3A_518 : memref<50176xf32, #tpu.memory_space<vmem_shared>>) offsets(%dma_start3A_516 : memref<128xi32, #tpu.memory_space<vmem>>) semaphore(%dma_start3A_520 : memref<!tpu.dma_semaphore, #tpu.memory_space<semaphore_mem>>) {add = true}
      %add3A_521 = arith.constant 1536 : i32
      %add3A_522 = arith.addi %mul3A_400, %add3A_521 : i32
      %add3A_523 = arith.constant 1536 : i32
      %add3A_524 = arith.addi %mul3A_400, %add3A_523 : i32
      %dma_start3A_525 = tpu.memref_slice %arg13[%add3A_522] : memref<4096xf32, #tpu.memory_space<vmem>> -> memref<128xf32, #tpu.memory_space<vmem>>
      %dma_start3A_526 = tpu.memref_slice %arg11[%add3A_524] : memref<4096xi32, #tpu.memory_space<vmem>> -> memref<128xi32, #tpu.memory_space<vmem>>
      %dma_start3A_527 = arith.constant 0 : i32
      %dma_start3A_528 = tpu.memref_slice %arg15[%dma_start3A_527] : memref<50176xf32, #tpu.memory_space<vmem_shared>> -> memref<50176xf32, #tpu.memory_space<vmem_shared>>
      %dma_start3A_529 = tpu.memref_slice %arg17[%rem3A_352] : memref<2x!tpu.dma_semaphore, #tpu.memory_space<semaphore_mem>> -> memref<1x!tpu.dma_semaphore, #tpu.memory_space<semaphore_mem>>
      %dma_start3A_530 = tpu.memref_squeeze %dma_start3A_529 : memref<1x!tpu.dma_semaphore, #tpu.memory_space<semaphore_mem>> -> memref<!tpu.dma_semaphore, #tpu.memory_space<semaphore_mem>>
      tpu.enqueue_indirect_dma source(%dma_start3A_525 : memref<128xf32, #tpu.memory_space<vmem>>) target(%dma_start3A_528 : memref<50176xf32, #tpu.memory_space<vmem_shared>>) offsets(%dma_start3A_526 : memref<128xi32, #tpu.memory_space<vmem>>) semaphore(%dma_start3A_530 : memref<!tpu.dma_semaphore, #tpu.memory_space<semaphore_mem>>) {add = true}
      %add3A_531 = arith.constant 1664 : i32
      %add3A_532 = arith.addi %mul3A_400, %add3A_531 : i32
      %add3A_533 = arith.constant 1664 : i32
      %add3A_534 = arith.addi %mul3A_400, %add3A_533 : i32
      %dma_start3A_535 = tpu.memref_slice %arg13[%add3A_532] : memref<4096xf32, #tpu.memory_space<vmem>> -> memref<128xf32, #tpu.memory_space<vmem>>
      %dma_start3A_536 = tpu.memref_slice %arg11[%add3A_534] : memref<4096xi32, #tpu.memory_space<vmem>> -> memref<128xi32, #tpu.memory_space<vmem>>
      %dma_start3A_537 = arith.constant 0 : i32
      %dma_start3A_538 = tpu.memref_slice %arg15[%dma_start3A_537] : memref<50176xf32, #tpu.memory_space<vmem_shared>> -> memref<50176xf32, #tpu.memory_space<vmem_shared>>
      %dma_start3A_539 = tpu.memref_slice %arg17[%rem3A_352] : memref<2x!tpu.dma_semaphore, #tpu.memory_space<semaphore_mem>> -> memref<1x!tpu.dma_semaphore, #tpu.memory_space<semaphore_mem>>
      %dma_start3A_540 = tpu.memref_squeeze %dma_start3A_539 : memref<1x!tpu.dma_semaphore, #tpu.memory_space<semaphore_mem>> -> memref<!tpu.dma_semaphore, #tpu.memory_space<semaphore_mem>>
      tpu.enqueue_indirect_dma source(%dma_start3A_535 : memref<128xf32, #tpu.memory_space<vmem>>) target(%dma_start3A_538 : memref<50176xf32, #tpu.memory_space<vmem_shared>>) offsets(%dma_start3A_536 : memref<128xi32, #tpu.memory_space<vmem>>) semaphore(%dma_start3A_540 : memref<!tpu.dma_semaphore, #tpu.memory_space<semaphore_mem>>) {add = true}
      %add3A_541 = arith.constant 1792 : i32
      %add3A_542 = arith.addi %mul3A_400, %add3A_541 : i32
      %add3A_543 = arith.constant 1792 : i32
      %add3A_544 = arith.addi %mul3A_400, %add3A_543 : i32
      %dma_start3A_545 = tpu.memref_slice %arg13[%add3A_542] : memref<4096xf32, #tpu.memory_space<vmem>> -> memref<128xf32, #tpu.memory_space<vmem>>
      %dma_start3A_546 = tpu.memref_slice %arg11[%add3A_544] : memref<4096xi32, #tpu.memory_space<vmem>> -> memref<128xi32, #tpu.memory_space<vmem>>
      %dma_start3A_547 = arith.constant 0 : i32
      %dma_start3A_548 = tpu.memref_slice %arg15[%dma_start3A_547] : memref<50176xf32, #tpu.memory_space<vmem_shared>> -> memref<50176xf32, #tpu.memory_space<vmem_shared>>
      %dma_start3A_549 = tpu.memref_slice %arg17[%rem3A_352] : memref<2x!tpu.dma_semaphore, #tpu.memory_space<semaphore_mem>> -> memref<1x!tpu.dma_semaphore, #tpu.memory_space<semaphore_mem>>
      %dma_start3A_550 = tpu.memref_squeeze %dma_start3A_549 : memref<1x!tpu.dma_semaphore, #tpu.memory_space<semaphore_mem>> -> memref<!tpu.dma_semaphore, #tpu.memory_space<semaphore_mem>>
      tpu.enqueue_indirect_dma source(%dma_start3A_545 : memref<128xf32, #tpu.memory_space<vmem>>) target(%dma_start3A_548 : memref<50176xf32, #tpu.memory_space<vmem_shared>>) offsets(%dma_start3A_546 : memref<128xi32, #tpu.memory_space<vmem>>) semaphore(%dma_start3A_550 : memref<!tpu.dma_semaphore, #tpu.memory_space<semaphore_mem>>) {add = true}
      %add3A_551 = arith.constant 1920 : i32
      %add3A_552 = arith.addi %mul3A_400, %add3A_551 : i32
      %add3A_553 = arith.constant 1920 : i32
      %add3A_554 = arith.addi %mul3A_400, %add3A_553 : i32
      %dma_start3A_555 = tpu.memref_slice %arg13[%add3A_552] : memref<4096xf32, #tpu.memory_space<vmem>> -> memref<128xf32, #tpu.memory_space<vmem>>
      %dma_start3A_556 = tpu.memref_slice %arg11[%add3A_554] : memref<4096xi32, #tpu.memory_space<vmem>> -> memref<128xi32, #tpu.memory_space<vmem>>
      %dma_start3A_557 = arith.constant 0 : i32
      %dma_start3A_558 = tpu.memref_slice %arg15[%dma_start3A_557] : memref<50176xf32, #tpu.memory_space<vmem_shared>> -> memref<50176xf32, #tpu.memory_space<vmem_shared>>
      %dma_start3A_559 = tpu.memref_slice %arg17[%rem3A_352] : memref<2x!tpu.dma_semaphore, #tpu.memory_space<semaphore_mem>> -> memref<1x!tpu.dma_semaphore, #tpu.memory_space<semaphore_mem>>
      %dma_start3A_560 = tpu.memref_squeeze %dma_start3A_559 : memref<1x!tpu.dma_semaphore, #tpu.memory_space<semaphore_mem>> -> memref<!tpu.dma_semaphore, #tpu.memory_space<semaphore_mem>>
      tpu.enqueue_indirect_dma source(%dma_start3A_555 : memref<128xf32, #tpu.memory_space<vmem>>) target(%dma_start3A_558 : memref<50176xf32, #tpu.memory_space<vmem_shared>>) offsets(%dma_start3A_556 : memref<128xi32, #tpu.memory_space<vmem>>) semaphore(%dma_start3A_560 : memref<!tpu.dma_semaphore, #tpu.memory_space<semaphore_mem>>) {add = true}
    }
    %scan3A_42 = arith.constant 24 : i32
    %add3A_43 = arith.constant 49152 : i32
    %add3A_44 = arith.addi %mul3A_2, %add3A_43 : i32
    %dma_wait3A = arith.constant 0 : i32
    %dma_wait3A_45 = arith.constant 0 : i32
    %dma_wait3A_46 = tpu.memref_slice %arg10[%dma_wait3A_45] : memref<4096xf32, #tpu.memory_space<vmem>> -> memref<864xf32, #tpu.memory_space<vmem>>
    %dma_wait3A_47 = tpu.memref_slice %arg4[%add3A_44] : memref<1600512xf32, #tpu.memory_space<hbm>> -> memref<864xf32, #tpu.memory_space<hbm>>
    %dma_wait3A_48 = tpu.memref_slice %arg16[%dma_wait3A] : memref<2x!tpu.dma_semaphore, #tpu.memory_space<semaphore_mem>> -> memref<1x!tpu.dma_semaphore, #tpu.memory_space<semaphore_mem>>
    %dma_wait3A_49 = tpu.memref_squeeze %dma_wait3A_48 : memref<1x!tpu.dma_semaphore, #tpu.memory_space<semaphore_mem>> -> memref<!tpu.dma_semaphore, #tpu.memory_space<semaphore_mem>>
    %dma_wait3A_50 = arith.constant 0 : i32
    %dma_wait3A_51 = tpu.memref_slice %arg10[%dma_wait3A_50] : memref<4096xf32, #tpu.memory_space<vmem>> -> memref<864xf32, #tpu.memory_space<vmem>>
    %dma_wait3A_52 = tpu.memref_slice %arg4[%add3A_44] : memref<1600512xf32, #tpu.memory_space<hbm>> -> memref<864xf32, #tpu.memory_space<hbm>>
    tpu.wait_dma2 semaphore(%dma_wait3A_49 : memref<!tpu.dma_semaphore, #tpu.memory_space<semaphore_mem>>) src(%dma_wait3A_52 : memref<864xf32, #tpu.memory_space<hbm>>) dst(%dma_wait3A_51 : memref<864xf32, #tpu.memory_space<vmem>>)
    %dma_wait3A_53 = arith.constant 0 : i32
    %dma_wait3A_54 = arith.constant 0 : i32
    %dma_wait3A_55 = tpu.memref_slice %arg11[%dma_wait3A_54] : memref<4096xi32, #tpu.memory_space<vmem>> -> memref<864xi32, #tpu.memory_space<vmem>>
    %dma_wait3A_56 = tpu.memref_slice %arg5[%add3A_44] : memref<1600512xi32, #tpu.memory_space<hbm>> -> memref<864xi32, #tpu.memory_space<hbm>>
    %dma_wait3A_57 = tpu.memref_slice %arg16[%dma_wait3A_53] : memref<2x!tpu.dma_semaphore, #tpu.memory_space<semaphore_mem>> -> memref<1x!tpu.dma_semaphore, #tpu.memory_space<semaphore_mem>>
    %dma_wait3A_58 = tpu.memref_squeeze %dma_wait3A_57 : memref<1x!tpu.dma_semaphore, #tpu.memory_space<semaphore_mem>> -> memref<!tpu.dma_semaphore, #tpu.memory_space<semaphore_mem>>
    %dma_wait3A_59 = arith.constant 0 : i32
    %dma_wait3A_60 = tpu.memref_slice %arg11[%dma_wait3A_59] : memref<4096xi32, #tpu.memory_space<vmem>> -> memref<864xi32, #tpu.memory_space<vmem>>
    %dma_wait3A_61 = tpu.memref_slice %arg5[%add3A_44] : memref<1600512xi32, #tpu.memory_space<hbm>> -> memref<864xi32, #tpu.memory_space<hbm>>
    tpu.wait_dma2 semaphore(%dma_wait3A_58 : memref<!tpu.dma_semaphore, #tpu.memory_space<semaphore_mem>>) src(%dma_wait3A_61 : memref<864xi32, #tpu.memory_space<hbm>>) dst(%dma_wait3A_60 : memref<864xi32, #tpu.memory_space<vmem>>)
    %dma_wait3A_62 = arith.constant 0 : i32
    %dma_wait3A_63 = arith.constant 0 : i32
    %dma_wait3A_64 = tpu.memref_slice %arg12[%dma_wait3A_63] : memref<4096xi32, #tpu.memory_space<vmem>> -> memref<864xi32, #tpu.memory_space<vmem>>
    %dma_wait3A_65 = tpu.memref_slice %arg6[%add3A_44] : memref<1600512xi32, #tpu.memory_space<hbm>> -> memref<864xi32, #tpu.memory_space<hbm>>
    %dma_wait3A_66 = tpu.memref_slice %arg16[%dma_wait3A_62] : memref<2x!tpu.dma_semaphore, #tpu.memory_space<semaphore_mem>> -> memref<1x!tpu.dma_semaphore, #tpu.memory_space<semaphore_mem>>
    %dma_wait3A_67 = tpu.memref_squeeze %dma_wait3A_66 : memref<1x!tpu.dma_semaphore, #tpu.memory_space<semaphore_mem>> -> memref<!tpu.dma_semaphore, #tpu.memory_space<semaphore_mem>>
    %dma_wait3A_68 = arith.constant 0 : i32
    %dma_wait3A_69 = tpu.memref_slice %arg12[%dma_wait3A_68] : memref<4096xi32, #tpu.memory_space<vmem>> -> memref<864xi32, #tpu.memory_space<vmem>>
    %dma_wait3A_70 = tpu.memref_slice %arg6[%add3A_44] : memref<1600512xi32, #tpu.memory_space<hbm>> -> memref<864xi32, #tpu.memory_space<hbm>>
    tpu.wait_dma2 semaphore(%dma_wait3A_67 : memref<!tpu.dma_semaphore, #tpu.memory_space<semaphore_mem>>) src(%dma_wait3A_70 : memref<864xi32, #tpu.memory_space<hbm>>) dst(%dma_wait3A_69 : memref<864xi32, #tpu.memory_space<vmem>>)
    %parallel_loop3A = arith.constant 0 : i32
    %parallel_loop3A_71 = arith.constant 54 : i32
    %parallel_loop3A_72 = arith.constant 1 : i32
    scf.for %parallel_loop3A_351 = %parallel_loop3A to %parallel_loop3A_71 step %parallel_loop3A_72  : i32 {
      %parallel_loop3A_352 = arith.constant 16 : i32
      %parallel_loop3A_353 = arith.muli %parallel_loop3A_351, %parallel_loop3A_352 : i32
      %parallel_loop3A_354 = arith.constant 0 : i32
      %parallel_loop3A_355 = arith.addi %parallel_loop3A_354, %parallel_loop3A_353 : i32
      %parallel_loop3A_356 = arith.index_cast %parallel_loop3A_355 : i32 to index
      %parallel_loop3A_357 = tpu.vector_load %arg11[%parallel_loop3A_356] {strides = array<i32>} : memref<4096xi32, #tpu.memory_space<vmem>>, vector<16xi32>,
      %parallel_loop3A_358 = arith.index_cast %parallel_loop3A_355 : i32 to index
      %parallel_loop3A_359 = tpu.vector_load %arg12[%parallel_loop3A_358] {strides = array<i32>} : memref<4096xi32, #tpu.memory_space<vmem>>, vector<16xi32>,
      %parallel_loop3A_360 = arith.index_cast %parallel_loop3A_355 : i32 to index
      %parallel_loop3A_361 = tpu.vector_load %arg10[%parallel_loop3A_360] {strides = array<i32>} : memref<4096xf32, #tpu.memory_space<vmem>>, vector<16xf32>,
      %parallel_loop3A_362 = tpu.vector_load_idx %arg8[%parallel_loop3A_357] : memref<50176xf32, #tpu.memory_space<vmem>>[vector<16xi32>], vector<16xf32>,
      %parallel_loop3A_363 = tpu.vector_load_idx %arg8[%parallel_loop3A_359] : memref<50176xf32, #tpu.memory_space<vmem>>[vector<16xi32>], vector<16xf32>,
      %parallel_loop3A_364 = arith.fptosi %parallel_loop3A_362 : vector<16xf32> to vector<16xi32>
      %parallel_loop3A_365 = tpu.vector_load_idx %arg9[%parallel_loop3A_364] : memref<64xf32, #tpu.memory_space<vmem>>[vector<16xi32>], vector<16xf32>,
      %parallel_loop3A_366 = arith.fptosi %parallel_loop3A_363 : vector<16xf32> to vector<16xi32>
      %parallel_loop3A_367 = tpu.vector_load_idx %arg9[%parallel_loop3A_366] : memref<64xf32, #tpu.memory_space<vmem>>[vector<16xi32>], vector<16xf32>,
      %parallel_loop3A_368 = arith.constant 5.000000e+00 : f32
      %parallel_loop3A_369 = vector.broadcast %parallel_loop3A_368 : f32 to vector<16xf32>
      %parallel_loop3A_370 = arith.subf %parallel_loop3A_369, %parallel_loop3A_361 : vector<16xf32>
      %parallel_loop3A_371 = arith.constant 0.666666686 : f32
      %parallel_loop3A_372 = vector.broadcast %parallel_loop3A_371 : f32 to vector<16xf32>
      %parallel_loop3A_373 = arith.mulf %parallel_loop3A_370, %parallel_loop3A_372 : vector<16xf32>
      %parallel_loop3A_374 = arith.constant 6.000000e+00 : f32
      %parallel_loop3A_375 = vector.broadcast %parallel_loop3A_374 : f32 to vector<16xf32>
      %parallel_loop3A_376 = arith.mulf %parallel_loop3A_375, %parallel_loop3A_373 : vector<16xf32>
      %parallel_loop3A_377 = arith.constant 1.500000e+01 : f32
      %parallel_loop3A_378 = vector.broadcast %parallel_loop3A_377 : f32 to vector<16xf32>
      %parallel_loop3A_379 = arith.subf %parallel_loop3A_376, %parallel_loop3A_378 : vector<16xf32>
      %parallel_loop3A_380 = arith.mulf %parallel_loop3A_379, %parallel_loop3A_373 : vector<16xf32>
      %parallel_loop3A_381 = arith.constant 1.000000e+01 : f32
      %parallel_loop3A_382 = vector.broadcast %parallel_loop3A_381 : f32 to vector<16xf32>
      %parallel_loop3A_383 = arith.addf %parallel_loop3A_380, %parallel_loop3A_382 : vector<16xf32>
      %parallel_loop3A_384 = arith.mulf %parallel_loop3A_383, %parallel_loop3A_373 : vector<16xf32>
      %parallel_loop3A_385 = arith.mulf %parallel_loop3A_384, %parallel_loop3A_373 : vector<16xf32>
      %parallel_loop3A_386 = arith.mulf %parallel_loop3A_385, %parallel_loop3A_373 : vector<16xf32>
      %parallel_loop3A_387 = arith.constant 3.500000e+00 : f32
      %parallel_loop3A_388 = vector.broadcast %parallel_loop3A_387 : f32 to vector<16xf32>
      %parallel_loop3A_389 = arith.cmpf olt, %parallel_loop3A_361, %parallel_loop3A_388 : vector<16xf32>
      %parallel_loop3A_390 = arith.constant 5.000000e+00 : f32
      %parallel_loop3A_391 = vector.broadcast %parallel_loop3A_390 : f32 to vector<16xf32>
      %parallel_loop3A_392 = arith.cmpf oge, %parallel_loop3A_361, %parallel_loop3A_391 : vector<16xf32>
      %parallel_loop3A_393 = arith.constant 0.000000e+00 : f32
      %parallel_loop3A_394 = vector.broadcast %parallel_loop3A_393 : f32 to vector<16xf32>
      %parallel_loop3A_395 = arith.select %parallel_loop3A_392, %parallel_loop3A_394, %parallel_loop3A_386 : vector<16xi1>, vector<16xf32>
      %parallel_loop3A_396 = arith.constant 1.000000e+00 : f32
      %parallel_loop3A_397 = vector.broadcast %parallel_loop3A_396 : f32 to vector<16xf32>
      %parallel_loop3A_398 = arith.select %parallel_loop3A_389, %parallel_loop3A_397, %parallel_loop3A_395 : vector<16xi1>, vector<16xf32>
      %parallel_loop3A_399 = arith.addf %parallel_loop3A_365, %parallel_loop3A_367 : vector<16xf32>
      %parallel_loop3A_400 = arith.mulf %parallel_loop3A_361, %parallel_loop3A_399 : vector<16xf32>
      %parallel_loop3A_401 = arith.constant -3.61395979 : f32
      %parallel_loop3A_402 = vector.broadcast %parallel_loop3A_401 : f32 to vector<16xf32>
      %parallel_loop3A_403 = arith.mulf %parallel_loop3A_402, %parallel_loop3A_400 : vector<16xf32>
      %parallel_loop3A_404 = math.exp %parallel_loop3A_403 : vector<16xf32>
      %parallel_loop3A_405 = arith.constant 0.0908749997 : f32
      %parallel_loop3A_406 = vector.broadcast %parallel_loop3A_405 : f32 to vector<16xf32>
      %parallel_loop3A_407 = arith.mulf %parallel_loop3A_406, %parallel_loop3A_404 : vector<16xf32>
      %parallel_loop3A_408 = arith.constant -1.06425345 : f32
      %parallel_loop3A_409 = vector.broadcast %parallel_loop3A_408 : f32 to vector<16xf32>
      %parallel_loop3A_410 = arith.mulf %parallel_loop3A_409, %parallel_loop3A_400 : vector<16xf32>
      %parallel_loop3A_411 = math.exp %parallel_loop3A_410 : vector<16xf32>
      %parallel_loop3A_412 = arith.constant 2.549300e-01 : f32
      %parallel_loop3A_413 = vector.broadcast %parallel_loop3A_412 : f32 to vector<16xf32>
      %parallel_loop3A_414 = arith.mulf %parallel_loop3A_413, %parallel_loop3A_411 : vector<16xf32>
      %parallel_loop3A_415 = arith.addf %parallel_loop3A_407, %parallel_loop3A_414 : vector<16xf32>
      %parallel_loop3A_416 = arith.constant -0.455048561 : f32
      %parallel_loop3A_417 = vector.broadcast %parallel_loop3A_416 : f32 to vector<16xf32>
      %parallel_loop3A_418 = arith.mulf %parallel_loop3A_417, %parallel_loop3A_400 : vector<16xf32>
      %parallel_loop3A_419 = math.exp %parallel_loop3A_418 : vector<16xf32>
      %parallel_loop3A_420 = arith.constant 1.401100e-01 : f32
      %parallel_loop3A_421 = vector.broadcast %parallel_loop3A_420 : f32 to vector<16xf32>
      %parallel_loop3A_422 = arith.mulf %parallel_loop3A_421, %parallel_loop3A_419 : vector<16xf32>
      %parallel_loop3A_423 = arith.addf %parallel_loop3A_415, %parallel_loop3A_422 : vector<16xf32>
      %parallel_loop3A_424 = arith.constant -0.227716282 : f32
      %parallel_loop3A_425 = vector.broadcast %parallel_loop3A_424 : f32 to vector<16xf32>
      %parallel_loop3A_426 = arith.mulf %parallel_loop3A_425, %parallel_loop3A_400 : vector<16xf32>
      %parallel_loop3A_427 = math.exp %parallel_loop3A_426 : vector<16xf32>
      %parallel_loop3A_428 = arith.constant 1.408500e-02 : f32
      %parallel_loop3A_429 = vector.broadcast %parallel_loop3A_428 : f32 to vector<16xf32>
      %parallel_loop3A_430 = arith.mulf %parallel_loop3A_429, %parallel_loop3A_427 : vector<16xf32>
      %parallel_loop3A_431 = arith.addf %parallel_loop3A_423, %parallel_loop3A_430 : vector<16xf32>
      %parallel_loop3A_432 = arith.mulf %parallel_loop3A_362, %parallel_loop3A_363 : vector<16xf32>
      %parallel_loop3A_433 = arith.mulf %parallel_loop3A_432, %parallel_loop3A_431 : vector<16xf32>
      %parallel_loop3A_434 = arith.mulf %parallel_loop3A_433, %parallel_loop3A_398 : vector<16xf32>
      %parallel_loop3A_435 = arith.divf %parallel_loop3A_434, %parallel_loop3A_361 : vector<16xf32>
      %parallel_loop3A_436 = arith.index_cast %parallel_loop3A_355 : i32 to index
      %parallel_loop3A_437 = tpu.vector_load %arg13[%parallel_loop3A_436] {strides = array<i32>} : memref<4096xf32, #tpu.memory_space<vmem>>, vector<16xf32>,
      tpu.vector_store %arg13[%parallel_loop3A_436], %parallel_loop3A_435 {strides = array<i32>} : memref<4096xf32, #tpu.memory_space<vmem>>, vector<16xf32>,
    } {sc.loop_unroll_factor = 8 : i64, sc.parallel_access}
    %dma_start3A_73 = arith.constant 0 : i32
    %dma_start3A_74 = arith.constant 0 : i32
    %dma_start3A_75 = tpu.memref_slice %arg13[%dma_start3A_74] : memref<4096xf32, #tpu.memory_space<vmem>> -> memref<128xf32, #tpu.memory_space<vmem>>
    %dma_start3A_76 = arith.constant 0 : i32
    %dma_start3A_77 = tpu.memref_slice %arg11[%dma_start3A_76] : memref<4096xi32, #tpu.memory_space<vmem>> -> memref<128xi32, #tpu.memory_space<vmem>>
    %dma_start3A_78 = arith.constant 0 : i32
    %dma_start3A_79 = tpu.memref_slice %arg15[%dma_start3A_78] : memref<50176xf32, #tpu.memory_space<vmem_shared>> -> memref<50176xf32, #tpu.memory_space<vmem_shared>>
    %dma_start3A_80 = tpu.memref_slice %arg17[%dma_start3A_73] : memref<2x!tpu.dma_semaphore, #tpu.memory_space<semaphore_mem>> -> memref<1x!tpu.dma_semaphore, #tpu.memory_space<semaphore_mem>>
    %dma_start3A_81 = tpu.memref_squeeze %dma_start3A_80 : memref<1x!tpu.dma_semaphore, #tpu.memory_space<semaphore_mem>> -> memref<!tpu.dma_semaphore, #tpu.memory_space<semaphore_mem>>
    tpu.enqueue_indirect_dma source(%dma_start3A_75 : memref<128xf32, #tpu.memory_space<vmem>>) target(%dma_start3A_79 : memref<50176xf32, #tpu.memory_space<vmem_shared>>) offsets(%dma_start3A_77 : memref<128xi32, #tpu.memory_space<vmem>>) semaphore(%dma_start3A_81 : memref<!tpu.dma_semaphore, #tpu.memory_space<semaphore_mem>>) {add = true}
    %dma_start3A_82 = arith.constant 0 : i32
    %dma_start3A_83 = arith.constant 128 : i32
    %dma_start3A_84 = tpu.memref_slice %arg13[%dma_start3A_83] : memref<4096xf32, #tpu.memory_space<vmem>> -> memref<128xf32, #tpu.memory_space<vmem>>
    %dma_start3A_85 = arith.constant 128 : i32
    %dma_start3A_86 = tpu.memref_slice %arg11[%dma_start3A_85] : memref<4096xi32, #tpu.memory_space<vmem>> -> memref<128xi32, #tpu.memory_space<vmem>>
    %dma_start3A_87 = arith.constant 0 : i32
    %dma_start3A_88 = tpu.memref_slice %arg15[%dma_start3A_87] : memref<50176xf32, #tpu.memory_space<vmem_shared>> -> memref<50176xf32, #tpu.memory_space<vmem_shared>>
    %dma_start3A_89 = tpu.memref_slice %arg17[%dma_start3A_82] : memref<2x!tpu.dma_semaphore, #tpu.memory_space<semaphore_mem>> -> memref<1x!tpu.dma_semaphore, #tpu.memory_space<semaphore_mem>>
    %dma_start3A_90 = tpu.memref_squeeze %dma_start3A_89 : memref<1x!tpu.dma_semaphore, #tpu.memory_space<semaphore_mem>> -> memref<!tpu.dma_semaphore, #tpu.memory_space<semaphore_mem>>
    tpu.enqueue_indirect_dma source(%dma_start3A_84 : memref<128xf32, #tpu.memory_space<vmem>>) target(%dma_start3A_88 : memref<50176xf32, #tpu.memory_space<vmem_shared>>) offsets(%dma_start3A_86 : memref<128xi32, #tpu.memory_space<vmem>>) semaphore(%dma_start3A_90 : memref<!tpu.dma_semaphore, #tpu.memory_space<semaphore_mem>>) {add = true}
    %dma_start3A_91 = arith.constant 0 : i32
    %dma_start3A_92 = arith.constant 256 : i32
    %dma_start3A_93 = tpu.memref_slice %arg13[%dma_start3A_92] : memref<4096xf32, #tpu.memory_space<vmem>> -> memref<128xf32, #tpu.memory_space<vmem>>
    %dma_start3A_94 = arith.constant 256 : i32
    %dma_start3A_95 = tpu.memref_slice %arg11[%dma_start3A_94] : memref<4096xi32, #tpu.memory_space<vmem>> -> memref<128xi32, #tpu.memory_space<vmem>>
    %dma_start3A_96 = arith.constant 0 : i32
    %dma_start3A_97 = tpu.memref_slice %arg15[%dma_start3A_96] : memref<50176xf32, #tpu.memory_space<vmem_shared>> -> memref<50176xf32, #tpu.memory_space<vmem_shared>>
    %dma_start3A_98 = tpu.memref_slice %arg17[%dma_start3A_91] : memref<2x!tpu.dma_semaphore, #tpu.memory_space<semaphore_mem>> -> memref<1x!tpu.dma_semaphore, #tpu.memory_space<semaphore_mem>>
    %dma_start3A_99 = tpu.memref_squeeze %dma_start3A_98 : memref<1x!tpu.dma_semaphore, #tpu.memory_space<semaphore_mem>> -> memref<!tpu.dma_semaphore, #tpu.memory_space<semaphore_mem>>
    tpu.enqueue_indirect_dma source(%dma_start3A_93 : memref<128xf32, #tpu.memory_space<vmem>>) target(%dma_start3A_97 : memref<50176xf32, #tpu.memory_space<vmem_shared>>) offsets(%dma_start3A_95 : memref<128xi32, #tpu.memory_space<vmem>>) semaphore(%dma_start3A_99 : memref<!tpu.dma_semaphore, #tpu.memory_space<semaphore_mem>>) {add = true}
    %dma_start3A_100 = arith.constant 0 : i32
    %dma_start3A_101 = arith.constant 384 : i32
    %dma_start3A_102 = tpu.memref_slice %arg13[%dma_start3A_101] : memref<4096xf32, #tpu.memory_space<vmem>> -> memref<128xf32, #tpu.memory_space<vmem>>
    %dma_start3A_103 = arith.constant 384 : i32
    %dma_start3A_104 = tpu.memref_slice %arg11[%dma_start3A_103] : memref<4096xi32, #tpu.memory_space<vmem>> -> memref<128xi32, #tpu.memory_space<vmem>>
    %dma_start3A_105 = arith.constant 0 : i32
    %dma_start3A_106 = tpu.memref_slice %arg15[%dma_start3A_105] : memref<50176xf32, #tpu.memory_space<vmem_shared>> -> memref<50176xf32, #tpu.memory_space<vmem_shared>>
    %dma_start3A_107 = tpu.memref_slice %arg17[%dma_start3A_100] : memref<2x!tpu.dma_semaphore, #tpu.memory_space<semaphore_mem>> -> memref<1x!tpu.dma_semaphore, #tpu.memory_space<semaphore_mem>>
    %dma_start3A_108 = tpu.memref_squeeze %dma_start3A_107 : memref<1x!tpu.dma_semaphore, #tpu.memory_space<semaphore_mem>> -> memref<!tpu.dma_semaphore, #tpu.memory_space<semaphore_mem>>
    tpu.enqueue_indirect_dma source(%dma_start3A_102 : memref<128xf32, #tpu.memory_space<vmem>>) target(%dma_start3A_106 : memref<50176xf32, #tpu.memory_space<vmem_shared>>) offsets(%dma_start3A_104 : memref<128xi32, #tpu.memory_space<vmem>>) semaphore(%dma_start3A_108 : memref<!tpu.dma_semaphore, #tpu.memory_space<semaphore_mem>>) {add = true}
    %dma_start3A_109 = arith.constant 0 : i32
    %dma_start3A_110 = arith.constant 512 : i32
    %dma_start3A_111 = tpu.memref_slice %arg13[%dma_start3A_110] : memref<4096xf32, #tpu.memory_space<vmem>> -> memref<128xf32, #tpu.memory_space<vmem>>
    %dma_start3A_112 = arith.constant 512 : i32
    %dma_start3A_113 = tpu.memref_slice %arg11[%dma_start3A_112] : memref<4096xi32, #tpu.memory_space<vmem>> -> memref<128xi32, #tpu.memory_space<vmem>>
    %dma_start3A_114 = arith.constant 0 : i32
    %dma_start3A_115 = tpu.memref_slice %arg15[%dma_start3A_114] : memref<50176xf32, #tpu.memory_space<vmem_shared>> -> memref<50176xf32, #tpu.memory_space<vmem_shared>>
    %dma_start3A_116 = tpu.memref_slice %arg17[%dma_start3A_109] : memref<2x!tpu.dma_semaphore, #tpu.memory_space<semaphore_mem>> -> memref<1x!tpu.dma_semaphore, #tpu.memory_space<semaphore_mem>>
    %dma_start3A_117 = tpu.memref_squeeze %dma_start3A_116 : memref<1x!tpu.dma_semaphore, #tpu.memory_space<semaphore_mem>> -> memref<!tpu.dma_semaphore, #tpu.memory_space<semaphore_mem>>
    tpu.enqueue_indirect_dma source(%dma_start3A_111 : memref<128xf32, #tpu.memory_space<vmem>>) target(%dma_start3A_115 : memref<50176xf32, #tpu.memory_space<vmem_shared>>) offsets(%dma_start3A_113 : memref<128xi32, #tpu.memory_space<vmem>>) semaphore(%dma_start3A_117 : memref<!tpu.dma_semaphore, #tpu.memory_space<semaphore_mem>>) {add = true}
    %dma_start3A_118 = arith.constant 0 : i32
    %dma_start3A_119 = arith.constant 640 : i32
    %dma_start3A_120 = tpu.memref_slice %arg13[%dma_start3A_119] : memref<4096xf32, #tpu.memory_space<vmem>> -> memref<128xf32, #tpu.memory_space<vmem>>
    %dma_start3A_121 = arith.constant 640 : i32
    %dma_start3A_122 = tpu.memref_slice %arg11[%dma_start3A_121] : memref<4096xi32, #tpu.memory_space<vmem>> -> memref<128xi32, #tpu.memory_space<vmem>>
    %dma_start3A_123 = arith.constant 0 : i32
    %dma_start3A_124 = tpu.memref_slice %arg15[%dma_start3A_123] : memref<50176xf32, #tpu.memory_space<vmem_shared>> -> memref<50176xf32, #tpu.memory_space<vmem_shared>>
    %dma_start3A_125 = tpu.memref_slice %arg17[%dma_start3A_118] : memref<2x!tpu.dma_semaphore, #tpu.memory_space<semaphore_mem>> -> memref<1x!tpu.dma_semaphore, #tpu.memory_space<semaphore_mem>>
    %dma_start3A_126 = tpu.memref_squeeze %dma_start3A_125 : memref<1x!tpu.dma_semaphore, #tpu.memory_space<semaphore_mem>> -> memref<!tpu.dma_semaphore, #tpu.memory_space<semaphore_mem>>
    tpu.enqueue_indirect_dma source(%dma_start3A_120 : memref<128xf32, #tpu.memory_space<vmem>>) target(%dma_start3A_124 : memref<50176xf32, #tpu.memory_space<vmem_shared>>) offsets(%dma_start3A_122 : memref<128xi32, #tpu.memory_space<vmem>>) semaphore(%dma_start3A_126 : memref<!tpu.dma_semaphore, #tpu.memory_space<semaphore_mem>>) {add = true}
    %dma_start3A_127 = arith.constant 0 : i32
    %dma_start3A_128 = arith.constant 768 : i32
    %dma_start3A_129 = tpu.memref_slice %arg13[%dma_start3A_128] : memref<4096xf32, #tpu.memory_space<vmem>> -> memref<96xf32, #tpu.memory_space<vmem>>
    %dma_start3A_130 = arith.constant 768 : i32
    %dma_start3A_131 = tpu.memref_slice %arg11[%dma_start3A_130] : memref<4096xi32, #tpu.memory_space<vmem>> -> memref<96xi32, #tpu.memory_space<vmem>>
    %dma_start3A_132 = arith.constant 0 : i32
    %dma_start3A_133 = tpu.memref_slice %arg15[%dma_start3A_132] : memref<50176xf32, #tpu.memory_space<vmem_shared>> -> memref<50176xf32, #tpu.memory_space<vmem_shared>>
    %dma_start3A_134 = tpu.memref_slice %arg17[%dma_start3A_127] : memref<2x!tpu.dma_semaphore, #tpu.memory_space<semaphore_mem>> -> memref<1x!tpu.dma_semaphore, #tpu.memory_space<semaphore_mem>>
    %dma_start3A_135 = tpu.memref_squeeze %dma_start3A_134 : memref<1x!tpu.dma_semaphore, #tpu.memory_space<semaphore_mem>> -> memref<!tpu.dma_semaphore, #tpu.memory_space<semaphore_mem>>
    tpu.enqueue_indirect_dma source(%dma_start3A_129 : memref<96xf32, #tpu.memory_space<vmem>>) target(%dma_start3A_133 : memref<50176xf32, #tpu.memory_space<vmem_shared>>) offsets(%dma_start3A_131 : memref<96xi32, #tpu.memory_space<vmem>>) semaphore(%dma_start3A_135 : memref<!tpu.dma_semaphore, #tpu.memory_space<semaphore_mem>>) {add = true}
    %dma_wait3A_136 = arith.constant 1 : i32
    %dma_wait3A_137 = arith.constant 2048 : i32
    %dma_wait3A_138 = tpu.memref_slice %arg13[%dma_wait3A_137] : memref<4096xf32, #tpu.memory_space<vmem>> -> memref<128xf32, #tpu.memory_space<vmem>>
    %dma_wait3A_139 = arith.constant 2048 : i32
    %dma_wait3A_140 = tpu.memref_slice %arg11[%dma_wait3A_139] : memref<4096xi32, #tpu.memory_space<vmem>> -> memref<128xi32, #tpu.memory_space<vmem>>
    %dma_wait3A_141 = arith.constant 0 : i32
    %dma_wait3A_142 = tpu.memref_slice %arg15[%dma_wait3A_141] : memref<50176xf32, #tpu.memory_space<vmem_shared>> -> memref<50176xf32, #tpu.memory_space<vmem_shared>>
    %dma_wait3A_143 = tpu.memref_slice %arg17[%dma_wait3A_136] : memref<2x!tpu.dma_semaphore, #tpu.memory_space<semaphore_mem>> -> memref<1x!tpu.dma_semaphore, #tpu.memory_space<semaphore_mem>>
    %dma_wait3A_144 = tpu.memref_squeeze %dma_wait3A_143 : memref<1x!tpu.dma_semaphore, #tpu.memory_space<semaphore_mem>> -> memref<!tpu.dma_semaphore, #tpu.memory_space<semaphore_mem>>
    tpu.wait_indirect_dma semaphore(%dma_wait3A_144 : memref<!tpu.dma_semaphore, #tpu.memory_space<semaphore_mem>>) src(%dma_wait3A_138 : memref<128xf32, #tpu.memory_space<vmem>>) dst(%dma_wait3A_142 : memref<50176xf32, #tpu.memory_space<vmem_shared>>)
    %dma_wait3A_145 = arith.constant 1 : i32
    %dma_wait3A_146 = arith.constant 2176 : i32
    %dma_wait3A_147 = tpu.memref_slice %arg13[%dma_wait3A_146] : memref<4096xf32, #tpu.memory_space<vmem>> -> memref<128xf32, #tpu.memory_space<vmem>>
    %dma_wait3A_148 = arith.constant 2176 : i32
    %dma_wait3A_149 = tpu.memref_slice %arg11[%dma_wait3A_148] : memref<4096xi32, #tpu.memory_space<vmem>> -> memref<128xi32, #tpu.memory_space<vmem>>
    %dma_wait3A_150 = arith.constant 0 : i32
    %dma_wait3A_151 = tpu.memref_slice %arg15[%dma_wait3A_150] : memref<50176xf32, #tpu.memory_space<vmem_shared>> -> memref<50176xf32, #tpu.memory_space<vmem_shared>>
    %dma_wait3A_152 = tpu.memref_slice %arg17[%dma_wait3A_145] : memref<2x!tpu.dma_semaphore, #tpu.memory_space<semaphore_mem>> -> memref<1x!tpu.dma_semaphore, #tpu.memory_space<semaphore_mem>>
    %dma_wait3A_153 = tpu.memref_squeeze %dma_wait3A_152 : memref<1x!tpu.dma_semaphore, #tpu.memory_space<semaphore_mem>> -> memref<!tpu.dma_semaphore, #tpu.memory_space<semaphore_mem>>
    tpu.wait_indirect_dma semaphore(%dma_wait3A_153 : memref<!tpu.dma_semaphore, #tpu.memory_space<semaphore_mem>>) src(%dma_wait3A_147 : memref<128xf32, #tpu.memory_space<vmem>>) dst(%dma_wait3A_151 : memref<50176xf32, #tpu.memory_space<vmem_shared>>)
    %dma_wait3A_154 = arith.constant 1 : i32
    %dma_wait3A_155 = arith.constant 2304 : i32
    %dma_wait3A_156 = tpu.memref_slice %arg13[%dma_wait3A_155] : memref<4096xf32, #tpu.memory_space<vmem>> -> memref<128xf32, #tpu.memory_space<vmem>>
    %dma_wait3A_157 = arith.constant 2304 : i32
    %dma_wait3A_158 = tpu.memref_slice %arg11[%dma_wait3A_157] : memref<4096xi32, #tpu.memory_space<vmem>> -> memref<128xi32, #tpu.memory_space<vmem>>
    %dma_wait3A_159 = arith.constant 0 : i32
    %dma_wait3A_160 = tpu.memref_slice %arg15[%dma_wait3A_159] : memref<50176xf32, #tpu.memory_space<vmem_shared>> -> memref<50176xf32, #tpu.memory_space<vmem_shared>>
    %dma_wait3A_161 = tpu.memref_slice %arg17[%dma_wait3A_154] : memref<2x!tpu.dma_semaphore, #tpu.memory_space<semaphore_mem>> -> memref<1x!tpu.dma_semaphore, #tpu.memory_space<semaphore_mem>>
    %dma_wait3A_162 = tpu.memref_squeeze %dma_wait3A_161 : memref<1x!tpu.dma_semaphore, #tpu.memory_space<semaphore_mem>> -> memref<!tpu.dma_semaphore, #tpu.memory_space<semaphore_mem>>
    tpu.wait_indirect_dma semaphore(%dma_wait3A_162 : memref<!tpu.dma_semaphore, #tpu.memory_space<semaphore_mem>>) src(%dma_wait3A_156 : memref<128xf32, #tpu.memory_space<vmem>>) dst(%dma_wait3A_160 : memref<50176xf32, #tpu.memory_space<vmem_shared>>)
    %dma_wait3A_163 = arith.constant 1 : i32
    %dma_wait3A_164 = arith.constant 2432 : i32
    %dma_wait3A_165 = tpu.memref_slice %arg13[%dma_wait3A_164] : memref<4096xf32, #tpu.memory_space<vmem>> -> memref<128xf32, #tpu.memory_space<vmem>>
    %dma_wait3A_166 = arith.constant 2432 : i32
    %dma_wait3A_167 = tpu.memref_slice %arg11[%dma_wait3A_166] : memref<4096xi32, #tpu.memory_space<vmem>> -> memref<128xi32, #tpu.memory_space<vmem>>
    %dma_wait3A_168 = arith.constant 0 : i32
    %dma_wait3A_169 = tpu.memref_slice %arg15[%dma_wait3A_168] : memref<50176xf32, #tpu.memory_space<vmem_shared>> -> memref<50176xf32, #tpu.memory_space<vmem_shared>>
    %dma_wait3A_170 = tpu.memref_slice %arg17[%dma_wait3A_163] : memref<2x!tpu.dma_semaphore, #tpu.memory_space<semaphore_mem>> -> memref<1x!tpu.dma_semaphore, #tpu.memory_space<semaphore_mem>>
    %dma_wait3A_171 = tpu.memref_squeeze %dma_wait3A_170 : memref<1x!tpu.dma_semaphore, #tpu.memory_space<semaphore_mem>> -> memref<!tpu.dma_semaphore, #tpu.memory_space<semaphore_mem>>
    tpu.wait_indirect_dma semaphore(%dma_wait3A_171 : memref<!tpu.dma_semaphore, #tpu.memory_space<semaphore_mem>>) src(%dma_wait3A_165 : memref<128xf32, #tpu.memory_space<vmem>>) dst(%dma_wait3A_169 : memref<50176xf32, #tpu.memory_space<vmem_shared>>)
    %dma_wait3A_172 = arith.constant 1 : i32
    %dma_wait3A_173 = arith.constant 2560 : i32
    %dma_wait3A_174 = tpu.memref_slice %arg13[%dma_wait3A_173] : memref<4096xf32, #tpu.memory_space<vmem>> -> memref<128xf32, #tpu.memory_space<vmem>>
    %dma_wait3A_175 = arith.constant 2560 : i32
    %dma_wait3A_176 = tpu.memref_slice %arg11[%dma_wait3A_175] : memref<4096xi32, #tpu.memory_space<vmem>> -> memref<128xi32, #tpu.memory_space<vmem>>
    %dma_wait3A_177 = arith.constant 0 : i32
    %dma_wait3A_178 = tpu.memref_slice %arg15[%dma_wait3A_177] : memref<50176xf32, #tpu.memory_space<vmem_shared>> -> memref<50176xf32, #tpu.memory_space<vmem_shared>>
    %dma_wait3A_179 = tpu.memref_slice %arg17[%dma_wait3A_172] : memref<2x!tpu.dma_semaphore, #tpu.memory_space<semaphore_mem>> -> memref<1x!tpu.dma_semaphore, #tpu.memory_space<semaphore_mem>>
    %dma_wait3A_180 = tpu.memref_squeeze %dma_wait3A_179 : memref<1x!tpu.dma_semaphore, #tpu.memory_space<semaphore_mem>> -> memref<!tpu.dma_semaphore, #tpu.memory_space<semaphore_mem>>
    tpu.wait_indirect_dma semaphore(%dma_wait3A_180 : memref<!tpu.dma_semaphore, #tpu.memory_space<semaphore_mem>>) src(%dma_wait3A_174 : memref<128xf32, #tpu.memory_space<vmem>>) dst(%dma_wait3A_178 : memref<50176xf32, #tpu.memory_space<vmem_shared>>)
    %dma_wait3A_181 = arith.constant 1 : i32
    %dma_wait3A_182 = arith.constant 2688 : i32
    %dma_wait3A_183 = tpu.memref_slice %arg13[%dma_wait3A_182] : memref<4096xf32, #tpu.memory_space<vmem>> -> memref<128xf32, #tpu.memory_space<vmem>>
    %dma_wait3A_184 = arith.constant 2688 : i32
    %dma_wait3A_185 = tpu.memref_slice %arg11[%dma_wait3A_184] : memref<4096xi32, #tpu.memory_space<vmem>> -> memref<128xi32, #tpu.memory_space<vmem>>
    %dma_wait3A_186 = arith.constant 0 : i32
    %dma_wait3A_187 = tpu.memref_slice %arg15[%dma_wait3A_186] : memref<50176xf32, #tpu.memory_space<vmem_shared>> -> memref<50176xf32, #tpu.memory_space<vmem_shared>>
    %dma_wait3A_188 = tpu.memref_slice %arg17[%dma_wait3A_181] : memref<2x!tpu.dma_semaphore, #tpu.memory_space<semaphore_mem>> -> memref<1x!tpu.dma_semaphore, #tpu.memory_space<semaphore_mem>>
    %dma_wait3A_189 = tpu.memref_squeeze %dma_wait3A_188 : memref<1x!tpu.dma_semaphore, #tpu.memory_space<semaphore_mem>> -> memref<!tpu.dma_semaphore, #tpu.memory_space<semaphore_mem>>
    tpu.wait_indirect_dma semaphore(%dma_wait3A_189 : memref<!tpu.dma_semaphore, #tpu.memory_space<semaphore_mem>>) src(%dma_wait3A_183 : memref<128xf32, #tpu.memory_space<vmem>>) dst(%dma_wait3A_187 : memref<50176xf32, #tpu.memory_space<vmem_shared>>)
    %dma_wait3A_190 = arith.constant 1 : i32
    %dma_wait3A_191 = arith.constant 2816 : i32
    %dma_wait3A_192 = tpu.memref_slice %arg13[%dma_wait3A_191] : memref<4096xf32, #tpu.memory_space<vmem>> -> memref<128xf32, #tpu.memory_space<vmem>>
    %dma_wait3A_193 = arith.constant 2816 : i32
    %dma_wait3A_194 = tpu.memref_slice %arg11[%dma_wait3A_193] : memref<4096xi32, #tpu.memory_space<vmem>> -> memref<128xi32, #tpu.memory_space<vmem>>
    %dma_wait3A_195 = arith.constant 0 : i32
    %dma_wait3A_196 = tpu.memref_slice %arg15[%dma_wait3A_195] : memref<50176xf32, #tpu.memory_space<vmem_shared>> -> memref<50176xf32, #tpu.memory_space<vmem_shared>>
    %dma_wait3A_197 = tpu.memref_slice %arg17[%dma_wait3A_190] : memref<2x!tpu.dma_semaphore, #tpu.memory_space<semaphore_mem>> -> memref<1x!tpu.dma_semaphore, #tpu.memory_space<semaphore_mem>>
    %dma_wait3A_198 = tpu.memref_squeeze %dma_wait3A_197 : memref<1x!tpu.dma_semaphore, #tpu.memory_space<semaphore_mem>> -> memref<!tpu.dma_semaphore, #tpu.memory_space<semaphore_mem>>
    tpu.wait_indirect_dma semaphore(%dma_wait3A_198 : memref<!tpu.dma_semaphore, #tpu.memory_space<semaphore_mem>>) src(%dma_wait3A_192 : memref<128xf32, #tpu.memory_space<vmem>>) dst(%dma_wait3A_196 : memref<50176xf32, #tpu.memory_space<vmem_shared>>)
    %dma_wait3A_199 = arith.constant 1 : i32
    %dma_wait3A_200 = arith.constant 2944 : i32
    %dma_wait3A_201 = tpu.memref_slice %arg13[%dma_wait3A_200] : memref<4096xf32, #tpu.memory_space<vmem>> -> memref<128xf32, #tpu.memory_space<vmem>>
    %dma_wait3A_202 = arith.constant 2944 : i32
    %dma_wait3A_203 = tpu.memref_slice %arg11[%dma_wait3A_202] : memref<4096xi32, #tpu.memory_space<vmem>> -> memref<128xi32, #tpu.memory_space<vmem>>
    %dma_wait3A_204 = arith.constant 0 : i32
    %dma_wait3A_205 = tpu.memref_slice %arg15[%dma_wait3A_204] : memref<50176xf32, #tpu.memory_space<vmem_shared>> -> memref<50176xf32, #tpu.memory_space<vmem_shared>>
    %dma_wait3A_206 = tpu.memref_slice %arg17[%dma_wait3A_199] : memref<2x!tpu.dma_semaphore, #tpu.memory_space<semaphore_mem>> -> memref<1x!tpu.dma_semaphore, #tpu.memory_space<semaphore_mem>>
    %dma_wait3A_207 = tpu.memref_squeeze %dma_wait3A_206 : memref<1x!tpu.dma_semaphore, #tpu.memory_space<semaphore_mem>> -> memref<!tpu.dma_semaphore, #tpu.memory_space<semaphore_mem>>
    tpu.wait_indirect_dma semaphore(%dma_wait3A_207 : memref<!tpu.dma_semaphore, #tpu.memory_space<semaphore_mem>>) src(%dma_wait3A_201 : memref<128xf32, #tpu.memory_space<vmem>>) dst(%dma_wait3A_205 : memref<50176xf32, #tpu.memory_space<vmem_shared>>)
    %dma_wait3A_208 = arith.constant 1 : i32
    %dma_wait3A_209 = arith.constant 3072 : i32
    %dma_wait3A_210 = tpu.memref_slice %arg13[%dma_wait3A_209] : memref<4096xf32, #tpu.memory_space<vmem>> -> memref<128xf32, #tpu.memory_space<vmem>>
    %dma_wait3A_211 = arith.constant 3072 : i32
    %dma_wait3A_212 = tpu.memref_slice %arg11[%dma_wait3A_211] : memref<4096xi32, #tpu.memory_space<vmem>> -> memref<128xi32, #tpu.memory_space<vmem>>
    %dma_wait3A_213 = arith.constant 0 : i32
    %dma_wait3A_214 = tpu.memref_slice %arg15[%dma_wait3A_213] : memref<50176xf32, #tpu.memory_space<vmem_shared>> -> memref<50176xf32, #tpu.memory_space<vmem_shared>>
    %dma_wait3A_215 = tpu.memref_slice %arg17[%dma_wait3A_208] : memref<2x!tpu.dma_semaphore, #tpu.memory_space<semaphore_mem>> -> memref<1x!tpu.dma_semaphore, #tpu.memory_space<semaphore_mem>>
    %dma_wait3A_216 = tpu.memref_squeeze %dma_wait3A_215 : memref<1x!tpu.dma_semaphore, #tpu.memory_space<semaphore_mem>> -> memref<!tpu.dma_semaphore, #tpu.memory_space<semaphore_mem>>
    tpu.wait_indirect_dma semaphore(%dma_wait3A_216 : memref<!tpu.dma_semaphore, #tpu.memory_space<semaphore_mem>>) src(%dma_wait3A_210 : memref<128xf32, #tpu.memory_space<vmem>>) dst(%dma_wait3A_214 : memref<50176xf32, #tpu.memory_space<vmem_shared>>)
    %dma_wait3A_217 = arith.constant 1 : i32
    %dma_wait3A_218 = arith.constant 3200 : i32
    %dma_wait3A_219 = tpu.memref_slice %arg13[%dma_wait3A_218] : memref<4096xf32, #tpu.memory_space<vmem>> -> memref<128xf32, #tpu.memory_space<vmem>>
    %dma_wait3A_220 = arith.constant 3200 : i32
    %dma_wait3A_221 = tpu.memref_slice %arg11[%dma_wait3A_220] : memref<4096xi32, #tpu.memory_space<vmem>> -> memref<128xi32, #tpu.memory_space<vmem>>
    %dma_wait3A_222 = arith.constant 0 : i32
    %dma_wait3A_223 = tpu.memref_slice %arg15[%dma_wait3A_222] : memref<50176xf32, #tpu.memory_space<vmem_shared>> -> memref<50176xf32, #tpu.memory_space<vmem_shared>>
    %dma_wait3A_224 = tpu.memref_slice %arg17[%dma_wait3A_217] : memref<2x!tpu.dma_semaphore, #tpu.memory_space<semaphore_mem>> -> memref<1x!tpu.dma_semaphore, #tpu.memory_space<semaphore_mem>>
    %dma_wait3A_225 = tpu.memref_squeeze %dma_wait3A_224 : memref<1x!tpu.dma_semaphore, #tpu.memory_space<semaphore_mem>> -> memref<!tpu.dma_semaphore, #tpu.memory_space<semaphore_mem>>
    tpu.wait_indirect_dma semaphore(%dma_wait3A_225 : memref<!tpu.dma_semaphore, #tpu.memory_space<semaphore_mem>>) src(%dma_wait3A_219 : memref<128xf32, #tpu.memory_space<vmem>>) dst(%dma_wait3A_223 : memref<50176xf32, #tpu.memory_space<vmem_shared>>)
    %dma_wait3A_226 = arith.constant 1 : i32
    %dma_wait3A_227 = arith.constant 3328 : i32
    %dma_wait3A_228 = tpu.memref_slice %arg13[%dma_wait3A_227] : memref<4096xf32, #tpu.memory_space<vmem>> -> memref<128xf32, #tpu.memory_space<vmem>>
    %dma_wait3A_229 = arith.constant 3328 : i32
    %dma_wait3A_230 = tpu.memref_slice %arg11[%dma_wait3A_229] : memref<4096xi32, #tpu.memory_space<vmem>> -> memref<128xi32, #tpu.memory_space<vmem>>
    %dma_wait3A_231 = arith.constant 0 : i32
    %dma_wait3A_232 = tpu.memref_slice %arg15[%dma_wait3A_231] : memref<50176xf32, #tpu.memory_space<vmem_shared>> -> memref<50176xf32, #tpu.memory_space<vmem_shared>>
    %dma_wait3A_233 = tpu.memref_slice %arg17[%dma_wait3A_226] : memref<2x!tpu.dma_semaphore, #tpu.memory_space<semaphore_mem>> -> memref<1x!tpu.dma_semaphore, #tpu.memory_space<semaphore_mem>>
    %dma_wait3A_234 = tpu.memref_squeeze %dma_wait3A_233 : memref<1x!tpu.dma_semaphore, #tpu.memory_space<semaphore_mem>> -> memref<!tpu.dma_semaphore, #tpu.memory_space<semaphore_mem>>
    tpu.wait_indirect_dma semaphore(%dma_wait3A_234 : memref<!tpu.dma_semaphore, #tpu.memory_space<semaphore_mem>>) src(%dma_wait3A_228 : memref<128xf32, #tpu.memory_space<vmem>>) dst(%dma_wait3A_232 : memref<50176xf32, #tpu.memory_space<vmem_shared>>)
    %dma_wait3A_235 = arith.constant 1 : i32
    %dma_wait3A_236 = arith.constant 3456 : i32
    %dma_wait3A_237 = tpu.memref_slice %arg13[%dma_wait3A_236] : memref<4096xf32, #tpu.memory_space<vmem>> -> memref<128xf32, #tpu.memory_space<vmem>>
    %dma_wait3A_238 = arith.constant 3456 : i32
    %dma_wait3A_239 = tpu.memref_slice %arg11[%dma_wait3A_238] : memref<4096xi32, #tpu.memory_space<vmem>> -> memref<128xi32, #tpu.memory_space<vmem>>
    %dma_wait3A_240 = arith.constant 0 : i32
    %dma_wait3A_241 = tpu.memref_slice %arg15[%dma_wait3A_240] : memref<50176xf32, #tpu.memory_space<vmem_shared>> -> memref<50176xf32, #tpu.memory_space<vmem_shared>>
    %dma_wait3A_242 = tpu.memref_slice %arg17[%dma_wait3A_235] : memref<2x!tpu.dma_semaphore, #tpu.memory_space<semaphore_mem>> -> memref<1x!tpu.dma_semaphore, #tpu.memory_space<semaphore_mem>>
    %dma_wait3A_243 = tpu.memref_squeeze %dma_wait3A_242 : memref<1x!tpu.dma_semaphore, #tpu.memory_space<semaphore_mem>> -> memref<!tpu.dma_semaphore, #tpu.memory_space<semaphore_mem>>
    tpu.wait_indirect_dma semaphore(%dma_wait3A_243 : memref<!tpu.dma_semaphore, #tpu.memory_space<semaphore_mem>>) src(%dma_wait3A_237 : memref<128xf32, #tpu.memory_space<vmem>>) dst(%dma_wait3A_241 : memref<50176xf32, #tpu.memory_space<vmem_shared>>)
    %dma_wait3A_244 = arith.constant 1 : i32
    %dma_wait3A_245 = arith.constant 3584 : i32
    %dma_wait3A_246 = tpu.memref_slice %arg13[%dma_wait3A_245] : memref<4096xf32, #tpu.memory_space<vmem>> -> memref<128xf32, #tpu.memory_space<vmem>>
    %dma_wait3A_247 = arith.constant 3584 : i32
    %dma_wait3A_248 = tpu.memref_slice %arg11[%dma_wait3A_247] : memref<4096xi32, #tpu.memory_space<vmem>> -> memref<128xi32, #tpu.memory_space<vmem>>
    %dma_wait3A_249 = arith.constant 0 : i32
    %dma_wait3A_250 = tpu.memref_slice %arg15[%dma_wait3A_249] : memref<50176xf32, #tpu.memory_space<vmem_shared>> -> memref<50176xf32, #tpu.memory_space<vmem_shared>>
    %dma_wait3A_251 = tpu.memref_slice %arg17[%dma_wait3A_244] : memref<2x!tpu.dma_semaphore, #tpu.memory_space<semaphore_mem>> -> memref<1x!tpu.dma_semaphore, #tpu.memory_space<semaphore_mem>>
    %dma_wait3A_252 = tpu.memref_squeeze %dma_wait3A_251 : memref<1x!tpu.dma_semaphore, #tpu.memory_space<semaphore_mem>> -> memref<!tpu.dma_semaphore, #tpu.memory_space<semaphore_mem>>
    tpu.wait_indirect_dma semaphore(%dma_wait3A_252 : memref<!tpu.dma_semaphore, #tpu.memory_space<semaphore_mem>>) src(%dma_wait3A_246 : memref<128xf32, #tpu.memory_space<vmem>>) dst(%dma_wait3A_250 : memref<50176xf32, #tpu.memory_space<vmem_shared>>)
    %dma_wait3A_253 = arith.constant 1 : i32
    %dma_wait3A_254 = arith.constant 3712 : i32
    %dma_wait3A_255 = tpu.memref_slice %arg13[%dma_wait3A_254] : memref<4096xf32, #tpu.memory_space<vmem>> -> memref<128xf32, #tpu.memory_space<vmem>>
    %dma_wait3A_256 = arith.constant 3712 : i32
    %dma_wait3A_257 = tpu.memref_slice %arg11[%dma_wait3A_256] : memref<4096xi32, #tpu.memory_space<vmem>> -> memref<128xi32, #tpu.memory_space<vmem>>
    %dma_wait3A_258 = arith.constant 0 : i32
    %dma_wait3A_259 = tpu.memref_slice %arg15[%dma_wait3A_258] : memref<50176xf32, #tpu.memory_space<vmem_shared>> -> memref<50176xf32, #tpu.memory_space<vmem_shared>>
    %dma_wait3A_260 = tpu.memref_slice %arg17[%dma_wait3A_253] : memref<2x!tpu.dma_semaphore, #tpu.memory_space<semaphore_mem>> -> memref<1x!tpu.dma_semaphore, #tpu.memory_space<semaphore_mem>>
    %dma_wait3A_261 = tpu.memref_squeeze %dma_wait3A_260 : memref<1x!tpu.dma_semaphore, #tpu.memory_space<semaphore_mem>> -> memref<!tpu.dma_semaphore, #tpu.memory_space<semaphore_mem>>
    tpu.wait_indirect_dma semaphore(%dma_wait3A_261 : memref<!tpu.dma_semaphore, #tpu.memory_space<semaphore_mem>>) src(%dma_wait3A_255 : memref<128xf32, #tpu.memory_space<vmem>>) dst(%dma_wait3A_259 : memref<50176xf32, #tpu.memory_space<vmem_shared>>)
    %dma_wait3A_262 = arith.constant 1 : i32
    %dma_wait3A_263 = arith.constant 3840 : i32
    %dma_wait3A_264 = tpu.memref_slice %arg13[%dma_wait3A_263] : memref<4096xf32, #tpu.memory_space<vmem>> -> memref<128xf32, #tpu.memory_space<vmem>>
    %dma_wait3A_265 = arith.constant 3840 : i32
    %dma_wait3A_266 = tpu.memref_slice %arg11[%dma_wait3A_265] : memref<4096xi32, #tpu.memory_space<vmem>> -> memref<128xi32, #tpu.memory_space<vmem>>
    %dma_wait3A_267 = arith.constant 0 : i32
    %dma_wait3A_268 = tpu.memref_slice %arg15[%dma_wait3A_267] : memref<50176xf32, #tpu.memory_space<vmem_shared>> -> memref<50176xf32, #tpu.memory_space<vmem_shared>>
    %dma_wait3A_269 = tpu.memref_slice %arg17[%dma_wait3A_262] : memref<2x!tpu.dma_semaphore, #tpu.memory_space<semaphore_mem>> -> memref<1x!tpu.dma_semaphore, #tpu.memory_space<semaphore_mem>>
    %dma_wait3A_270 = tpu.memref_squeeze %dma_wait3A_269 : memref<1x!tpu.dma_semaphore, #tpu.memory_space<semaphore_mem>> -> memref<!tpu.dma_semaphore, #tpu.memory_space<semaphore_mem>>
    tpu.wait_indirect_dma semaphore(%dma_wait3A_270 : memref<!tpu.dma_semaphore, #tpu.memory_space<semaphore_mem>>) src(%dma_wait3A_264 : memref<128xf32, #tpu.memory_space<vmem>>) dst(%dma_wait3A_268 : memref<50176xf32, #tpu.memory_space<vmem_shared>>)
    %dma_wait3A_271 = arith.constant 1 : i32
    %dma_wait3A_272 = arith.constant 3968 : i32
    %dma_wait3A_273 = tpu.memref_slice %arg13[%dma_wait3A_272] : memref<4096xf32, #tpu.memory_space<vmem>> -> memref<128xf32, #tpu.memory_space<vmem>>
    %dma_wait3A_274 = arith.constant 3968 : i32
    %dma_wait3A_275 = tpu.memref_slice %arg11[%dma_wait3A_274] : memref<4096xi32, #tpu.memory_space<vmem>> -> memref<128xi32, #tpu.memory_space<vmem>>
    %dma_wait3A_276 = arith.constant 0 : i32
    %dma_wait3A_277 = tpu.memref_slice %arg15[%dma_wait3A_276] : memref<50176xf32, #tpu.memory_space<vmem_shared>> -> memref<50176xf32, #tpu.memory_space<vmem_shared>>
    %dma_wait3A_278 = tpu.memref_slice %arg17[%dma_wait3A_271] : memref<2x!tpu.dma_semaphore, #tpu.memory_space<semaphore_mem>> -> memref<1x!tpu.dma_semaphore, #tpu.memory_space<semaphore_mem>>
    %dma_wait3A_279 = tpu.memref_squeeze %dma_wait3A_278 : memref<1x!tpu.dma_semaphore, #tpu.memory_space<semaphore_mem>> -> memref<!tpu.dma_semaphore, #tpu.memory_space<semaphore_mem>>
    tpu.wait_indirect_dma semaphore(%dma_wait3A_279 : memref<!tpu.dma_semaphore, #tpu.memory_space<semaphore_mem>>) src(%dma_wait3A_273 : memref<128xf32, #tpu.memory_space<vmem>>) dst(%dma_wait3A_277 : memref<50176xf32, #tpu.memory_space<vmem_shared>>)
    %dma_wait3A_280 = arith.constant 0 : i32
    %dma_wait3A_281 = arith.constant 0 : i32
    %dma_wait3A_282 = tpu.memref_slice %arg13[%dma_wait3A_281] : memref<4096xf32, #tpu.memory_space<vmem>> -> memref<128xf32, #tpu.memory_space<vmem>>
    %dma_wait3A_283 = arith.constant 0 : i32
    %dma_wait3A_284 = tpu.memref_slice %arg11[%dma_wait3A_283] : memref<4096xi32, #tpu.memory_space<vmem>> -> memref<128xi32, #tpu.memory_space<vmem>>
    %dma_wait3A_285 = arith.constant 0 : i32
    %dma_wait3A_286 = tpu.memref_slice %arg15[%dma_wait3A_285] : memref<50176xf32, #tpu.memory_space<vmem_shared>> -> memref<50176xf32, #tpu.memory_space<vmem_shared>>
    %dma_wait3A_287 = tpu.memref_slice %arg17[%dma_wait3A_280] : memref<2x!tpu.dma_semaphore, #tpu.memory_space<semaphore_mem>> -> memref<1x!tpu.dma_semaphore, #tpu.memory_space<semaphore_mem>>
    %dma_wait3A_288 = tpu.memref_squeeze %dma_wait3A_287 : memref<1x!tpu.dma_semaphore, #tpu.memory_space<semaphore_mem>> -> memref<!tpu.dma_semaphore, #tpu.memory_space<semaphore_mem>>
    tpu.wait_indirect_dma semaphore(%dma_wait3A_288 : memref<!tpu.dma_semaphore, #tpu.memory_space<semaphore_mem>>) src(%dma_wait3A_282 : memref<128xf32, #tpu.memory_space<vmem>>) dst(%dma_wait3A_286 : memref<50176xf32, #tpu.memory_space<vmem_shared>>)
    %dma_wait3A_289 = arith.constant 0 : i32
    %dma_wait3A_290 = arith.constant 128 : i32
    %dma_wait3A_291 = tpu.memref_slice %arg13[%dma_wait3A_290] : memref<4096xf32, #tpu.memory_space<vmem>> -> memref<128xf32, #tpu.memory_space<vmem>>
    %dma_wait3A_292 = arith.constant 128 : i32
    %dma_wait3A_293 = tpu.memref_slice %arg11[%dma_wait3A_292] : memref<4096xi32, #tpu.memory_space<vmem>> -> memref<128xi32, #tpu.memory_space<vmem>>
    %dma_wait3A_294 = arith.constant 0 : i32
    %dma_wait3A_295 = tpu.memref_slice %arg15[%dma_wait3A_294] : memref<50176xf32, #tpu.memory_space<vmem_shared>> -> memref<50176xf32, #tpu.memory_space<vmem_shared>>
    %dma_wait3A_296 = tpu.memref_slice %arg17[%dma_wait3A_289] : memref<2x!tpu.dma_semaphore, #tpu.memory_space<semaphore_mem>> -> memref<1x!tpu.dma_semaphore, #tpu.memory_space<semaphore_mem>>
    %dma_wait3A_297 = tpu.memref_squeeze %dma_wait3A_296 : memref<1x!tpu.dma_semaphore, #tpu.memory_space<semaphore_mem>> -> memref<!tpu.dma_semaphore, #tpu.memory_space<semaphore_mem>>
    tpu.wait_indirect_dma semaphore(%dma_wait3A_297 : memref<!tpu.dma_semaphore, #tpu.memory_space<semaphore_mem>>) src(%dma_wait3A_291 : memref<128xf32, #tpu.memory_space<vmem>>) dst(%dma_wait3A_295 : memref<50176xf32, #tpu.memory_space<vmem_shared>>)
    %dma_wait3A_298 = arith.constant 0 : i32
    %dma_wait3A_299 = arith.constant 256 : i32
    %dma_wait3A_300 = tpu.memref_slice %arg13[%dma_wait3A_299] : memref<4096xf32, #tpu.memory_space<vmem>> -> memref<128xf32, #tpu.memory_space<vmem>>
    %dma_wait3A_301 = arith.constant 256 : i32
    %dma_wait3A_302 = tpu.memref_slice %arg11[%dma_wait3A_301] : memref<4096xi32, #tpu.memory_space<vmem>> -> memref<128xi32, #tpu.memory_space<vmem>>
    %dma_wait3A_303 = arith.constant 0 : i32
    %dma_wait3A_304 = tpu.memref_slice %arg15[%dma_wait3A_303] : memref<50176xf32, #tpu.memory_space<vmem_shared>> -> memref<50176xf32, #tpu.memory_space<vmem_shared>>
    %dma_wait3A_305 = tpu.memref_slice %arg17[%dma_wait3A_298] : memref<2x!tpu.dma_semaphore, #tpu.memory_space<semaphore_mem>> -> memref<1x!tpu.dma_semaphore, #tpu.memory_space<semaphore_mem>>
    %dma_wait3A_306 = tpu.memref_squeeze %dma_wait3A_305 : memref<1x!tpu.dma_semaphore, #tpu.memory_space<semaphore_mem>> -> memref<!tpu.dma_semaphore, #tpu.memory_space<semaphore_mem>>
    tpu.wait_indirect_dma semaphore(%dma_wait3A_306 : memref<!tpu.dma_semaphore, #tpu.memory_space<semaphore_mem>>) src(%dma_wait3A_300 : memref<128xf32, #tpu.memory_space<vmem>>) dst(%dma_wait3A_304 : memref<50176xf32, #tpu.memory_space<vmem_shared>>)
    %dma_wait3A_307 = arith.constant 0 : i32
    %dma_wait3A_308 = arith.constant 384 : i32
    %dma_wait3A_309 = tpu.memref_slice %arg13[%dma_wait3A_308] : memref<4096xf32, #tpu.memory_space<vmem>> -> memref<128xf32, #tpu.memory_space<vmem>>
    %dma_wait3A_310 = arith.constant 384 : i32
    %dma_wait3A_311 = tpu.memref_slice %arg11[%dma_wait3A_310] : memref<4096xi32, #tpu.memory_space<vmem>> -> memref<128xi32, #tpu.memory_space<vmem>>
    %dma_wait3A_312 = arith.constant 0 : i32
    %dma_wait3A_313 = tpu.memref_slice %arg15[%dma_wait3A_312] : memref<50176xf32, #tpu.memory_space<vmem_shared>> -> memref<50176xf32, #tpu.memory_space<vmem_shared>>
    %dma_wait3A_314 = tpu.memref_slice %arg17[%dma_wait3A_307] : memref<2x!tpu.dma_semaphore, #tpu.memory_space<semaphore_mem>> -> memref<1x!tpu.dma_semaphore, #tpu.memory_space<semaphore_mem>>
    %dma_wait3A_315 = tpu.memref_squeeze %dma_wait3A_314 : memref<1x!tpu.dma_semaphore, #tpu.memory_space<semaphore_mem>> -> memref<!tpu.dma_semaphore, #tpu.memory_space<semaphore_mem>>
    tpu.wait_indirect_dma semaphore(%dma_wait3A_315 : memref<!tpu.dma_semaphore, #tpu.memory_space<semaphore_mem>>) src(%dma_wait3A_309 : memref<128xf32, #tpu.memory_space<vmem>>) dst(%dma_wait3A_313 : memref<50176xf32, #tpu.memory_space<vmem_shared>>)
    %dma_wait3A_316 = arith.constant 0 : i32
    %dma_wait3A_317 = arith.constant 512 : i32
    %dma_wait3A_318 = tpu.memref_slice %arg13[%dma_wait3A_317] : memref<4096xf32, #tpu.memory_space<vmem>> -> memref<128xf32, #tpu.memory_space<vmem>>
    %dma_wait3A_319 = arith.constant 512 : i32
    %dma_wait3A_320 = tpu.memref_slice %arg11[%dma_wait3A_319] : memref<4096xi32, #tpu.memory_space<vmem>> -> memref<128xi32, #tpu.memory_space<vmem>>
    %dma_wait3A_321 = arith.constant 0 : i32
    %dma_wait3A_322 = tpu.memref_slice %arg15[%dma_wait3A_321] : memref<50176xf32, #tpu.memory_space<vmem_shared>> -> memref<50176xf32, #tpu.memory_space<vmem_shared>>
    %dma_wait3A_323 = tpu.memref_slice %arg17[%dma_wait3A_316] : memref<2x!tpu.dma_semaphore, #tpu.memory_space<semaphore_mem>> -> memref<1x!tpu.dma_semaphore, #tpu.memory_space<semaphore_mem>>
    %dma_wait3A_324 = tpu.memref_squeeze %dma_wait3A_323 : memref<1x!tpu.dma_semaphore, #tpu.memory_space<semaphore_mem>> -> memref<!tpu.dma_semaphore, #tpu.memory_space<semaphore_mem>>
    tpu.wait_indirect_dma semaphore(%dma_wait3A_324 : memref<!tpu.dma_semaphore, #tpu.memory_space<semaphore_mem>>) src(%dma_wait3A_318 : memref<128xf32, #tpu.memory_space<vmem>>) dst(%dma_wait3A_322 : memref<50176xf32, #tpu.memory_space<vmem_shared>>)
    %dma_wait3A_325 = arith.constant 0 : i32
    %dma_wait3A_326 = arith.constant 640 : i32
    %dma_wait3A_327 = tpu.memref_slice %arg13[%dma_wait3A_326] : memref<4096xf32, #tpu.memory_space<vmem>> -> memref<128xf32, #tpu.memory_space<vmem>>
    %dma_wait3A_328 = arith.constant 640 : i32
    %dma_wait3A_329 = tpu.memref_slice %arg11[%dma_wait3A_328] : memref<4096xi32, #tpu.memory_space<vmem>> -> memref<128xi32, #tpu.memory_space<vmem>>
    %dma_wait3A_330 = arith.constant 0 : i32
    %dma_wait3A_331 = tpu.memref_slice %arg15[%dma_wait3A_330] : memref<50176xf32, #tpu.memory_space<vmem_shared>> -> memref<50176xf32, #tpu.memory_space<vmem_shared>>
    %dma_wait3A_332 = tpu.memref_slice %arg17[%dma_wait3A_325] : memref<2x!tpu.dma_semaphore, #tpu.memory_space<semaphore_mem>> -> memref<1x!tpu.dma_semaphore, #tpu.memory_space<semaphore_mem>>
    %dma_wait3A_333 = tpu.memref_squeeze %dma_wait3A_332 : memref<1x!tpu.dma_semaphore, #tpu.memory_space<semaphore_mem>> -> memref<!tpu.dma_semaphore, #tpu.memory_space<semaphore_mem>>
    tpu.wait_indirect_dma semaphore(%dma_wait3A_333 : memref<!tpu.dma_semaphore, #tpu.memory_space<semaphore_mem>>) src(%dma_wait3A_327 : memref<128xf32, #tpu.memory_space<vmem>>) dst(%dma_wait3A_331 : memref<50176xf32, #tpu.memory_space<vmem_shared>>)
    %dma_wait3A_334 = arith.constant 0 : i32
    %dma_wait3A_335 = arith.constant 768 : i32
    %dma_wait3A_336 = tpu.memref_slice %arg13[%dma_wait3A_335] : memref<4096xf32, #tpu.memory_space<vmem>> -> memref<96xf32, #tpu.memory_space<vmem>>
    %dma_wait3A_337 = arith.constant 768 : i32
    %dma_wait3A_338 = tpu.memref_slice %arg11[%dma_wait3A_337] : memref<4096xi32, #tpu.memory_space<vmem>> -> memref<96xi32, #tpu.memory_space<vmem>>
    %dma_wait3A_339 = arith.constant 0 : i32
    %dma_wait3A_340 = tpu.memref_slice %arg15[%dma_wait3A_339] : memref<50176xf32, #tpu.memory_space<vmem_shared>> -> memref<50176xf32, #tpu.memory_space<vmem_shared>>
    %dma_wait3A_341 = tpu.memref_slice %arg17[%dma_wait3A_334] : memref<2x!tpu.dma_semaphore, #tpu.memory_space<semaphore_mem>> -> memref<1x!tpu.dma_semaphore, #tpu.memory_space<semaphore_mem>>
    %dma_wait3A_342 = tpu.memref_squeeze %dma_wait3A_341 : memref<1x!tpu.dma_semaphore, #tpu.memory_space<semaphore_mem>> -> memref<!tpu.dma_semaphore, #tpu.memory_space<semaphore_mem>>
    tpu.wait_indirect_dma semaphore(%dma_wait3A_342 : memref<!tpu.dma_semaphore, #tpu.memory_space<semaphore_mem>>) src(%dma_wait3A_336 : memref<96xf32, #tpu.memory_space<vmem>>) dst(%dma_wait3A_340 : memref<50176xf32, #tpu.memory_space<vmem_shared>>)
    %barrier3A_343 = arith.constant 0 : index
    tpu.barrier barrier_id(%barrier3A_343)
    %mul3A_344 = arith.constant 3136 : i32
    %mul3A_345 = arith.muli %arg1, %mul3A_344 : i32
    "tpu.region"() ({
      %run_scoped3A = tpu.sem_alloc : memref<!tpu.dma_semaphore, #tpu.memory_space<semaphore_mem>>
      %dma_start3A_351 = tpu.memref_slice %arg15[%mul3A_345] : memref<50176xf32, #tpu.memory_space<vmem_shared>> -> memref<3136xf32, #tpu.memory_space<vmem_shared>>
      %dma_start3A_352 = tpu.memref_slice %arg15[%mul3A_345] : memref<50176xf32, #tpu.memory_space<vmem_shared>> -> memref<3136xf32, #tpu.memory_space<vmem_shared>>
      tpu.enqueue_dma source(%dma_start3A_352 : memref<3136xf32, #tpu.memory_space<vmem_shared>>) target(%arg14 : memref<3136xf32, #tpu.memory_space<vmem>>) target_semaphore(%run_scoped3A : memref<!tpu.dma_semaphore, #tpu.memory_space<semaphore_mem>>)
      %dma_wait3A_353 = tpu.memref_slice %arg15[%mul3A_345] : memref<50176xf32, #tpu.memory_space<vmem_shared>> -> memref<3136xf32, #tpu.memory_space<vmem_shared>>
      %dma_wait3A_354 = tpu.memref_slice %arg15[%mul3A_345] : memref<50176xf32, #tpu.memory_space<vmem_shared>> -> memref<3136xf32, #tpu.memory_space<vmem_shared>>
      tpu.wait_dma2 semaphore(%run_scoped3A : memref<!tpu.dma_semaphore, #tpu.memory_space<semaphore_mem>>) src(%dma_wait3A_354 : memref<3136xf32, #tpu.memory_space<vmem_shared>>) dst(%arg14 : memref<3136xf32, #tpu.memory_space<vmem>>)
      tpu.yield
    }) : () -> ()
    %mul3A_346 = arith.constant 50176 : i32
    %mul3A_347 = arith.muli %arg0, %mul3A_346 : i32
    %mul3A_348 = arith.constant 3136 : i32
    %mul3A_349 = arith.muli %arg1, %mul3A_348 : i32
    %add3A_350 = arith.addi %mul3A_347, %mul3A_349 : i32
    "tpu.region"() ({
      %run_scoped3A = tpu.sem_alloc : memref<!tpu.dma_semaphore, #tpu.memory_space<semaphore_mem>>
      %dma_start3A_351 = tpu.memref_slice %arg7[%add3A_350] : memref<100352xf32, #tpu.memory_space<hbm>> -> memref<3136xf32, #tpu.memory_space<hbm>>
      %dma_start3A_352 = tpu.memref_slice %arg7[%add3A_350] : memref<100352xf32, #tpu.memory_space<hbm>> -> memref<3136xf32, #tpu.memory_space<hbm>>
      tpu.enqueue_dma source(%arg14 : memref<3136xf32, #tpu.memory_space<vmem>>) target(%dma_start3A_352 : memref<3136xf32, #tpu.memory_space<hbm>>) target_semaphore(%run_scoped3A : memref<!tpu.dma_semaphore, #tpu.memory_space<semaphore_mem>>)
      %dma_wait3A_353 = tpu.memref_slice %arg7[%add3A_350] : memref<100352xf32, #tpu.memory_space<hbm>> -> memref<3136xf32, #tpu.memory_space<hbm>>
      %dma_wait3A_354 = tpu.memref_slice %arg7[%add3A_350] : memref<100352xf32, #tpu.memory_space<hbm>> -> memref<3136xf32, #tpu.memory_space<hbm>>
      tpu.wait_dma2 semaphore(%run_scoped3A : memref<!tpu.dma_semaphore, #tpu.memory_space<semaphore_mem>>) src(%arg14 : memref<3136xf32, #tpu.memory_space<vmem>>) dst(%dma_wait3A_354 : memref<3136xf32, #tpu.memory_space<hbm>>)
      tpu.yield
    }) : () -> ()
    return
  }
}

</mosaic_0001>

<sc_bundles>
// kernel: kernel.3.cloned.1.call-start
scs
__scs_entry_jumppad:
0x0: {  	(pc) =	sbr.rel $0x88, $3  }
0x1: {  	(tag) =	ssettag $0x0;
	lr =	simm.s32 $0x1  }
0x2: {  	[smem:$0x3F9D] =	sst lr;
	_ =	strace $0xD0000000  }
0x3: {  	_ = 	snop  }
0x4: {  	_ = 	snop  }
0x5: {  	_ = 	snop  }
0x6: {  	_ = 	snop  }
0x7: {  	_ = 	snop  }
__scs_overlays_trampoline_lowered:
0x8: {  	[smem:$0x3FAC] =	sst s0  }
0x9: {  	[smem:$0x3FAD] =	sst s1  }
0xa: {  	[smem:$0x3FAE] =	sst s2  }
0xb: {  	[smem:$0x3FAF] =	sst s3  }
0xc: {  	[smem:$0x3FB0] =	sst s4  }
0xd: {  	[smem:$0x3FB1] =	sst s5  }
0xe: {  	[smem:$0x3FB2] =	sst s6  }
0xf: {  	[smem:$0x3FB3] =	sst s7  }
0x10: {  	[smem:$0x3FB4] =	sst s8  }
0x11: {  	[smem:$0x3FB5] =	sst s9;
	s0 =	simm.s32 @!p0 $0x0  }
0x12: {  	s1 =	sld [smem:$0x3F9B];
	s0 =	simm.s32 @p0 $0x1  }
0x13: {  	[smem:$0x3FB6] =	sst s0;
	s0 =	simm.s32 @!p1 $0x0  }
0x14: {  	s2 =	sld [smem:$0x3F9A];
	s0 =	simm.s32 @p1 $0x1  }
0x15: {  	[smem:$0x3FB7] =	sst s0;
	s0 =	simm.s32 @!p2 $0x0  }
0x16: {  	s3 =	sld [smem:$0x3FDB];
	s0 =	simm.s32 @p2 $0x1  }
0x17: {  	s4 =	simm.s32 $0x1BF5;
	[smem:$0x3FB9] =	sst s0  }
0x18: {  	s0 =	sld [smem:$0x3F9C];
	_ =	swait.ge [sflag:s4], $0x0  }
0x19: {  	s7 =	sld [smem:$0x3F9D]  }
0x1a: {  	s8 =	sadd.s32 $0xFFFFE003, lr  }
0x1b: {  	s9 =	sadd.s32 $0xFFFFFEF7, lr;
	s5 =	simm.s32 $0xFFFFFFFF;
	p2 =	slt.u32 s8, $0xFFFFF086  }
0x1c: {  	p1 =	slt.u32 s9, $0xF7A;
	s5 =	simm.s32 @!p2 $0x0  }
0x1d: {  	s5 =	simm.s32 @p1 $0x1;
	p0 =	seq.s32 s7, s2  }
0x1e: {  	s7 =	smul.u32 @!p0 $0xF7A, s2;
	p2 =	seq.s32 @!p0 s5, $0x0  }
0x1f: {  	s9 =	smul.u32 $0xF7A, s1;
	s8 =	simm.s32 @!p0 $0x1BF5;
	p2 =	por !p2, p0  }
0x20: {  	[sflag:s8] =	ssyncset.s32 @!p0 $0xFFFFF086;
	s6 =	sadd.s32 @!p0 s3, s7;
	s7 =	simm.s32 @!p0 $0x108  }
0x21: {  	s3 =	sadd.s32 s3, s9;
	s6 =	sadd.s32 @!p0 $0x88, s6;
	s7 =	simm.s32 @p2 $0x1082  }
0x22: {  	[simem:s7], [sflag:s8] =	dma.local @!p0 [hbm:s6], $0xF7A  }
0x23: {  	s9 =	sor.u32 $0xD0000000, s2;
	s6 =	simm.s32 $0x108;
	_ =	swait.ge @!p0 [sflag:s8], $0x0  }
0x24: {  	s3 =	sadd.s32 $0x88, s3;
	s6 =	simm.s32 @!p1 $0x1082;
	[sflag:s4] =	ssyncset.s32 $0xFFFFF086  }
0x25: {  	[simem:s6], [sflag:s4] =	dma.local [hbm:s3], $0xF7A  }
0x26: {  	[smem:$0x3F9D] =	sst s1;
	(tag) =	ssettag s2;
	_ =	strace s9  }
0x27: {  	s1 =	sld [smem:$0x3FAD]  }
0x28: {  	s2 =	sld [smem:$0x3FAE]  }
0x29: {  	s4 =	sld [smem:$0x3FB0]  }
0x2a: {  	p0 =	seq.s32 s5, $0x0;
	s5 =	sld [smem:$0x3FB1]  }
0x2b: {  	s6 =	sld [smem:$0x3FB2]  }
0x2c: {  	s7 =	sld [smem:$0x3FB3]  }
0x2d: {  	s3 =	simm.s32 $0x108;
	s8 =	sld [smem:$0x3FB4]  }
0x2e: {  	s3 =	simm.s32 @!p0 $0x1082;
	s9 =	sld [smem:$0x3FB5]  }
0x2f: {  	lr =	sadd.s32 s0, s3;
	s0 =	sld [smem:$0x3FAC]  }
0x30: {  	s3 =	sld [smem:$0x3FAF]  }
0x31: {  	[smem:$0x3FB8] =	sst s10  }
0x32: {  	s10 =	sld [smem:$0x3FB6];
	_ =	sdelay $0x3  }
0x33: {  	p0 =	seq.s32 s10, $0x1;
	s10 =	sld [smem:$0x3FB8];
	_ =	sdelay $0x3  }
0x34: {  	[smem:$0x3FB8] =	sst s10  }
0x35: {  	s10 =	sld [smem:$0x3FB7];
	_ =	sdelay $0x3  }
0x36: {  	p1 =	seq.s32 s10, $0x1;
	s10 =	sld [smem:$0x3FB8];
	_ =	sdelay $0x3  }
0x37: {  	[smem:$0x3FB8] =	sst s10  }
0x38: {  	s10 =	sld [smem:$0x3FB9]  }
0x39: {  	_ = 	snop;
	(pc) =	sbr.ind lr, $3  }
0x3a: {  	_ = 	snop  }
0x3b: {  	_ = 	snop  }
0x3c: {  	p2 =	seq.s32 s10, $0x1;
	s10 =	sld [smem:$0x3FB8]  }
0x3d: {  	_ =	shalt  }
0x3e: {  	_ =	shalt  }
0x3f: {  	_ =	shalt  }
0x40: {  	_ =	shalt  }
0x41: {  	_ =	shalt  }
0x42: {  	_ =	shalt  }
0x43: {  	_ =	shalt  }
0x44: {  	_ =	shalt  }
0x45: {  	_ =	shalt  }
0x46: {  	_ =	shalt  }
0x47: {  	_ =	shalt  }
0x48: {  	_ =	shalt  }
0x49: {  	_ =	shalt  }
0x4a: {  	_ =	shalt  }
0x4b: {  	_ =	shalt  }
0x4c: {  	_ =	shalt  }
0x4d: {  	_ =	shalt  }
0x4e: {  	_ =	shalt  }
0x4f: {  	_ =	shalt  }
0x50: {  	_ =	shalt  }
0x51: {  	_ =	shalt  }
0x52: {  	_ =	shalt  }
0x53: {  	_ =	shalt  }
0x54: {  	_ =	shalt  }
0x55: {  	_ =	shalt  }
0x56: {  	_ =	shalt  }
0x57: {  	_ =	shalt  }
0x58: {  	_ =	shalt  }
0x59: {  	_ =	shalt  }
0x5a: {  	_ =	shalt  }
0x5b: {  	_ =	shalt  }
0x5c: {  	_ =	shalt  }
0x5d: {  	_ =	shalt  }
0x5e: {  	_ =	shalt  }
0x5f: {  	_ =	shalt  }
0x60: {  	_ =	shalt  }
0x61: {  	_ =	shalt  }
0x62: {  	_ =	shalt  }
0x63: {  	_ =	shalt  }
0x64: {  	_ =	shalt  }
0x65: {  	_ =	shalt  }
0x66: {  	_ =	shalt  }
0x67: {  	_ =	shalt  }
0x68: {  	_ =	shalt  }
0x69: {  	_ =	shalt  }
0x6a: {  	_ =	shalt  }
0x6b: {  	_ =	shalt  }
0x6c: {  	_ =	shalt  }
0x6d: {  	_ =	shalt  }
0x6e: {  	_ =	shalt  }
0x6f: {  	_ =	shalt  }
0x70: {  	_ =	shalt  }
0x71: {  	_ =	shalt  }
0x72: {  	_ =	shalt  }
0x73: {  	_ =	shalt  }
0x74: {  	_ =	shalt  }
0x75: {  	_ =	shalt  }
0x76: {  	_ =	shalt  }
0x77: {  	_ =	shalt  }
0x78: {  	_ =	shalt  }
0x79: {  	_ =	shalt  }
0x7a: {  	_ =	shalt  }
0x7b: {  	_ =	shalt  }
0x7c: {  	_ =	shalt  }
0x7d: {  	_ =	shalt  }
0x7e: {  	_ =	shalt  }
0x7f: {  	_ =	shalt  }
0x80: {  	_ =	shalt  }
0x81: {  	_ =	shalt  }
0x82: {  	_ =	shalt  }
0x83: {  	_ =	shalt  }
0x84: {  	_ =	shalt  }
0x85: {  	_ =	shalt  }
0x86: {  	_ =	shalt  }
0x87: {  	_ =	shalt  }
.Lfunc_end0:
.L_simem_size_0:
called_computation_lowered:
.L_overlay_start_0:
0x88: {  	s2 =	sld [smem:$0x3FD9]  }
0x89: {  	s3 =	sld [smem:$0x3FFE];
	_ =	sdelay $0x1  }
0x8a: {  	s1 =	srdreg.scid  }
0x8b: {  	s0 =	sand.u32 $0x1, s1  }
0x8c: {  	s17 =	sshll.u32 s0, $0xA;
	s2 =	sadd.s32 s3, s2  }
0x8d: {  	s2 =	sadd.s32 s2, s17  }
0x8e: {  	[smem:$0x3FC4] =	sst s2  }
0x8f: {  	_ = 	snop  }
0x90: {  	s2 =	sld [smem:$0x3FD0];
	(tm) =	ssettm $0x1  }
0x91: {  	s18 =	sld [smem:$0x3FFB];
	_ =	sdelay $0x3  }
0x92: {  	_ =	strace s18  }
0x93: {  	s3 =	sld [smem:$0x3FFC];
	_ =	sdelay $0x3  }
0x94: {  	_ =	strace s3  }
0x95: {  	s3 =	sld [smem:$0x3FFD];
	_ =	sdelay $0x3  }
0x96: {  	_ =	strace s3  }
0x97: {  	_ =	strace $0x8FFFFFFF  }
0x98: {  	s19 =	sld [smem:$0x3FDB];
	_ =	sdelay $0x1  }
0x99: {  	s4 =	simm.s32 $_scs_section_size  }
0x9a: {  	s5 =	simm.s32 $_size__tile_overlayer_lowered;
	s6 =	simm.s32 $_tile_overlayer_lowered  }
0x9b: {  	s22 =	simm.s32 $0x1BFF;
	s21 =	sshll.u32 s6, $0x1;
	s3 =	sadd.s32 s4, s19  }
0x9c: {  	s7 =	simm.s32 $0x0;
	s20 =	sshll.u32 s5, $0x1;
	s5 =	sadd.s32 s21, s3  }
0x9d: {  	[timem:s7], [sflag:s22] =	dma.local [hbm:s5], s20  }
0x9e: {  	_ =	swait.ge [sflag:s22], s20  }
0x9f: {  	s4 =	ssub.s32 $0x0, s20;
	[sflag:s22] =	ssyncset.done $0x0  }
0xa0: {  	[sflag:s22] =	ssyncadd.s32 s4;
	_ =	sdelay $0x1  }
0xa1: {  	s23 =	simm.s32 $0x1B8B  }
0xa2: {  	_ =	swait.ge [sflag:s23], $0x1  }
0xa3: {  	[sflag:s23] =	ssyncset.done $0x0  }
0xa4: {  	s25 =	simm.s32 $0x1B8E;
	s24 =	sld [smem:$0x3FFE];
	[sflag:s23] =	ssyncadd.s32 $0xFFFFFFFF  }
0xa5: {  	s26 =	simm.s32 $execute0_lowered;
	[smem:$0x3FD2] =	sst s25  }
0xa6: {  	s5 =	sshll.u32 s26, $0x1;
	_ =	strace $0x80000046;
	[dreg:$0x1] =	wrdreg $0xFFFFFFFF  }
0xa7: {  	s28 =	simm.s32 $_size_execute0_lowered;
	s3 =	sadd.s32 s3, s5;
	[dreg:$0x0] =	wrdreg $0x0  }
0xa8: {  	s5 =	sshll.u32 s28, $0x1;
	[dreg:$0x2] =	wrdreg s3  }
0xa9: {  	[dreg:$0x3] =	wrdreg s5  }
0xaa: {  	[dreg:$0x4] =	wrdreg $0xC0  }
0xab: {  	_ =	task [dreg:s7], $0x5FFFF  }
0xac: {  	[dreg:$0x1] =	wrdreg $0xFFFFFFFF  }
0xad: {  	[dreg:$0x0] =	wrdreg $0x60  }
0xae: {  	[dreg:$0x2] =	wrdreg s2  }
0xaf: {  	[dreg:$0x3] =	wrdreg s24  }
0xb0: {  	[dreg:$0x4] =	wrdreg $0x111000  }
0xb1: {  	[dreg:$0x5] =	wrdreg $0x9  }
0xb2: {  	_ =	task.clear_ibuf [dreg:s7], $0x6FFFF;
	_ =	strace $0x90000046  }
0xb3: {  	s29 =	simm.s32 $0x9;
	_ =	strace $0x80000048  }
0xb4: {  	_ =	swait.ge [sflag:s29], $0x1  }
0xb5: {  	[sflag:s29] =	ssyncadd.s32 $0xFFFFFFFF  }
0xb6: {  	_ =	strace $0x90000048  }
0xb7: {  	_ =	sfence  }
0xb8: {  	s30 =	sld [smem:$0x0];
	_ =	sdelay $0x2  }
0xb9: {  	s31 =	sshll.u32 s1, $0xD;
	s1 =	sshrl.u32 s1, $0x2  }
0xba: {  	s3 =	sand.u32 $0x4000, s31;
	s1 =	sadd.s32 s1, s30  }
0xbb: {  	s0 =	sor.u32 s3, s0;
	s1 =	sshll.u32 s1, $0x11  }
0xbc: {  	s0 =	sor.u32 s1, s0  }
0xbd: {  	s0 =	sadd.s32 $0x8F2B, s0  }
0xbe: {  	[sflag:s0] =	ssyncadd.remote.s32 $0x1  }
0xbf: {  	_ =	sfence.sel $0xFFFF  }
0xc0: {  	[dreg:$0x0] =	wrdreg $0xFFFFFFFF;
	(pc) =	sbr.abs _section_cstart, $3  }
0xc1: {  	[dreg:$0x1] =	wrdreg $0xFFFFFFFF  }
0xc2: {  	_ =	task.clear_ibuf [dreg:s7], $0x2FFFF;
	_ =	strace $0x9FFFFFFF  }
0xc3: {  	(tm) =	ssettm $0x7FFFFFFF  }
tec
execute0_lowered:
.L_overlay_start_1:
0x0: {  	(tag) =	ssettag $0x1  }
0x1: {  	s0 =	rddreg [dreg:$0x1]  }
0x2: {  	s2 =	rddreg [dreg:$0x2];
	s4 =	simm.s32 $0x0  }
0x3: {  	s1 =	srdreg.scid;
	s6 =	stileid.u32;
	s19 =	simm.s32 $0xC400  }
0x4: {  	s20 =	simm.s32 $0x10480;
	s21 =	simm.s32 $0x6;
	s22 =	simm.s32 $0x5  }
0x5: {  	s23 =	simm.s32 $0xC480;
	s24 =	simm.s32 $0xD480;
	s28 =	simm.s32 $0x80  }
0x6: {  	s31 =	simm.s32 $0x4;
	[smem:$0x7FF] =	sst s4;
	s1 =	sand.u32 $0x1, s1  }
0x7: {  	s3 =	smul.u32 $0xC40, s6;
	s5 =	sadd.s32 $0x93E00, s0;
	s8 =	sshll.u32 s6, $0x1  }
0x8: {  	s6 =	sadd.s32 $0x63000, s0;
	s7 =	sadd.s32 $0x1400, s0;
	s9 =	sadd.s32 $0x32200, s0  }
0x9: {  	s25 =	smul.u32 $0xC400, s1;
	s8 =	sor.u32 s1, s8;
	s1 =	ssub.s32 $0x2, s1  }
0xa: {  	_ =	strace $0x80000047;
	s8 =	smul.u32 $0xC360, s8;
	s10 =	sshrl.u32 s1, $0x1  }
0xb: {  	[dreg:$0x4] =	wrdreg s5;
	s5 =	sadd.s32 s3, s25;
	s1 =	ssub.s32 s1, s10  }
0xc: {  	s10 =	sadd.s32 s3, s2;
	s25 =	simm.s32 $0xE480;
	s26 =	sshrl.u32 s8, $0x3  }
0xd: {  	s3 =	simm.s32 $0x0;
	s5 =	sshrl.u32 s5, $0x3;
	s29 =	sadd.s32 s6, s26  }
0xe: {  	s18 =	smax.u32 s1, $0x1;
	s11 =	sadd.s32 s7, s26;
	[dreg:$0x5] =	wrdreg s29  }
0xf: {  	s0 =	sadd.s32 s5, s0;
	s5 =	sadd.s32 s9, s26;
	[dreg:$0x6] =	wrdreg s11  }
0x10: {  	s30 =	sadd.s32 $0x1800, s26;
	s26 =	simm.s32 $0x1;
	[dreg:$0x7] =	wrdreg s5  }
0x11: {  	s14 =	sadd.s32 s6, s30;
	s15 =	sadd.s32 s7, s30;
	s0 =	sadd.s32 $0x94000, s0  }
0x12: {  	v0 =	vimm.f32 $0.0e+00;
	s16 =	sadd.s32 s9, s30;
	[dreg:$0x8] =	wrdreg s0;
	s0 =	simm.s32 $0x3  }
.LBB2_1:
0x13: {  	s1 =	rddreg [dreg:$0x0]  }
0x14: {  	[tilespmem:s4], [sflag:$0x5] =	stream.linear.gather [hbm4b:s1+s4], $0xC400, $0x38;
	[tilespmem:$0x11D40] =	vst v63  }
0x15: {  	s30 =	rddreg [dreg:$0x4];
	s5 =	simm.s32 $0x0;
	s1 =	simm.s32 $0x40  }
0x16: {  	[tilespmem:s19], [sflag:$0x5] =	stream.linear.gather [hbm4b:s30+s4], $0x80, $0x38;
	[tilespmem:$0x11D40] =	vst v63  }
.LBB2_2:
0x17: {  	p0 =	sne.s32 s1, $0x30C0;
	[tilespmem:s5+$0x10480] =	vst v0;
	s5 =	smov.u32 s1;
	s1 =	sadd.s32 $0x40, s1  }
.Ltmp0:
0x18: {  	(pc) =	sbr.rel @p0 .LBB2_2-.Ltmp0, $2  }
0x19: {  	_ =	sdelay $0x2  }
0x1a: {  	s5 =	sshra.s32 s5, $0x2  }
0x1b: {  	[tilespmem:s5+$0x10480] =	vst v0  }
0x1c: {  	[spmem:s10] =	stream.linear.scatter [tilespmem:s20], [sflag:$0x6], $0xC40, $0x38;
	[tilespmem:$0x11D40] =	vst v63  }
0x1d: {  	_ =	swait.ge [sflag:s21], $0xC40  }
0x1e: {  	[sflag:s21] =	ssyncset.done $0x0  }
0x1f: {  	[sflag:s21] =	ssyncadd.s32 $0xFFFFF3C0  }
0x20: {  	_ =	swait.ge [sflag:s22], $0xC400  }
0x21: {  	[sflag:s22] =	ssyncset.done $0x0  }
0x22: {  	[sflag:s22] =	ssyncadd.s32 $0xFFFF3C00  }
0x23: {  	_ =	swait.ge [sflag:s22], $0x80  }
0x24: {  	[sflag:s22] =	ssyncset.done $0x0  }
0x25: {  	[sflag:s22] =	ssyncadd.s32 $0xFFFFFF80  }
0x26: {  	[bflag:$0x0] =	sbarrier.arrive $0xFFFF  }
0x27: {  	s5 =	simm.s32 $0x0;
	s1 =	rddreg [dreg:$0x5]  }
0x28: {  	[tilespmem:s23], [sflag:$0x1] =	stream.linear.gather [hbm4b:s1+s5], $0x800, $0x38;
	[tilespmem:$0x11D40] =	vst v63  }
0x29: {  	s29 =	rddreg [dreg:$0x6]  }
0x2a: {  	[tilespmem:s24], [sflag:$0x1] =	stream.linear.gather [hbm4b:s29+s5], $0x800, $0x38;
	[tilespmem:$0x11D40] =	vst v63  }
0x2b: {  	p0 =	por $0x0, $0x0;
	s30 =	rddreg [dreg:$0x7]  }
0x2c: {  	[tilespmem:s25], [sflag:$0x1] =	stream.linear.gather [hbm4b:s30+s5], $0x800, $0x38;
	[tilespmem:$0x11D40] =	vst v63  }
.LBB2_4:
0x2d: {  	s1 =	sadd.s32 $0x1, s5  }
0x2e: {  	p1 =	seq.s32 s5, $0x0;
	s11 =	sand.u32 $0x1, s1  }
0x2f: {  	s12 =	sadd.s32 @!p1 $0x3, s11  }
0x30: {  	_ =	swait.ge @!p1 [sflag:s12], $0x80  }
0x31: {  	[sflag:s12] =	ssyncset.done @!p1 $0x0  }
0x32: {  	[sflag:s12] =	ssyncadd.s32 @!p1 $0xFFFFFF80  }
0x33: {  	_ =	swait.ge @!p1 [sflag:s12], $0x80  }
0x34: {  	[sflag:s12] =	ssyncset.done @!p1 $0x0  }
0x35: {  	[sflag:s12] =	ssyncadd.s32 @!p1 $0xFFFFFF80  }
0x36: {  	_ =	swait.ge @!p1 [sflag:s12], $0x80  }
0x37: {  	[sflag:s12] =	ssyncset.done @!p1 $0x0  }
0x38: {  	[sflag:s12] =	ssyncadd.s32 @!p1 $0xFFFFFF80  }
0x39: {  	_ =	swait.ge @!p1 [sflag:s12], $0x80  }
0x3a: {  	[sflag:s12] =	ssyncset.done @!p1 $0x0  }
0x3b: {  	[sflag:s12] =	ssyncadd.s32 @!p1 $0xFFFFFF80  }
0x3c: {  	_ =	swait.ge @!p1 [sflag:s12], $0x80  }
0x3d: {  	[sflag:s12] =	ssyncset.done @!p1 $0x0  }
0x3e: {  	[sflag:s12] =	ssyncadd.s32 @!p1 $0xFFFFFF80  }
0x3f: {  	_ =	swait.ge @!p1 [sflag:s12], $0x80  }
0x40: {  	[sflag:s12] =	ssyncset.done @!p1 $0x0  }
0x41: {  	[sflag:s12] =	ssyncadd.s32 @!p1 $0xFFFFFF80  }
0x42: {  	_ =	swait.ge @!p1 [sflag:s12], $0x80  }
0x43: {  	[sflag:s12] =	ssyncset.done @!p1 $0x0  }
0x44: {  	[sflag:s12] =	ssyncadd.s32 @!p1 $0xFFFFFF80  }
0x45: {  	_ =	swait.ge @!p1 [sflag:s12], $0x80  }
0x46: {  	[sflag:s12] =	ssyncset.done @!p1 $0x0  }
0x47: {  	[sflag:s12] =	ssyncadd.s32 @!p1 $0xFFFFFF80  }
0x48: {  	_ =	swait.ge @!p1 [sflag:s12], $0x80  }
0x49: {  	[sflag:s12] =	ssyncset.done @!p1 $0x0  }
0x4a: {  	[sflag:s12] =	ssyncadd.s32 @!p1 $0xFFFFFF80  }
0x4b: {  	_ =	swait.ge @!p1 [sflag:s12], $0x80  }
0x4c: {  	[sflag:s12] =	ssyncset.done @!p1 $0x0  }
0x4d: {  	[sflag:s12] =	ssyncadd.s32 @!p1 $0xFFFFFF80  }
0x4e: {  	_ =	swait.ge @!p1 [sflag:s12], $0x80  }
0x4f: {  	[sflag:s12] =	ssyncset.done @!p1 $0x0  }
0x50: {  	[sflag:s12] =	ssyncadd.s32 @!p1 $0xFFFFFF80  }
0x51: {  	_ =	swait.ge @!p1 [sflag:s12], $0x80  }
0x52: {  	[sflag:s12] =	ssyncset.done @!p1 $0x0  }
0x53: {  	[sflag:s12] =	ssyncadd.s32 @!p1 $0xFFFFFF80  }
0x54: {  	_ =	swait.ge @!p1 [sflag:s12], $0x80  }
0x55: {  	[sflag:s12] =	ssyncset.done @!p1 $0x0  }
0x56: {  	[sflag:s12] =	ssyncadd.s32 @!p1 $0xFFFFFF80  }
0x57: {  	_ =	swait.ge @!p1 [sflag:s12], $0x80  }
0x58: {  	[sflag:s12] =	ssyncset.done @!p1 $0x0  }
0x59: {  	[sflag:s12] =	ssyncadd.s32 @!p1 $0xFFFFFF80  }
0x5a: {  	_ =	swait.ge @!p1 [sflag:s12], $0x80  }
0x5b: {  	[sflag:s12] =	ssyncset.done @!p1 $0x0  }
0x5c: {  	[sflag:s12] =	ssyncadd.s32 @!p1 $0xFFFFFF80  }
0x5d: {  	p2 =	seq.s32 @!p1 s5, $0x17;
	_ =	swait.ge @!p1 [sflag:s12], $0x80  }
0x5e: {  	p2 =	por p1, !p2;
	[sflag:s12] =	ssyncset.done @!p1 $0x0  }
0x5f: {  	s13 =	sshll.u32 @p2 s1, $0xB;
	[sflag:s12] =	ssyncadd.s32 @!p1 $0xFFFFFF80;
	s12 =	sadd.s32 $0x1, s11  }
0x60: {  	[tilespmem:s23], [sflag:s12] =	stream.linear.gather @!p2 [hbm4b:s14+s4], $0x360, $0x38;
	[tilespmem:$0x11D40] =	vst v63  }
0x61: {  	s13 =	sadd.s32 @p2 s8, s13  }
0x62: {  	[tilespmem:s24], [sflag:s12] =	stream.linear.gather @!p2 [hbm4b:s15+s4], $0x360, $0x38;
	[tilespmem:$0x11D40] =	vst v63  }
0x63: {  	s13 =	sshrl.u32 @p2 s13, $0x3;
	s11 =	sshll.u32 @p2 s11, $0xB  }
0x64: {  	[tilespmem:s25], [sflag:s12] =	stream.linear.gather @!p2 [hbm4b:s16+s4], $0x360, $0x38;
	[tilespmem:$0x11D40] =	vst v63  }
0x65: {  	s29 =	sadd.s32 @p2 s6, s13;
	s17 =	sor.u32 @p2 $0xC480, s11  }
0x66: {  	[tilespmem:s17], [sflag:s12] =	stream.linear.gather @p2 [hbm4b:s29+s4], $0x800, $0x38;
	[tilespmem:$0x11D40] =	vst v63  }
0x67: {  	s17 =	sor.u32 @p2 $0xD480, s11;
	s29 =	sadd.s32 @p2 s7, s13  }
0x68: {  	[tilespmem:s17], [sflag:s12] =	stream.linear.gather @p2 [hbm4b:s29+s4], $0x800, $0x38;
	[tilespmem:$0x11D40] =	vst v63  }
0x69: {  	s29 =	sand.u32 $0x1, s5  }
0x6a: {  	s11 =	sor.u32 @p2 $0xE480, s11;
	s13 =	sadd.s32 @p2 s9, s13;
	s5 =	sadd.s32 $0x1, s29  }
0x6b: {  	[tilespmem:s11], [sflag:s12] =	stream.linear.gather @p2 [hbm4b:s13+s4], $0x800, $0x38;
	[tilespmem:$0x11D40] =	vst v63  }
0x6c: {  	_ =	swait.ge [sflag:s5], $0x800  }
0x6d: {  	[sflag:s5] =	ssyncset.done $0x0  }
0x6e: {  	[sflag:s5] =	ssyncadd.s32 $0xFFFFF800  }
0x6f: {  	_ =	swait.ge [sflag:s5], $0x800  }
0x70: {  	[sflag:s5] =	ssyncset.done $0x0  }
0x71: {  	s11 =	simm.s32 $0x1;
	[sflag:s5] =	ssyncadd.s32 $0xFFFFF800  }
0x72: {  	s11 =	simm.s32 @!p0 $0x0;
	_ =	swait.ge [sflag:s5], $0x800  }
0x73: {  	s11 =	sshll.u32 s11, $0xB;
	[sflag:s5] =	ssyncset.done $0x0  }
0x74: {  	s17 =	sor.u32 $0xD4C0, s11;
	[sflag:s5] =	ssyncadd.s32 $0xFFFFF800  }
0x75: {  	s30 =	sor.u32 $0xE4C0, s11;
	v1 =	vld [tilespmem:s17+$0x30]  }
0x76: {  	v2 =	vld [tilespmem:s30+$0x30]  }
0x77: {  	v3 =	vld [tilespmem:s30+$0xFFFFFFC0]  }
0x78: {  	v4 =	vld [tilespmem:s17+$0xFFFFFFD0]  }
0x79: {  	v5 =	vld [tilespmem:s30+$0xFFFFFFD0]  }
0x7a: {  	v6 =	vld [tilespmem:s17+$0xFFFFFFE0]  }
0x7b: {  	v7 =	vld [tilespmem:s30+$0xFFFFFFE0]  }
0x7c: {  	v8 =	vld [tilespmem:s17+$0xFFFFFFF0]  }
0x7d: {  	v9 =	vld [tilespmem:s30+$0xFFFFFFF0]  }
0x7e: {  	v10 =	vld [tilespmem:s17+$0x0]  }
0x7f: {  	v11 =	vld [tilespmem:s30+$0x0]  }
0x80: {  	v15 =	vld.idx.msk [tilespmem:v1+s4+$0x0], $0xffff  }
0x81: {  	v12 =	vld [tilespmem:s17+$0x10]  }
0x82: {  	v16 =	vld.idx.msk [tilespmem:v2+s4+$0x0], $0xffff  }
0x83: {  	v13 =	vld [tilespmem:s30+$0x10]  }
0x84: {  	v17 =	vld [tilespmem:s17+$0xFFFFFFC0]  }
0x85: {  	s5 =	sor.u32 $0xC4C0, s11;
	v18 =	vld.idx.msk [tilespmem:v5+s4+$0x0], $0xffff;
	v1 =	vtrunc.f32 v15  }
0x86: {  	v20 =	vld [tilespmem:s5+$0x30];
	v2 =	vcvt.f32.s32 v1  }
0x87: {  	v21 =	vld [tilespmem:s17+$0x20];
	v1 =	vtrunc.f32 v16  }
0x88: {  	v4 =	vld.idx.msk [tilespmem:v4+s4+$0x0], $0xffff;
	v14 =	vcvt.f32.s32 v1  }
0x89: {  	v1 =	vld.idx.msk [tilespmem:v3+s4+$0x0], $0xffff  }
0x8a: {  	v3 =	vld.idx.msk [tilespmem:v7+s4+$0x0], $0xffff;
	v7 =	vtrunc.f32 v18  }
0x8b: {  	v23 =	vcvt.f32.s32 v7;
	v7 =	vld.idx.msk [tilespmem:v9+s4+$0x0], $0xffff  }
0x8c: {  	v19 =	vld.idx.msk [tilespmem:v2+s19+$0x0], $0xffff  }
0x8d: {  	v2 =	vld.idx.msk [tilespmem:v6+s4+$0x0], $0xffff  }
0x8e: {  	v5 =	vtrunc.f32 v1;
	v14 =	vld.idx.msk [tilespmem:v14+s19+$0x0], $0xffff  }
0x8f: {  	v6 =	vld.idx.msk [tilespmem:v17+s4+$0x0], $0xffff;
	v22 =	vcvt.f32.s32 v5;
	v5 =	vtrunc.f32 v4  }
0x90: {  	v15 =	vmul.f32 v16, v15;
	v17 =	vcvt.f32.s32 v5;
	v5 =	vld.idx.msk [tilespmem:v8+s4+$0x0], $0xffff  }
0x91: {  	v4 =	vmul.f32 v18, v4;
	v18 =	vtrunc.f32 v3  }
0x92: {  	v29 =	vtrunc.f32 v7;
	v9 =	vtrunc.f32 v2  }
0x93: {  	v18 =	vcvt.f32.s32 v18;
	v8 =	vadd.f32 v14, v19;
	v24 =	vcvt.f32.s32 v9;
	v9 =	vld.idx.msk [tilespmem:v11+s4+$0x0], $0xffff  }
0x94: {  	v29 =	vcvt.f32.s32 v29;
	v25 =	vtrunc.f32 v6;
	v11 =	vld.idx.msk [tilespmem:v13+s4+$0x0], $0xffff  }
0x95: {  	v14 =	vld [tilespmem:s30+$0x20];
	v28 =	vtrunc.f32 v5;
	v19 =	vmul.f32 v8, v20  }
0x96: {  	v34 =	vcvt.f32.s32 v25;
	v8 =	vld.idx.msk [tilespmem:v10+s4+$0x0], $0xffff;
	v28 =	vcvt.f32.s32 v28  }
0x97: {  	v10 =	vld.idx.msk [tilespmem:v12+s4+$0x0], $0xffff;
	v26 =	vmul.f32 $-3.613959790e+00, v19;
	v27 =	vmul.f32 $-1.064253450e+00, v19  }
0x98: {  	v12 =	vld.idx.msk [tilespmem:v21+s4+$0x0], $0xffff;
	v30 =	vmul.f32 $-4.550485610e-01, v19;
	v19 =	vmul.f32 $-2.277162820e-01, v19  }
0x99: {  	v31 =	vsub.f32 $5.000000000e+00, v20;
	v23 =	vld.idx.msk [tilespmem:v23+s19+$0x0], $0xffff;
	v32 =	vtrunc.f32 v11;
	v26 =	vmul.f32 $1.442695020e+00, v26  }
0x9a: {  	v17 =	vld.idx.msk [tilespmem:v17+s19+$0x0], $0xffff;
	v27 =	vmul.f32 $1.442695020e+00, v27;
	v21 =	vmul.f32 $1.442695020e+00, v30  }
0x9b: {  	v30 =	vmul.f32 $6.666666860e-01, v31;
	v19 =	vmul.f32 $1.442695020e+00, v19  }
0x9c: {  	v25 =	vld [tilespmem:s5+$0xFFFFFFD0];
	v32 =	vcvt.f32.s32 v32;
	v31 =	vtrunc.f32 v10  }
0x9d: {  	v29 =	vld.idx.msk [tilespmem:v29+s19+$0x0], $0xffff;
	v33 =	vtrunc.f32 v12;
	(erf) = vpow2.f32 v26  }
0x9e: {  	v13 =	vld.idx.msk [tilespmem:v14+s4+$0x0], $0xffff;
	v26 =	vmul.f32 $6.000000000e+00, v30;
	(erf) = vpow2.f32 v27  }
0x9f: {  	v17 =	vadd.f32 v23, v17;
	v14 =	vtrunc.f32 v8;
	v28 =	vld.idx.msk [tilespmem:v28+s19+$0x0], $0xffff;
	(erf) = vpow2.f32 v21  }
0xa0: {  	v21 =	vtrunc.f32 v9;
	(erf) = vpow2.f32 v19;
	v19 =	vld.idx.msk [tilespmem:v24+s19+$0x0], $0xffff;
	v24 =	vadd.f32 $-1.500000000e+01, v26  }
0xa1: {  	v18 =	vld.idx.msk [tilespmem:v18+s19+$0x0], $0xffff;
	v36 =	vcvt.f32.s32 v14;
	v21 =	vcvt.f32.s32 v21  }
0xa2: {  	v17 =	vmul.f32 v17, v25;
	v26 =	vld [tilespmem:s5+$0xFFFFFFE0];
	v14 =	vmul.f32 v24, v30  }
0xa3: {  	v31 =	vcvt.f32.s32 v31;
	v33 =	vcvt.f32.s32 v33;
	v24 =	vld [tilespmem:s5+$0xFFFFFFF0]  }
0xa4: {  	v50 =	vmul.f32 $-1.064253450e+00, v17;
	v44 =	vmul.f32 $-4.550485610e-01, v17;
	v39 =	vadd.f32 $1.000000000e+01, v14  }
0xa5: {  	(erf) = vrcp.f32 v20;
	v35 =	vtrunc.f32 v13;
	v28 =	vadd.f32 v29, v28  }
0xa6: {  	v22 =	vld.idx.msk [tilespmem:v22+s19+$0x0], $0xffff;
	v48 =	vcvt.f32.s32 v35;
	v18 =	vadd.f32 v18, v19;
	v37 =	vpop (erf);
	v39 =	vmul.f32 v39, v30  }
0xa7: {  	v16 =	vld.idx.msk [tilespmem:v21+s19+$0x0], $0xffff;
	v21 =	vmul.f32 $-3.613959790e+00, v17;
	v37 =	vmul.f32 $9.087499970e-02, v37  }
0xa8: {  	v19 =	vld.idx.msk [tilespmem:v34+s19+$0x0], $0xffff;
	v38 =	vpop (erf);
	v18 =	vmul.f32 v18, v26;
	v34 =	vmul.f32 v28, v24  }
0xa9: {  	v23 =	vld [tilespmem:s5+$0x0];
	v38 =	vmul.f32 $2.549299900e-01, v38;
	v40 =	vpop (erf);
	v39 =	vmul.f32 v39, v30  }
0xaa: {  	v36 =	vld.idx.msk [tilespmem:v36+s19+$0x0], $0xffff;
	v21 =	vmul.f32 $1.442695020e+00, v21;
	v47 =	vmul.f32 $1.401100010e-01, v40  }
0xab: {  	vm0 =	vge.f32 v20, $5.000000000e+00;
	v27 =	vld [tilespmem:s5+$0xFFFFFFC0];
	v52 =	vmul.f32 $-1.064253450e+00, v18;
	v54 =	vmul.f32 $-3.613959790e+00, v34  }
0xac: {  	vm1 =	vlt.f32 v20, $3.500000000e+00;
	v49 =	vpop (erf);
	v45 =	vmul.f32 $-4.550485610e-01, v18;
	v46 =	vmul.f32 $-4.550485610e-01, v34  }
0xad: {  	v37 =	vadd.f32 v38, v37;
	v35 =	vmul.f32 $1.408500040e-02, v49;
	v30 =	vmul.f32 v39, v30  }
0xae: {  	v51 =	vld.idx.msk [tilespmem:v33+s19+$0x0], $0xffff;
	v19 =	vadd.f32 v22, v19;
	v22 =	vmul.f32 $-3.613959790e+00, v18;
	v33 =	vmul.f32 $1.442695020e+00, v52  }
0xaf: {  	v16 =	vadd.f32 v16, v36;
	v36 =	vmul.f32 $1.442695020e+00, v54;
	v52 =	vmul.f32 $-2.277162820e-01, v17  }
0xb0: {  	v17 =	vsub.f32 $5.000000000e+00, v23;
	v37 =	vadd.f32 v37, v47;
	v19 =	vmul.f32 v19, v27  }
0xb1: {  	v20 =	vsel vm0, $0x0, v30;
	v30 =	vld.idx.msk [tilespmem:v32+s19+$0x0], $0xffff;
	v22 =	vmul.f32 $1.442695020e+00, v22;
	v32 =	vmul.f32 $1.442695020e+00, v44  }
0xb2: {  	v16 =	vmul.f32 v16, v23;
	v17 =	vmul.f32 $6.666666860e-01, v17  }
0xb3: {  	v31 =	vld.idx.msk [tilespmem:v31+s19+$0x0], $0xffff;
	v35 =	vadd.f32 v37, v35;
	v53 =	vmul.f32 $-1.064253450e+00, v19;
	v37 =	vmul.f32 $1.442695020e+00, v50  }
0xb4: {  	v43 =	vmul.f32 $-4.550485610e-01, v19;
	v62 =	vmul.f32 $-2.277162820e-01, v19  }
0xb5: {  	v55 =	vmul.f32 $-3.613959790e+00, v16;
	v57 =	vmul.f32 $-1.064253450e+00, v16  }
0xb6: {  	v14 =	vld [tilespmem:s5+$0x10];
	v47 =	vmul.f32 $-4.550485610e-01, v16;
	v50 =	vmul.f32 $6.000000000e+00, v17  }
0xb7: {  	v15 =	vmul.f32 v35, v15;
	v56 =	vmul.f32 $1.442695020e+00, v53  }
0xb8: {  	v53 =	vmul.f32 $-2.277162820e-01, v18;
	v30 =	vadd.f32 v30, v31;
	v31 =	vmul.f32 $-1.064253450e+00, v34  }
0xb9: {  	v38 =	vmul.f32 $1.442695020e+00, v55;
	v35 =	vmul.f32 $1.442695020e+00, v57  }
0xba: {  	v20 =	vsel vm1, $0x3F800000, v20;
	v44 =	vmul.f32 $1.442695020e+00, v47;
	v34 =	vmul.f32 $-2.277162820e-01, v34  }
0xbb: {  	v15 =	vmul.f32 v15, v20;
	v30 =	vmul.f32 v30, v14  }
0xbc: {  	v29 =	vpop (erf);
	v31 =	vmul.f32 $1.442695020e+00, v31;
	v34 =	vmul.f32 $1.442695020e+00, v34  }
0xbd: {  	v28 =	vmul.f32 v15, v29;
	v29 =	vmul.f32 $-3.613959790e+00, v19  }
0xbe: {  	v20 =	vld.idx.msk [tilespmem:v48+s19+$0x0], $0xffff;
	v58 =	vmul.f32 $-3.613959790e+00, v30;
	v59 =	vmul.f32 $-1.064253450e+00, v30  }
0xbf: {  	v48 =	vmul.f32 $-4.550485610e-01, v30;
	v30 =	vmul.f32 $-2.277162820e-01, v30  }
0xc0: {  	v15 =	vld [tilespmem:s5+$0x20];
	v29 =	vmul.f32 $1.442695020e+00, v29;
	v39 =	vmul.f32 $1.442695020e+00, v58  }
0xc1: {  	v40 =	vmul.f32 $1.442695020e+00, v59;
	v60 =	vmul.f32 $1.442695020e+00, v48  }
0xc2: {  	v58 =	vmul.f32 $1.442695020e+00, v62;
	v59 =	vmul.f32 $1.442695020e+00, v52  }
0xc3: {  	v20 =	vadd.f32 v20, v51;
	v30 =	vmul.f32 $1.442695020e+00, v30;
	(erf) = vpow2.f32 v29  }
0xc4: {  	v29 =	vmul.f32 $1.442695020e+00, v43;
	v43 =	vmul.f32 $1.442695020e+00, v45  }
0xc5: {  	v20 =	vmul.f32 v20, v15;
	(erf) = vpow2.f32 v56  }
0xc6: {  	vm7 =	vge.f32 v25, $5.000000000e+00;
	v56 =	vmul.f32 $-2.277162820e-01, v16;
	(erf) = vpow2.f32 v21  }
0xc7: {  	v54 =	vsub.f32 $5.000000000e+00, v14;
	v41 =	vmul.f32 $-3.613959790e+00, v20;
	v42 =	vmul.f32 $-1.064253450e+00, v20  }
0xc8: {  	v55 =	vsub.f32 $5.000000000e+00, v15;
	v49 =	vmul.f32 $-4.550485610e-01, v20;
	(erf) = vpow2.f32 v37  }
0xc9: {  	v21 =	vsub.f32 $5.000000000e+00, v27;
	v37 =	vmul.f32 $1.442695020e+00, v46;
	v57 =	vmul.f32 $-2.277162820e-01, v20  }
0xca: {  	v63 =	vsub.f32 $5.000000000e+00, v24;
	v20 =	vmul.f32 $6.666666860e-01, v54;
	v16 =	vmul.f32 $6.666666860e-01, v55  }
0xcb: {  	vm5 =	vlt.f32 v25, $3.500000000e+00;
	(erf) = vpow2.f32 v22;
	v18 =	vmul.f32 $6.666666860e-01, v21  }
0xcc: {  	vm4 =	vge.f32 v23, $5.000000000e+00;
	v21 =	vmul.f32 $6.666666860e-01, v63;
	v41 =	vmul.f32 $1.442695020e+00, v41  }
0xcd: {  	vm10 =	vlt.f32 v23, $3.500000000e+00;
	v42 =	vmul.f32 $1.442695020e+00, v42;
	(erf) = vpow2.f32 v33  }
0xce: {  	v22 =	vsub.f32 $5.000000000e+00, v25;
	v61 =	vmul.f32 $1.442695020e+00, v49;
	v33 =	vmul.f32 $1.442695020e+00, v57  }
0xcf: {  	vm13 =	vge.f32 v27, $5.000000000e+00;
	v51 =	vmul.f32 $6.000000000e+00, v20;
	(erf) = vpow2.f32 v36  }
0xd0: {  	v22 =	vmul.f32 $6.666666860e-01, v22;
	(erf) = vpow2.f32 v31;
	v31 =	vsub.f32 $5.000000000e+00, v26  }
0xd1: {  	vm2 =	vlt.f32 v27, $3.500000000e+00;
	v63 =	vmul.f32 $6.000000000e+00, v21;
	(erf) = vpow2.f32 v38  }
0xd2: {  	v51 =	vadd.f32 $-1.500000000e+01, v51;
	(erf) = vpow2.f32 v35;
	v19 =	vmul.f32 $6.666666860e-01, v31  }
0xd3: {  	vm8 =	vge.f32 v26, $5.000000000e+00;
	v35 =	vmul.f32 $1.442695020e+00, v53;
	v53 =	vmul.f32 $6.000000000e+00, v16  }
0xd4: {  	v46 =	vadd.f32 $-1.500000000e+01, v63;
	v47 =	vpop (erf);
	v63 =	vmul.f32 v51, v20;
	(erf) = vpow2.f32 v39  }
0xd5: {  	vm9 =	vlt.f32 v26, $3.500000000e+00;
	v48 =	vpop (erf);
	v47 =	vmul.f32 $9.087499970e-02, v47;
	(erf) = vpow2.f32 v40  }
0xd6: {  	v50 =	vadd.f32 $-1.500000000e+01, v50;
	v31 =	vpop (erf);
	v62 =	vmul.f32 $6.000000000e+00, v19;
	v48 =	vmul.f32 $2.549299900e-01, v48  }
0xd7: {  	vm3 =	vge.f32 v24, $5.000000000e+00;
	(erf) = vpow2.f32 v41;
	v31 =	vmul.f32 $9.087499970e-02, v31  }
0xd8: {  	v38 =	vpop (erf);
	(erf) = vpow2.f32 v42;
	v45 =	vadd.f32 $-1.500000000e+01, v62;
	v62 =	vmul.f32 v50, v17  }
0xd9: {  	vm6 =	vlt.f32 v24, $3.500000000e+00;
	v54 =	vmul.f32 $2.549299900e-01, v38;
	(erf) = vpow2.f32 v29;
	v29 =	vpop (erf)  }
0xda: {  	vm12 =	vlt.f32 v14, $3.500000000e+00;
	(erf) = vpow2.f32 v32;
	v29 =	vmul.f32 $9.087499970e-02, v29  }
0xdb: {  	vm0 =	vge.f32 v14, $5.000000000e+00;
	v32 =	vpop (erf);
	(erf) = vpow2.f32 v43;
	v43 =	vmul.f32 $1.442695020e+00, v56  }
0xdc: {  	vm1 =	vge.f32 v15, $5.000000000e+00;
	v42 =	vpop (erf);
	v32 =	vmul.f32 $2.549299900e-01, v32;
	(erf) = vpow2.f32 v37  }
0xdd: {  	vm11 =	vlt.f32 v15, $3.500000000e+00;
	v37 =	vpop (erf);
	v42 =	vmul.f32 $9.087499970e-02, v42;
	(erf) = vpow2.f32 v44  }
0xde: {  	v53 =	vadd.f32 $-1.500000000e+01, v53;
	v44 =	vpop (erf);
	v37 =	vmul.f32 $2.549299900e-01, v37;
	(erf) = vpow2.f32 v60  }
0xdf: {  	v38 =	vadd.f32 $1.000000000e+01, v63;
	v60 =	vmul.f32 $6.000000000e+00, v18;
	v44 =	vmul.f32 $9.087499970e-02, v44  }
0xe0: {  	v51 =	vadd.f32 $1.000000000e+01, v62;
	v56 =	vpop (erf);
	(erf) = vpow2.f32 v61;
	v61 =	vmul.f32 $6.000000000e+00, v22  }
0xe1: {  	v31 =	vadd.f32 v54, v31;
	v52 =	vpop (erf);
	v55 =	vmul.f32 $2.549299900e-01, v56;
	(erf) = vpow2.f32 v58  }
0xe2: {  	v36 =	vadd.f32 $-1.500000000e+01, v60;
	v39 =	vpop (erf);
	v60 =	vmul.f32 v45, v19;
	v56 =	vmul.f32 $9.087499970e-02, v52  }
0xe3: {  	v32 =	vadd.f32 v32, v29;
	(erf) = vpow2.f32 v59;
	v39 =	vmul.f32 $2.549299900e-01, v39  }
0xe4: {  	v41 =	vadd.f32 $-1.500000000e+01, v61;
	v40 =	vpop (erf);
	(erf) = vpow2.f32 v35;
	v57 =	vmul.f32 v36, v18  }
0xe5: {  	v37 =	vadd.f32 v37, v42;
	v40 =	vmul.f32 $9.087499970e-02, v40;
	(erf) = vpow2.f32 v34  }
0xe6: {  	v44 =	vadd.f32 v55, v44;
	v58 =	vmul.f32 v41, v22;
	v36 =	vpop (erf);
	(erf) = vpow2.f32 v43  }
0xe7: {  	v35 =	vadd.f32 $1.000000000e+01, v57;
	v59 =	vpop (erf);
	(erf) = vpow2.f32 v30;
	v30 =	vmul.f32 v46, v21  }
0xe8: {  	v34 =	vadd.f32 $1.000000000e+01, v58;
	v58 =	vmul.f32 $2.549299900e-01, v36;
	v61 =	vpop (erf);
	(erf) = vpow2.f32 v33  }
0xe9: {  	v39 =	vadd.f32 v39, v56;
	v59 =	vmul.f32 $1.401100010e-01, v59;
	v33 =	vmul.f32 v35, v18  }
0xea: {  	v35 =	vmul.f32 v51, v17;
	v50 =	vadd.f32 $1.000000000e+01, v30;
	v30 =	vmul.f32 v53, v16;
	v29 =	vpop (erf)  }
0xeb: {  	v43 =	vadd.f32 $1.000000000e+01, v60;
	v45 =	vmul.f32 $1.401100010e-01, v61;
	v57 =	vpop (erf);
	v61 =	vmul.f32 $1.401100010e-01, v29  }
0xec: {  	v46 =	vadd.f32 $1.000000000e+01, v30;
	v30 =	vadd.f32 v48, v47;
	v60 =	vpop (erf);
	v62 =	vmul.f32 $1.401100010e-01, v57  }
0xed: {  	v45 =	vadd.f32 v31, v45;
	v31 =	vmul.f32 v50, v21;
	v29 =	vpop (erf);
	v63 =	vmul.f32 $1.401100010e-01, v60  }
0xee: {  	v42 =	vadd.f32 v32, v61;
	v32 =	vmul.f32 v38, v20;
	(erf) = vrcp.f32 v27;
	v56 =	vpop (erf)  }
0xef: {  	v49 =	vadd.f32 v58, v40;
	v58 =	vmul.f32 $1.401100010e-01, v29;
	v29 =	vmul.f32 v34, v22;
	v54 =	vpop (erf)  }
0xf0: {  	v57 =	vadd.f32 v30, v59;
	v30 =	vmul.f32 v43, v19;
	v34 =	vmul.f32 v46, v16;
	v60 =	vpop (erf)  }
0xf1: {  	v41 =	vadd.f32 v37, v62;
	(erf) = vrcp.f32 v25;
	v59 =	vmul.f32 $1.401100010e-01, v56;
	v61 =	vpop (erf)  }
0xf2: {  	v40 =	vadd.f32 v44, v63;
	(erf) = vrcp.f32 v26;
	v62 =	vmul.f32 $1.408500040e-02, v54;
	v27 =	vpop (erf)  }
0xf3: {  	v39 =	vadd.f32 v39, v58;
	(erf) = vrcp.f32 v24;
	v63 =	vmul.f32 $1.408500040e-02, v60;
	v37 =	vpop (erf)  }
0xf4: {  	s12 =	sor.u32 $0xF4C0, s11;
	v36 =	vadd.f32 v49, v59;
	(erf) = vrcp.f32 v23;
	v43 =	vmul.f32 $1.408500040e-02, v61;
	v38 =	vpop (erf)  }
0xf5: {  	s13 =	simm.s32 $0x0;
	s11 =	sshll.u32 s29, $0xB;
	s17 =	sadd.s32 $0x80, s17;
	[tilespmem:s12+$0x30] =	vst v28;
	v25 =	vadd.f32 v57, v62;
	v24 =	vadd.f32 v45, v63;
	v26 =	vmul.f32 $1.408500040e-02, v27;
	v28 =	vpop (erf)  }
.LBB2_5:
0xf6: {  	v23 =	vld [tilespmem:s17+$0x30];
	v27 =	vadd.f32 v42, v43;
	v37 =	vmul.f32 $1.408500040e-02, v37;
	s30 =	sadd.s32 $0x80, s30;
	(erf) = vrcp.f32 v14  }
0xf7: {  	v38 =	vmul.f32 $1.408500040e-02, v38;
	v14 =	vld [tilespmem:s30+$0x30];
	v26 =	vadd.f32 v41, v26;
	(erf) = vrcp.f32 v15  }
0xf8: {  	s13 =	sadd.s32 $0x8, s13;
	v33 =	vmul.f32 v33, v18;
	v28 =	vmul.f32 $1.408500040e-02, v28;
	v15 =	vld [tilespmem:s30+$0xFFFFFFC0];
	v37 =	vadd.f32 v40, v37  }
0xf9: {  	v44 =	vmul.f32 v29, v22;
	v30 =	vmul.f32 v30, v19;
	p1 =	slt.u32 s13, $0x78;
	v38 =	vadd.f32 v39, v38;
	v40 =	vld [tilespmem:s17+$0xFFFFFFD0]  }
0xfa: {  	v31 =	vmul.f32 v31, v21;
	v35 =	vmul.f32 v35, v17;
	v28 =	vadd.f32 v36, v28;
	v39 =	vld [tilespmem:s30+$0xFFFFFFD0];
	v36 =	vpop (erf)  }
0xfb: {  	v45 =	vmul.f32 v32, v20;
	v34 =	vmul.f32 v34, v16;
	v41 =	vld [tilespmem:s17+$0xFFFFFFE0];
	v42 =	vpop (erf)  }
0xfc: {  	v33 =	vmul.f32 v33, v18;
	v22 =	vmul.f32 v44, v22;
	v43 =	vld [tilespmem:s30+$0xFFFFFFE0];
	v29 =	vpop (erf)  }
0xfd: {  	v19 =	vmul.f32 v30, v19;
	v21 =	vmul.f32 v31, v21;
	v44 =	vld [tilespmem:s17+$0xFFFFFFF0];
	v30 =	vpop (erf)  }
0xfe: {  	v31 =	vmul.f32 v35, v17;
	v20 =	vmul.f32 v45, v20;
	v18 =	vld.idx.msk [tilespmem:v23+s4+$0x0], $0xffff;
	v23 =	vsel vm13, $0x0, v33;
	v32 =	vpop (erf)  }
0xff: {  	v1 =	vmul.f32 v1, v6;
	v6 =	vsel vm7, $0x0, v22;
	v17 =	vld.idx.msk [tilespmem:v14+s4+$0x0], $0xffff;
	v14 =	vmul.f32 v34, v16;
	v16 =	vpop (erf)  }
0x100: {  	v2 =	vmul.f32 v3, v2;
	v3 =	vmul.f32 v7, v5;
	v19 =	vsel vm8, $0x0, v19;
	v33 =	vld [tilespmem:s30+$0xFFFFFFF0];
	v34 =	vpop (erf)  }
0x101: {  	v7 =	vmul.f32 v9, v8;
	v8 =	vmul.f32 v11, v10;
	v5 =	vsel vm3, $0x0, v21;
	v35 =	vld [tilespmem:s17+$0x0]  }
0x102: {  	v10 =	vmul.f32 v25, v1;
	v1 =	vmul.f32 v13, v12;
	v11 =	vsel vm4, $0x0, v31;
	v9 =	vld [tilespmem:s30+$0x0]  }
0x103: {  	v4 =	vmul.f32 v24, v4;
	v2 =	vmul.f32 v27, v2;
	v13 =	vsel vm0, $0x0, v20;
	v12 =	vld [tilespmem:s17+$0x10]  }
0x104: {  	v3 =	vmul.f32 v26, v3;
	v14 =	vsel vm1, $0x0, v14;
	v21 =	vtrunc.f32 v18;
	v20 =	vld [tilespmem:s30+$0x10]  }
0x105: {  	v23 =	vsel vm2, $0x3F800000, v23;
	v21 =	vcvt.f32.s32 v21;
	v22 =	vtrunc.f32 v17;
	v24 =	vld [tilespmem:s17+$0x20]  }
0x106: {  	v7 =	vmul.f32 v37, v7;
	v6 =	vsel vm5, $0x3F800000, v6;
	v22 =	vcvt.f32.s32 v22;
	v25 =	vld [tilespmem:s30+$0x20]  }
0x107: {  	v8 =	vmul.f32 v38, v8;
	v27 =	vmul.f32 v28, v1;
	v19 =	vsel vm9, $0x3F800000, v19;
	v26 =	vld [tilespmem:s17+$0xFFFFFFC0]  }
0x108: {  	v5 =	vsel vm6, $0x3F800000, v5;
	v11 =	vsel vm10, $0x3F800000, v11;
	v13 =	vsel vm12, $0x3F800000, v13;
	v1 =	vld.idx.msk [tilespmem:v15+s4+$0x0], $0xffff  }
0x109: {  	v4 =	vmul.f32 v4, v6;
	v10 =	vmul.f32 v10, v23;
	v6 =	vsel vm11, $0x3F800000, v14;
	v15 =	vld.idx.msk [tilespmem:v40+s4+$0x0], $0xffff  }
0x10a: {  	v19 =	vmul.f32 v2, v19;
	v5 =	vmul.f32 v3, v5;
	v14 =	vld.idx.msk [tilespmem:v39+s4+$0x0], $0xffff  }
0x10b: {  	v11 =	vmul.f32 v7, v11;
	v8 =	vmul.f32 v8, v13;
	v21 =	vld.idx.msk [tilespmem:v21+s19+$0x0], $0xffff  }
0x10c: {  	v7 =	vmul.f32 v10, v36;
	v10 =	vmul.f32 v27, v6;
	v13 =	vld.idx.msk [tilespmem:v22+s19+$0x0], $0xffff  }
0x10d: {  	v4 =	vmul.f32 v4, v42;
	v19 =	vmul.f32 v19, v29;
	v2 =	vld.idx.msk [tilespmem:v41+s4+$0x0], $0xffff  }
0x10e: {  	s5 =	sadd.s32 $0x80, s5;
	v6 =	vtrunc.f32 v1;
	v3 =	vld.idx.msk [tilespmem:v43+s4+$0x0], $0xffff;
	[tilespmem:s12+$0xFFFFFFC0] =	vst v7;
	v7 =	vmul.f32 v5, v30  }
0x10f: {  	v23 =	vcvt.f32.s32 v6;
	v5 =	vtrunc.f32 v15;
	v22 =	vld [tilespmem:s5+$0x30];
	[tilespmem:s12+$0xFFFFFFD0] =	vst v4  }
0x110: {  	v4 =	vtrunc.f32 v14;
	v6 =	vld.idx.msk [tilespmem:v26+s4+$0x0], $0xffff;
	v26 =	vcvt.f32.s32 v5;
	[tilespmem:s12+$0xFFFFFFE0] =	vst v19  }
0x111: {  	v19 =	vcvt.f32.s32 v4;
	v4 =	vmul.f32 v14, v15;
	v5 =	vld.idx.msk [tilespmem:v44+s4+$0x0], $0xffff;
	[tilespmem:s12+$0xFFFFFFF0] =	vst v7  }
0x112: {  	v11 =	vmul.f32 v11, v32;
	v14 =	vmul.f32 v8, v16;
	v13 =	vadd.f32 v13, v21;
	v7 =	vld.idx.msk [tilespmem:v33+s4+$0x0], $0xffff  }
0x113: {  	v16 =	vmul.f32 v10, v34;
	v15 =	vtrunc.f32 v2;
	v8 =	vld.idx.msk [tilespmem:v35+s4+$0x0], $0xffff  }
0x114: {  	v10 =	vtrunc.f32 v3;
	v9 =	vld.idx.msk [tilespmem:v9+s4+$0x0], $0xffff;
	v21 =	vmul.f32 v13, v22;
	[tilespmem:s12+$0x0] =	vst v11  }
0x115: {  	v15 =	vcvt.f32.s32 v15;
	v27 =	vcvt.f32.s32 v10;
	v10 =	vld.idx.msk [tilespmem:v12+s4+$0x0], $0xffff;
	[tilespmem:s12+$0x10] =	vst v14  }
0x116: {  	v14 =	vtrunc.f32 v6;
	v11 =	vld.idx.msk [tilespmem:v20+s4+$0x0], $0xffff;
	v20 =	vmul.f32 $-3.613959790e+00, v21;
	[tilespmem:s12+$0x20] =	vst v16  }
0x117: {  	v16 =	vtrunc.f32 v5;
	v12 =	vld.idx.msk [tilespmem:v24+s4+$0x0], $0xffff;
	v24 =	vmul.f32 $-1.064253450e+00, v21  }
0x118: {  	v28 =	vtrunc.f32 v7;
	v13 =	vld.idx.msk [tilespmem:v25+s4+$0x0], $0xffff;
	v20 =	vmul.f32 $1.442695020e+00, v20  }
0x119: {  	v30 =	vld.idx.msk [tilespmem:v23+s19+$0x0], $0xffff;
	v23 =	vmul.f32 $1.442695020e+00, v24;
	v24 =	vmul.f32 $-4.550485610e-01, v21  }
0x11a: {  	v25 =	vsub.f32 $5.000000000e+00, v22;
	v21 =	vmul.f32 $-2.277162820e-01, v21;
	v29 =	vld.idx.msk [tilespmem:v26+s19+$0x0], $0xffff;
	(erf) = vpow2.f32 v20  }
0x11b: {  	v19 =	vld.idx.msk [tilespmem:v19+s19+$0x0], $0xffff;
	v20 =	vmul.f32 $1.442695020e+00, v24;
	(erf) = vpow2.f32 v23  }
0x11c: {  	v31 =	vtrunc.f32 v8;
	v32 =	vmul.f32 $6.666666860e-01, v25;
	v15 =	vld.idx.msk [tilespmem:v15+s19+$0x0], $0xffff  }
0x11d: {  	v21 =	vmul.f32 $1.442695020e+00, v21;
	v33 =	vld.idx.msk [tilespmem:v27+s19+$0x0], $0xffff;
	(erf) = vpow2.f32 v20  }
0x11e: {  	v34 =	vtrunc.f32 v10;
	v20 =	vtrunc.f32 v9;
	v23 =	vld [tilespmem:s5+$0xFFFFFFC0]  }
0x11f: {  	v27 =	vmul.f32 $6.000000000e+00, v32;
	v24 =	vld [tilespmem:s5+$0xFFFFFFD0];
	(erf) = vpow2.f32 v21  }
0x120: {  	v35 =	vtrunc.f32 v12;
	v21 =	vtrunc.f32 v11;
	v25 =	vld [tilespmem:s5+$0xFFFFFFE0]  }
0x121: {  	v36 =	vcvt.f32.s32 v14;
	v37 =	vtrunc.f32 v13;
	v40 =	vadd.f32 $-1.500000000e+01, v27;
	v26 =	vld [tilespmem:s5+$0xFFFFFFF0]  }
0x122: {  	v39 =	vcvt.f32.s32 v16;
	v28 =	vcvt.f32.s32 v28;
	v29 =	vadd.f32 v19, v29;
	v27 =	vld [tilespmem:s5+$0x0]  }
0x123: {  	v31 =	vcvt.f32.s32 v31;
	v19 =	vmul.f32 v40, v32;
	v33 =	vadd.f32 v33, v15;
	v14 =	vld [tilespmem:s5+$0x10];
	v38 =	vpop (erf)  }
0x124: {  	v34 =	vcvt.f32.s32 v34;
	v40 =	vcvt.f32.s32 v20;
	v16 =	vsub.f32 $5.000000000e+00, v23;
	v15 =	vld [tilespmem:s5+$0x20];
	v20 =	vpop (erf)  }
0x125: {  	v41 =	vadd.f32 $1.000000000e+01, v19;
	v38 =	vmul.f32 $9.087499970e-02, v38;
	v20 =	vmul.f32 $2.549299900e-01, v20  }
0x126: {  	v42 =	vcvt.f32.s32 v21;
	v19 =	vsub.f32 $5.000000000e+00, v24;
	v21 =	vpop (erf);
	(erf) = vrcp.f32 v22  }
0x127: {  	v41 =	vmul.f32 v41, v32;
	v36 =	vld.idx.msk [tilespmem:v36+s19+$0x0], $0xffff;
	v38 =	vadd.f32 v20, v38;
	v21 =	vmul.f32 $1.401100010e-01, v21  }
0x128: {  	v35 =	vcvt.f32.s32 v35;
	v37 =	vcvt.f32.s32 v37;
	v20 =	vsub.f32 $5.000000000e+00, v25;
	v39 =	vld.idx.msk [tilespmem:v39+s19+$0x0], $0xffff;
	v43 =	vpop (erf)  }
0x129: {  	v41 =	vmul.f32 v41, v32;
	v44 =	vld.idx.msk [tilespmem:v28+s19+$0x0], $0xffff;
	v38 =	vadd.f32 v38, v21;
	v43 =	vmul.f32 $1.408500040e-02, v43  }
0x12a: {  	v29 =	vmul.f32 v29, v24;
	v28 =	vmul.f32 v33, v25;
	v21 =	vsub.f32 $5.000000000e+00, v26;
	v31 =	vld.idx.msk [tilespmem:v31+s19+$0x0], $0xffff  }
0x12b: {  	v17 =	vmul.f32 v17, v18;
	v32 =	vmul.f32 v41, v32;
	v33 =	vld.idx.msk [tilespmem:v40+s19+$0x0], $0xffff;
	v38 =	vadd.f32 v38, v43  }
0x12c: {  	vm0 =	vge.f32 v22, $5.000000000e+00;
	v18 =	vmul.f32 $-3.613959790e+00, v29;
	v40 =	vmul.f32 $-1.064253450e+00, v29;
	v34 =	vld.idx.msk [tilespmem:v34+s19+$0x0], $0xffff  }
0x12d: {  	vm1 =	vlt.f32 v22, $3.500000000e+00;
	v22 =	vsel vm0, $0x0, v32;
	v41 =	vld.idx.msk [tilespmem:v42+s19+$0x0], $0xffff;
	v17 =	vmul.f32 v38, v17  }
0x12e: {  	v32 =	vmul.f32 $-3.613959790e+00, v28;
	v30 =	vadd.f32 v30, v36;
	v22 =	vsel vm1, $0x3F800000, v22;
	v35 =	vld.idx.msk [tilespmem:v35+s19+$0x0], $0xffff  }
0x12f: {  	v36 =	vmul.f32 $-1.064253450e+00, v28;
	v38 =	vadd.f32 v44, v39;
	v37 =	vld.idx.msk [tilespmem:v37+s19+$0x0], $0xffff;
	v22 =	vmul.f32 v17, v22;
	v39 =	vpop (erf)  }
0x130: {  	v18 =	vmul.f32 $1.442695020e+00, v18;
	v30 =	vmul.f32 v30, v23;
	v17 =	vsub.f32 $5.000000000e+00, v27  }
0x131: {  	v38 =	vmul.f32 v38, v26;
	v31 =	vadd.f32 v33, v31;
	v22 =	vmul.f32 v22, v39  }
0x132: {  	s12 =	sadd.s32 $0x80, s12;
	v42 =	vsub.f32 $5.000000000e+00, v14;
	v33 =	vmul.f32 $-3.613959790e+00, v30;
	v39 =	vmul.f32 $-1.064253450e+00, v30  }
0x133: {  	v43 =	vmul.f32 $-3.613959790e+00, v38;
	v31 =	vmul.f32 v31, v27;
	v34 =	vadd.f32 v41, v34;
	[tilespmem:s12+$0x30] =	vst v22  }
0x134: {  	v41 =	vsub.f32 $5.000000000e+00, v15;
	v22 =	vmul.f32 $1.442695020e+00, v33;
	v33 =	vmul.f32 $-1.064253450e+00, v38  }
0x135: {  	v44 =	vmul.f32 $-3.613959790e+00, v31;
	v34 =	vmul.f32 v34, v14;
	v35 =	vadd.f32 v37, v35  }
0x136: {  	vm13 =	vge.f32 v23, $5.000000000e+00;
	v37 =	vmul.f32 $1.442695020e+00, v39;
	v39 =	vmul.f32 $-1.064253450e+00, v31  }
0x137: {  	vm7 =	vge.f32 v24, $5.000000000e+00;
	v45 =	vmul.f32 $-3.613959790e+00, v34;
	v35 =	vmul.f32 v35, v15  }
0x138: {  	vm8 =	vge.f32 v25, $5.000000000e+00;
	v40 =	vmul.f32 $1.442695020e+00, v40;
	v46 =	vmul.f32 $-1.064253450e+00, v34  }
0x139: {  	vm3 =	vge.f32 v26, $5.000000000e+00;
	v47 =	vmul.f32 $-3.613959790e+00, v35;
	v48 =	vmul.f32 $-1.064253450e+00, v35  }
0x13a: {  	vm4 =	vge.f32 v27, $5.000000000e+00;
	v32 =	vmul.f32 $1.442695020e+00, v32;
	v36 =	vmul.f32 $1.442695020e+00, v36  }
0x13b: {  	vm0 =	vge.f32 v14, $5.000000000e+00;
	v43 =	vmul.f32 $1.442695020e+00, v43;
	v33 =	vmul.f32 $1.442695020e+00, v33  }
0x13c: {  	vm1 =	vge.f32 v15, $5.000000000e+00;
	v44 =	vmul.f32 $1.442695020e+00, v44;
	v39 =	vmul.f32 $1.442695020e+00, v39  }
0x13d: {  	vm2 =	vlt.f32 v23, $3.500000000e+00;
	v45 =	vmul.f32 $1.442695020e+00, v45;
	v46 =	vmul.f32 $1.442695020e+00, v46  }
0x13e: {  	vm5 =	vlt.f32 v24, $3.500000000e+00;
	v47 =	vmul.f32 $1.442695020e+00, v47;
	v48 =	vmul.f32 $1.442695020e+00, v48  }
0x13f: {  	vm9 =	vlt.f32 v25, $3.500000000e+00;
	v50 =	vmul.f32 $-4.550485610e-01, v29;
	v49 =	vmul.f32 $-4.550485610e-01, v30  }
0x140: {  	vm6 =	vlt.f32 v26, $3.500000000e+00;
	v51 =	vmul.f32 $-4.550485610e-01, v28;
	v52 =	vmul.f32 $-4.550485610e-01, v38  }
0x141: {  	vm10 =	vlt.f32 v27, $3.500000000e+00;
	v53 =	vmul.f32 $-4.550485610e-01, v31;
	v54 =	vmul.f32 $-4.550485610e-01, v34  }
0x142: {  	vm12 =	vlt.f32 v14, $3.500000000e+00;
	v55 =	vmul.f32 $-4.550485610e-01, v35;
	(erf) = vpow2.f32 v22  }
0x143: {  	vm11 =	vlt.f32 v15, $3.500000000e+00;
	v49 =	vmul.f32 $1.442695020e+00, v49;
	(erf) = vpow2.f32 v37  }
0x144: {  	v37 =	vmul.f32 $1.442695020e+00, v50;
	(erf) = vpow2.f32 v18  }
0x145: {  	v50 =	vmul.f32 $1.442695020e+00, v51;
	(erf) = vpow2.f32 v40  }
0x146: {  	v40 =	vmul.f32 $1.442695020e+00, v52;
	(erf) = vpow2.f32 v32  }
0x147: {  	v32 =	vmul.f32 $1.442695020e+00, v53;
	(erf) = vpow2.f32 v36  }
0x148: {  	v36 =	vmul.f32 $1.442695020e+00, v54;
	(erf) = vpow2.f32 v43  }
0x149: {  	v43 =	vmul.f32 $1.442695020e+00, v55;
	(erf) = vpow2.f32 v33  }
0x14a: {  	v30 =	vmul.f32 $-2.277162820e-01, v30;
	(erf) = vpow2.f32 v44  }
0x14b: {  	v29 =	vmul.f32 $-2.277162820e-01, v29;
	v33 =	vpop (erf);
	(erf) = vpow2.f32 v39  }
0x14c: {  	v28 =	vmul.f32 $-2.277162820e-01, v28;
	v39 =	vpop (erf);
	(erf) = vpow2.f32 v45  }
0x14d: {  	v38 =	vmul.f32 $-2.277162820e-01, v38;
	v44 =	vpop (erf);
	(erf) = vpow2.f32 v46  }
0x14e: {  	v31 =	vmul.f32 $-2.277162820e-01, v31;
	v45 =	vpop (erf);
	(erf) = vpow2.f32 v47  }
0x14f: {  	v34 =	vmul.f32 $-2.277162820e-01, v34;
	v46 =	vpop (erf);
	(erf) = vpow2.f32 v48  }
0x150: {  	v35 =	vmul.f32 $-2.277162820e-01, v35;
	v18 =	vmul.f32 $6.666666860e-01, v16;
	v47 =	vpop (erf)  }
0x151: {  	v22 =	vmul.f32 $6.666666860e-01, v19;
	v19 =	vmul.f32 $6.666666860e-01, v20;
	v48 =	vpop (erf)  }
0x152: {  	v21 =	vmul.f32 $6.666666860e-01, v21;
	v17 =	vmul.f32 $6.666666860e-01, v17;
	v51 =	vpop (erf)  }
0x153: {  	v20 =	vmul.f32 $6.666666860e-01, v42;
	v16 =	vmul.f32 $6.666666860e-01, v41;
	v41 =	vpop (erf)  }
0x154: {  	v30 =	vmul.f32 $1.442695020e+00, v30;
	(erf) = vpow2.f32 v49;
	v42 =	vpop (erf)  }
0x155: {  	v29 =	vmul.f32 $1.442695020e+00, v29;
	(erf) = vpow2.f32 v37;
	v37 =	vpop (erf)  }
0x156: {  	v28 =	vmul.f32 $1.442695020e+00, v28;
	(erf) = vpow2.f32 v50;
	v49 =	vpop (erf)  }
0x157: {  	v38 =	vmul.f32 $1.442695020e+00, v38;
	(erf) = vpow2.f32 v40;
	v40 =	vpop (erf)  }
0x158: {  	v31 =	vmul.f32 $1.442695020e+00, v31;
	(erf) = vpow2.f32 v32;
	v32 =	vpop (erf)  }
0x159: {  	v34 =	vmul.f32 $1.442695020e+00, v34;
	(erf) = vpow2.f32 v36  }
0x15a: {  	v35 =	vmul.f32 $1.442695020e+00, v35;
	(erf) = vpow2.f32 v43  }
0x15b: {  	v36 =	vmul.f32 $6.000000000e+00, v18;
	v43 =	vmul.f32 $6.000000000e+00, v22  }
0x15c: {  	v52 =	vmul.f32 $6.000000000e+00, v21;
	v50 =	vmul.f32 $6.000000000e+00, v19  }
0x15d: {  	v53 =	vmul.f32 $6.000000000e+00, v17;
	v54 =	vmul.f32 $6.000000000e+00, v20;
	v36 =	vadd.f32 $-1.500000000e+01, v36;
	v55 =	vpop (erf)  }
0x15e: {  	v58 =	vmul.f32 $6.000000000e+00, v16;
	v43 =	vadd.f32 $-1.500000000e+01, v43;
	(erf) = vpow2.f32 v30;
	v30 =	vpop (erf)  }
0x15f: {  	v52 =	vadd.f32 $-1.500000000e+01, v52;
	v50 =	vadd.f32 $-1.500000000e+01, v50;
	(erf) = vpow2.f32 v29;
	v29 =	vpop (erf)  }
0x160: {  	v53 =	vadd.f32 $-1.500000000e+01, v53;
	v54 =	vadd.f32 $-1.500000000e+01, v54;
	(erf) = vpow2.f32 v28;
	v57 =	vpop (erf)  }
0x161: {  	v28 =	vmul.f32 v36, v18;
	v36 =	vadd.f32 $-1.500000000e+01, v58;
	(erf) = vpow2.f32 v38;
	v56 =	vpop (erf)  }
0x162: {  	v38 =	vmul.f32 v43, v22;
	(erf) = vpow2.f32 v31;
	v31 =	vpop (erf)  }
0x163: {  	v43 =	vadd.f32 $1.000000000e+01, v28;
	v28 =	vmul.f32 v50, v19;
	(erf) = vpow2.f32 v34;
	v34 =	vpop (erf)  }
0x164: {  	v50 =	vadd.f32 $1.000000000e+01, v38;
	v38 =	vmul.f32 v52, v21;
	(erf) = vpow2.f32 v35  }
0x165: {  	v58 =	vmul.f32 v54, v20;
	v35 =	vadd.f32 $1.000000000e+01, v28;
	v28 =	vmul.f32 v53, v17  }
0x166: {  	v33 =	vmul.f32 $9.087499970e-02, v33;
	v36 =	vmul.f32 v36, v16;
	v53 =	vadd.f32 $1.000000000e+01, v38  }
0x167: {  	v38 =	vmul.f32 $2.549299900e-01, v39;
	v39 =	vmul.f32 $9.087499970e-02, v44;
	v44 =	vadd.f32 $1.000000000e+01, v28;
	v54 =	vpop (erf)  }
0x168: {  	v28 =	vmul.f32 $2.549299900e-01, v45;
	v45 =	vmul.f32 $9.087499970e-02, v46;
	v46 =	vadd.f32 $1.000000000e+01, v58;
	v52 =	vpop (erf)  }
0x169: {  	v47 =	vmul.f32 $2.549299900e-01, v47;
	v48 =	vmul.f32 $9.087499970e-02, v48;
	v36 =	vadd.f32 $1.000000000e+01, v36;
	v58 =	vpop (erf)  }
0x16a: {  	v51 =	vmul.f32 $2.549299900e-01, v51;
	v41 =	vmul.f32 $9.087499970e-02, v41;
	v33 =	vadd.f32 v38, v33;
	v59 =	vpop (erf)  }
0x16b: {  	v60 =	vmul.f32 $2.549299900e-01, v42;
	v42 =	vmul.f32 $9.087499970e-02, v37;
	v39 =	vadd.f32 v28, v39;
	v37 =	vpop (erf)  }
0x16c: {  	v40 =	vmul.f32 $9.087499970e-02, v40;
	v45 =	vadd.f32 v47, v45;
	v47 =	vmul.f32 $2.549299900e-01, v49;
	v38 =	vpop (erf)  }
0x16d: {  	v48 =	vadd.f32 v51, v48;
	v32 =	vmul.f32 $2.549299900e-01, v32;
	v49 =	vadd.f32 v60, v41;
	v28 =	vpop (erf)  }
0x16e: {  	v30 =	vmul.f32 $1.401100010e-01, v30;
	v41 =	vmul.f32 $1.401100010e-01, v55;
	v47 =	vadd.f32 v47, v42  }
0x16f: {  	v51 =	vmul.f32 $1.401100010e-01, v57;
	v55 =	vadd.f32 v32, v40;
	v42 =	vmul.f32 $1.401100010e-01, v29  }
0x170: {  	v32 =	vmul.f32 $1.401100010e-01, v56;
	v56 =	vmul.f32 $1.401100010e-01, v31;
	v57 =	vadd.f32 v33, v41  }
0x171: {  	v33 =	vmul.f32 v43, v18;
	v60 =	vadd.f32 v39, v30;
	v43 =	vmul.f32 $1.401100010e-01, v34  }
0x172: {  	v29 =	vmul.f32 v50, v22;
	v30 =	vmul.f32 v35, v19;
	v42 =	vadd.f32 v45, v42  }
0x173: {  	v31 =	vmul.f32 v53, v21;
	v41 =	vadd.f32 v48, v51;
	v35 =	vmul.f32 v44, v17  }
0x174: {  	v40 =	vadd.f32 v49, v32;
	v32 =	vmul.f32 v46, v20;
	v34 =	vmul.f32 v36, v16  }
.Ltmp1:
0x175: {  	v39 =	vadd.f32 v47, v56;
	v36 =	vadd.f32 v55, v43;
	(erf) = vrcp.f32 v23;
	(pc) =	sbr.rel @p1 .LBB2_5-.Ltmp1, $4  }
0x176: {  	v23 =	vmul.f32 $1.408500040e-02, v54;
	(erf) = vrcp.f32 v24  }
0x177: {  	v24 =	vmul.f32 $1.408500040e-02, v52;
	(erf) = vrcp.f32 v25  }
0x178: {  	v43 =	vmul.f32 $1.408500040e-02, v58;
	v25 =	vadd.f32 v57, v23;
	(erf) = vrcp.f32 v26  }
0x179: {  	s17 =	sadd.s32 $0x80, s17;
	v24 =	vadd.f32 v60, v24;
	v26 =	vmul.f32 $1.408500040e-02, v59;
	(erf) = vrcp.f32 v27  }
0x17a: {  	v23 =	vmul.f32 $1.408500040e-02, v37  }
0x17b: {  	(erf) = vrcp.f32 v14;
	v44 =	vmul.f32 $1.408500040e-02, v38  }
0x17c: {  	v45 =	vmul.f32 v33, v18;
	v27 =	vmul.f32 $1.408500040e-02, v28  }
0x17d: {  	v46 =	vmul.f32 v29, v22;
	v30 =	vmul.f32 v30, v19  }
0x17e: {  	v31 =	vmul.f32 v31, v21;
	v48 =	vmul.f32 v35, v17  }
0x17f: {  	v32 =	vmul.f32 v32, v20;
	v34 =	vmul.f32 v34, v16  }
0x180: {  	v1 =	vmul.f32 v1, v6;
	v2 =	vmul.f32 v3, v2  }
0x181: {  	v5 =	vmul.f32 v7, v5;
	v52 =	vmul.f32 v9, v8  }
0x182: {  	v54 =	vmul.f32 v11, v10;
	v56 =	vmul.f32 v13, v12  }
0x183: {  	(erf) = vrcp.f32 v15;
	v4 =	vmul.f32 v24, v4  }
0x184: {  	v47 =	vadd.f32 v42, v43;
	v15 =	vmul.f32 v45, v18;
	v49 =	vmul.f32 v46, v22  }
0x185: {  	v26 =	vadd.f32 v41, v26;
	v19 =	vmul.f32 v30, v19;
	v21 =	vmul.f32 v31, v21  }
0x186: {  	v23 =	vadd.f32 v40, v23;
	v17 =	vmul.f32 v48, v17;
	v20 =	vmul.f32 v32, v20  }
0x187: {  	v14 =	vadd.f32 v39, v44;
	v16 =	vmul.f32 v34, v16;
	v1 =	vmul.f32 v25, v1  }
0x188: {  	v50 =	vadd.f32 v36, v27;
	v2 =	vmul.f32 v47, v2;
	v5 =	vmul.f32 v26, v5  }
0x189: {  	v15 =	vsel vm13, $0x0, v15;
	v51 =	vsel vm7, $0x0, v49;
	v3 =	vsel vm8, $0x0, v19  }
0x18a: {  	v53 =	vsel vm3, $0x0, v21;
	v55 =	vsel vm4, $0x0, v17;
	v15 =	vsel vm2, $0x3F800000, v15  }
0x18b: {  	v6 =	vsel vm5, $0x3F800000, v51;
	v3 =	vsel vm9, $0x3F800000, v3;
	v1 =	vmul.f32 v1, v15  }
0x18c: {  	v57 =	vsel vm0, $0x0, v20;
	v7 =	vmul.f32 v23, v52;
	v59 =	vpop (erf);
	v4 =	vmul.f32 v4, v6  }
0x18d: {  	v60 =	vpop (erf);
	v8 =	vsel vm6, $0x3F800000, v53;
	v2 =	vmul.f32 v2, v3;
	v1 =	vmul.f32 v1, v59  }
0x18e: {  	v58 =	vsel vm1, $0x0, v16;
	v9 =	vmul.f32 v14, v54;
	v5 =	vmul.f32 v5, v8;
	v3 =	vpop (erf)  }
0x18f: {  	v10 =	vsel vm10, $0x3F800000, v55;
	v4 =	vmul.f32 v4, v60;
	v2 =	vmul.f32 v2, v3  }
0x190: {  	v11 =	vmul.f32 v50, v56;
	v62 =	vsel vm12, $0x3F800000, v57;
	v7 =	vmul.f32 v7, v10;
	v61 =	vpop (erf);
	[tilespmem:s12+$0xFFFFFFC0] =	vst v1  }
0x191: {  	v8 =	vmul.f32 v9, v62;
	v3 =	vsel vm11, $0x3F800000, v58;
	v5 =	vmul.f32 v5, v61;
	[tilespmem:s12+$0xFFFFFFD0] =	vst v4;
	v1 =	vpop (erf)  }
0x192: {  	v3 =	vmul.f32 v11, v3;
	[tilespmem:s12+$0xFFFFFFE0] =	vst v2;
	v63 =	vpop (erf);
	v1 =	vmul.f32 v7, v1  }
0x193: {  	[tilespmem:s12+$0xFFFFFFF0] =	vst v5;
	v2 =	vpop (erf);
	v4 =	vmul.f32 v8, v63  }
0x194: {  	v2 =	vmul.f32 v3, v2;
	[tilespmem:s12+$0x0] =	vst v1  }
0x195: {  	[tilespmem:s12+$0x10] =	vst v4  }
0x196: {  	s5 =	sadd.s32 $0xF480, s11;
	s17 =	sadd.s32 $0xD480, s11;
	s13 =	sadd.s32 $0x3, s29;
	[tilespmem:s12+$0x20] =	vst v2  }
0x197: {  	[spmem:s2] =	stream.indirect.scatter.add.f32 [tilespmem:s5], [sflag:s13], $0x1, s17, s28, $0xb8;
	[tilespmem:$0x11D40] =	vst v63  }
0x198: {  	s29 =	sadd.s32 $0xF500, s11;
	s30 =	sadd.s32 $0xD500, s11  }
0x199: {  	[spmem:s2] =	stream.indirect.scatter.add.f32 [tilespmem:s29], [sflag:s13], $0x1, s30, s28, $0xb8;
	[tilespmem:$0x11D40] =	vst v63  }
0x19a: {  	s12 =	sadd.s32 $0xF580, s11;
	s17 =	sadd.s32 $0xD580, s11  }
0x19b: {  	[spmem:s2] =	stream.indirect.scatter.add.f32 [tilespmem:s12], [sflag:s13], $0x1, s17, s28, $0xb8;
	[tilespmem:$0x11D40] =	vst v63  }
0x19c: {  	s29 =	sadd.s32 $0xF600, s11;
	s30 =	sadd.s32 $0xD600, s11  }
0x19d: {  	[spmem:s2] =	stream.indirect.scatter.add.f32 [tilespmem:s29], [sflag:s13], $0x1, s30, s28, $0xb8;
	[tilespmem:$0x11D40] =	vst v63  }
0x19e: {  	s12 =	sadd.s32 $0xF680, s11;
	s17 =	sadd.s32 $0xD680, s11  }
0x19f: {  	[spmem:s2] =	stream.indirect.scatter.add.f32 [tilespmem:s12], [sflag:s13], $0x1, s17, s28, $0xb8;
	[tilespmem:$0x11D40] =	vst v63  }
0x1a0: {  	s29 =	sadd.s32 $0xF700, s11;
	s30 =	sadd.s32 $0xD700, s11  }
0x1a1: {  	[spmem:s2] =	stream.indirect.scatter.add.f32 [tilespmem:s29], [sflag:s13], $0x1, s30, s28, $0xb8;
	[tilespmem:$0x11D40] =	vst v63  }
0x1a2: {  	s12 =	sadd.s32 $0xF780, s11;
	s17 =	sadd.s32 $0xD780, s11  }
0x1a3: {  	[spmem:s2] =	stream.indirect.scatter.add.f32 [tilespmem:s12], [sflag:s13], $0x1, s17, s28, $0xb8;
	[tilespmem:$0x11D40] =	vst v63  }
0x1a4: {  	s29 =	sadd.s32 $0xF800, s11;
	s30 =	sadd.s32 $0xD800, s11  }
0x1a5: {  	[spmem:s2] =	stream.indirect.scatter.add.f32 [tilespmem:s29], [sflag:s13], $0x1, s30, s28, $0xb8;
	[tilespmem:$0x11D40] =	vst v63  }
0x1a6: {  	s12 =	sadd.s32 $0xF880, s11;
	s17 =	sadd.s32 $0xD880, s11  }
0x1a7: {  	[spmem:s2] =	stream.indirect.scatter.add.f32 [tilespmem:s12], [sflag:s13], $0x1, s17, s28, $0xb8;
	[tilespmem:$0x11D40] =	vst v63  }
0x1a8: {  	s29 =	sadd.s32 $0xF900, s11;
	s30 =	sadd.s32 $0xD900, s11  }
0x1a9: {  	[spmem:s2] =	stream.indirect.scatter.add.f32 [tilespmem:s29], [sflag:s13], $0x1, s30, s28, $0xb8;
	[tilespmem:$0x11D40] =	vst v63  }
0x1aa: {  	s12 =	sadd.s32 $0xF980, s11;
	s17 =	sadd.s32 $0xD980, s11  }
0x1ab: {  	[spmem:s2] =	stream.indirect.scatter.add.f32 [tilespmem:s12], [sflag:s13], $0x1, s17, s28, $0xb8;
	[tilespmem:$0x11D40] =	vst v63  }
0x1ac: {  	s29 =	sadd.s32 $0xFA00, s11;
	s30 =	sadd.s32 $0xDA00, s11  }
0x1ad: {  	[spmem:s2] =	stream.indirect.scatter.add.f32 [tilespmem:s29], [sflag:s13], $0x1, s30, s28, $0xb8;
	[tilespmem:$0x11D40] =	vst v63  }
0x1ae: {  	s12 =	sadd.s32 $0xFA80, s11;
	s17 =	sadd.s32 $0xDA80, s11  }
0x1af: {  	[spmem:s2] =	stream.indirect.scatter.add.f32 [tilespmem:s12], [sflag:s13], $0x1, s17, s28, $0xb8;
	[tilespmem:$0x11D40] =	vst v63  }
0x1b0: {  	p1 =	sne.s32 s1, $0x18;
	s29 =	sadd.s32 $0xFB00, s11;
	s30 =	sadd.s32 $0xDB00, s11  }
0x1b1: {  	[spmem:s2] =	stream.indirect.scatter.add.f32 [tilespmem:s29], [sflag:s13], $0x1, s30, s28, $0xb8;
	[tilespmem:$0x11D40] =	vst v63  }
.Ltmp2:
0x1b2: {  	_ = 	snop;
	(pc) =	sbr.rel @p1 .LBB2_4-.Ltmp2, $4  }
0x1b3: {  	p0 =	por !p0, !p0;
	s12 =	sadd.s32 $0xFB80, s11;
	s17 =	sadd.s32 $0xDB80, s11  }
0x1b4: {  	[spmem:s2] =	stream.indirect.scatter.add.f32 [tilespmem:s12], [sflag:s13], $0x1, s17, s28, $0xb8;
	[tilespmem:$0x11D40] =	vst v63  }
0x1b5: {  	s5 =	smov.u32 s1;
	s29 =	sadd.s32 $0xFC00, s11;
	s30 =	sadd.s32 $0xDC00, s11  }
0x1b6: {  	[spmem:s2] =	stream.indirect.scatter.add.f32 [tilespmem:s29], [sflag:s13], $0x1, s30, s28, $0xb8;
	[tilespmem:$0x11D40] =	vst v63  }
0x1b7: {  	_ =	swait.ge [sflag:s26], $0x360  }
0x1b8: {  	[sflag:s26] =	ssyncset.done $0x0  }
0x1b9: {  	[sflag:s26] =	ssyncadd.s32 $0xFFFFFCA0  }
0x1ba: {  	_ =	swait.ge [sflag:s26], $0x360  }
0x1bb: {  	[sflag:s26] =	ssyncset.done $0x0  }
0x1bc: {  	[sflag:s26] =	ssyncadd.s32 $0xFFFFFCA0  }
0x1bd: {  	_ =	swait.ge [sflag:s26], $0x360  }
0x1be: {  	[sflag:s26] =	ssyncset.done $0x0  }
0x1bf: {  	s11 =	simm.s32 $0xD4C0;
	[sflag:s26] =	ssyncadd.s32 $0xFFFFFCA0  }
0x1c0: {  	s29 =	simm.s32 $0xE4C0;
	v1 =	vld [tilespmem:s11+$0x30]  }
0x1c1: {  	v2 =	vld [tilespmem:s29+$0x30]  }
0x1c2: {  	v3 =	vld [tilespmem:s29+$0xFFFFFFC0]  }
0x1c3: {  	v4 =	vld [tilespmem:s11+$0xFFFFFFD0]  }
0x1c4: {  	v5 =	vld [tilespmem:s29+$0xFFFFFFD0]  }
0x1c5: {  	v6 =	vld [tilespmem:s11+$0xFFFFFFE0]  }
0x1c6: {  	v7 =	vld [tilespmem:s29+$0xFFFFFFE0]  }
0x1c7: {  	v8 =	vld [tilespmem:s11+$0xFFFFFFF0]  }
0x1c8: {  	v9 =	vld [tilespmem:s29+$0xFFFFFFF0]  }
0x1c9: {  	v10 =	vld [tilespmem:s11+$0x0]  }
0x1ca: {  	s1 =	simm.s32 $0x0;
	v11 =	vld [tilespmem:s29+$0x0]  }
0x1cb: {  	v15 =	vld.idx.msk [tilespmem:v1+s1+$0x0], $0xffff  }
0x1cc: {  	v12 =	vld [tilespmem:s11+$0x10]  }
0x1cd: {  	v16 =	vld.idx.msk [tilespmem:v2+s1+$0x0], $0xffff  }
0x1ce: {  	v13 =	vld [tilespmem:s29+$0x10]  }
0x1cf: {  	v17 =	vld [tilespmem:s11+$0xFFFFFFC0]  }
0x1d0: {  	s5 =	simm.s32 $0xC4C0;
	v18 =	vld.idx.msk [tilespmem:v5+s1+$0x0], $0xffff;
	v1 =	vtrunc.f32 v15  }
0x1d1: {  	v20 =	vld [tilespmem:s5+$0x30];
	v2 =	vcvt.f32.s32 v1  }
0x1d2: {  	v21 =	vld [tilespmem:s11+$0x20];
	v1 =	vtrunc.f32 v16  }
0x1d3: {  	v4 =	vld.idx.msk [tilespmem:v4+s1+$0x0], $0xffff;
	v14 =	vcvt.f32.s32 v1  }
0x1d4: {  	v1 =	vld.idx.msk [tilespmem:v3+s1+$0x0], $0xffff  }
0x1d5: {  	v3 =	vld.idx.msk [tilespmem:v7+s1+$0x0], $0xffff;
	v7 =	vtrunc.f32 v18  }
0x1d6: {  	v23 =	vcvt.f32.s32 v7;
	v7 =	vld.idx.msk [tilespmem:v9+s1+$0x0], $0xffff  }
0x1d7: {  	v19 =	vld.idx.msk [tilespmem:v2+s19+$0x0], $0xffff  }
0x1d8: {  	v2 =	vld.idx.msk [tilespmem:v6+s1+$0x0], $0xffff  }
0x1d9: {  	v5 =	vtrunc.f32 v1;
	v14 =	vld.idx.msk [tilespmem:v14+s19+$0x0], $0xffff  }
0x1da: {  	v6 =	vld.idx.msk [tilespmem:v17+s1+$0x0], $0xffff;
	v22 =	vcvt.f32.s32 v5;
	v5 =	vtrunc.f32 v4  }
0x1db: {  	v15 =	vmul.f32 v16, v15;
	v17 =	vcvt.f32.s32 v5;
	v5 =	vld.idx.msk [tilespmem:v8+s1+$0x0], $0xffff  }
0x1dc: {  	v4 =	vmul.f32 v18, v4;
	v18 =	vtrunc.f32 v3  }
0x1dd: {  	v29 =	vtrunc.f32 v7;
	v9 =	vtrunc.f32 v2  }
0x1de: {  	v18 =	vcvt.f32.s32 v18;
	v8 =	vadd.f32 v14, v19;
	v24 =	vcvt.f32.s32 v9;
	v9 =	vld.idx.msk [tilespmem:v11+s1+$0x0], $0xffff  }
0x1df: {  	v29 =	vcvt.f32.s32 v29;
	v25 =	vtrunc.f32 v6;
	v11 =	vld.idx.msk [tilespmem:v13+s1+$0x0], $0xffff  }
0x1e0: {  	v14 =	vld [tilespmem:s29+$0x20];
	v28 =	vtrunc.f32 v5;
	v19 =	vmul.f32 v8, v20  }
0x1e1: {  	v34 =	vcvt.f32.s32 v25;
	v8 =	vld.idx.msk [tilespmem:v10+s1+$0x0], $0xffff;
	v28 =	vcvt.f32.s32 v28  }
0x1e2: {  	v10 =	vld.idx.msk [tilespmem:v12+s1+$0x0], $0xffff;
	v26 =	vmul.f32 $-3.613959790e+00, v19;
	v27 =	vmul.f32 $-1.064253450e+00, v19  }
0x1e3: {  	v12 =	vld.idx.msk [tilespmem:v21+s1+$0x0], $0xffff;
	v30 =	vmul.f32 $-4.550485610e-01, v19;
	v19 =	vmul.f32 $-2.277162820e-01, v19  }
0x1e4: {  	v31 =	vsub.f32 $5.000000000e+00, v20;
	v23 =	vld.idx.msk [tilespmem:v23+s19+$0x0], $0xffff;
	v32 =	vtrunc.f32 v11;
	v26 =	vmul.f32 $1.442695020e+00, v26  }
0x1e5: {  	v17 =	vld.idx.msk [tilespmem:v17+s19+$0x0], $0xffff;
	v27 =	vmul.f32 $1.442695020e+00, v27;
	v21 =	vmul.f32 $1.442695020e+00, v30  }
0x1e6: {  	v30 =	vmul.f32 $6.666666860e-01, v31;
	v19 =	vmul.f32 $1.442695020e+00, v19  }
0x1e7: {  	v25 =	vld [tilespmem:s5+$0xFFFFFFD0];
	v32 =	vcvt.f32.s32 v32;
	v31 =	vtrunc.f32 v10  }
0x1e8: {  	v29 =	vld.idx.msk [tilespmem:v29+s19+$0x0], $0xffff;
	v33 =	vtrunc.f32 v12;
	(erf) = vpow2.f32 v26  }
0x1e9: {  	v13 =	vld.idx.msk [tilespmem:v14+s1+$0x0], $0xffff;
	v26 =	vmul.f32 $6.000000000e+00, v30;
	(erf) = vpow2.f32 v27  }
0x1ea: {  	v17 =	vadd.f32 v23, v17;
	v14 =	vtrunc.f32 v8;
	v28 =	vld.idx.msk [tilespmem:v28+s19+$0x0], $0xffff;
	(erf) = vpow2.f32 v21  }
0x1eb: {  	v21 =	vtrunc.f32 v9;
	(erf) = vpow2.f32 v19;
	v19 =	vld.idx.msk [tilespmem:v24+s19+$0x0], $0xffff;
	v24 =	vadd.f32 $-1.500000000e+01, v26  }
0x1ec: {  	v18 =	vld.idx.msk [tilespmem:v18+s19+$0x0], $0xffff;
	v36 =	vcvt.f32.s32 v14;
	v21 =	vcvt.f32.s32 v21  }
0x1ed: {  	v17 =	vmul.f32 v17, v25;
	v26 =	vld [tilespmem:s5+$0xFFFFFFE0];
	v14 =	vmul.f32 v24, v30  }
0x1ee: {  	v31 =	vcvt.f32.s32 v31;
	v33 =	vcvt.f32.s32 v33;
	v24 =	vld [tilespmem:s5+$0xFFFFFFF0]  }
0x1ef: {  	v50 =	vmul.f32 $-1.064253450e+00, v17;
	v44 =	vmul.f32 $-4.550485610e-01, v17;
	v39 =	vadd.f32 $1.000000000e+01, v14  }
0x1f0: {  	(erf) = vrcp.f32 v20;
	v35 =	vtrunc.f32 v13;
	v28 =	vadd.f32 v29, v28  }
0x1f1: {  	v22 =	vld.idx.msk [tilespmem:v22+s19+$0x0], $0xffff;
	v48 =	vcvt.f32.s32 v35;
	v18 =	vadd.f32 v18, v19;
	v37 =	vpop (erf);
	v39 =	vmul.f32 v39, v30  }
0x1f2: {  	v16 =	vld.idx.msk [tilespmem:v21+s19+$0x0], $0xffff;
	v21 =	vmul.f32 $-3.613959790e+00, v17;
	v37 =	vmul.f32 $9.087499970e-02, v37  }
0x1f3: {  	v19 =	vld.idx.msk [tilespmem:v34+s19+$0x0], $0xffff;
	v38 =	vpop (erf);
	v18 =	vmul.f32 v18, v26;
	v34 =	vmul.f32 v28, v24  }
0x1f4: {  	v23 =	vld [tilespmem:s5+$0x0];
	v38 =	vmul.f32 $2.549299900e-01, v38;
	v40 =	vpop (erf);
	v39 =	vmul.f32 v39, v30  }
0x1f5: {  	v36 =	vld.idx.msk [tilespmem:v36+s19+$0x0], $0xffff;
	v21 =	vmul.f32 $1.442695020e+00, v21;
	v47 =	vmul.f32 $1.401100010e-01, v40  }
0x1f6: {  	vm0 =	vge.f32 v20, $5.000000000e+00;
	v27 =	vld [tilespmem:s5+$0xFFFFFFC0];
	v52 =	vmul.f32 $-1.064253450e+00, v18;
	v54 =	vmul.f32 $-3.613959790e+00, v34  }
0x1f7: {  	vm1 =	vlt.f32 v20, $3.500000000e+00;
	v49 =	vpop (erf);
	v45 =	vmul.f32 $-4.550485610e-01, v18;
	v46 =	vmul.f32 $-4.550485610e-01, v34  }
0x1f8: {  	v37 =	vadd.f32 v38, v37;
	v35 =	vmul.f32 $1.408500040e-02, v49;
	v30 =	vmul.f32 v39, v30  }
0x1f9: {  	v51 =	vld.idx.msk [tilespmem:v33+s19+$0x0], $0xffff;
	v19 =	vadd.f32 v22, v19;
	v22 =	vmul.f32 $-3.613959790e+00, v18;
	v33 =	vmul.f32 $1.442695020e+00, v52  }
0x1fa: {  	v16 =	vadd.f32 v16, v36;
	v36 =	vmul.f32 $1.442695020e+00, v54;
	v52 =	vmul.f32 $-2.277162820e-01, v17  }
0x1fb: {  	v17 =	vsub.f32 $5.000000000e+00, v23;
	v37 =	vadd.f32 v37, v47;
	v19 =	vmul.f32 v19, v27  }
0x1fc: {  	v20 =	vsel vm0, $0x0, v30;
	v30 =	vld.idx.msk [tilespmem:v32+s19+$0x0], $0xffff;
	v22 =	vmul.f32 $1.442695020e+00, v22;
	v32 =	vmul.f32 $1.442695020e+00, v44  }
0x1fd: {  	v16 =	vmul.f32 v16, v23;
	v17 =	vmul.f32 $6.666666860e-01, v17  }
0x1fe: {  	v31 =	vld.idx.msk [tilespmem:v31+s19+$0x0], $0xffff;
	v35 =	vadd.f32 v37, v35;
	v53 =	vmul.f32 $-1.064253450e+00, v19;
	v37 =	vmul.f32 $1.442695020e+00, v50  }
0x1ff: {  	v43 =	vmul.f32 $-4.550485610e-01, v19;
	v62 =	vmul.f32 $-2.277162820e-01, v19  }
0x200: {  	v55 =	vmul.f32 $-3.613959790e+00, v16;
	v57 =	vmul.f32 $-1.064253450e+00, v16  }
0x201: {  	v14 =	vld [tilespmem:s5+$0x10];
	v47 =	vmul.f32 $-4.550485610e-01, v16;
	v50 =	vmul.f32 $6.000000000e+00, v17  }
0x202: {  	v15 =	vmul.f32 v35, v15;
	v56 =	vmul.f32 $1.442695020e+00, v53  }
0x203: {  	v53 =	vmul.f32 $-2.277162820e-01, v18;
	v30 =	vadd.f32 v30, v31;
	v31 =	vmul.f32 $-1.064253450e+00, v34  }
0x204: {  	v38 =	vmul.f32 $1.442695020e+00, v55;
	v35 =	vmul.f32 $1.442695020e+00, v57  }
0x205: {  	v20 =	vsel vm1, $0x3F800000, v20;
	v44 =	vmul.f32 $1.442695020e+00, v47;
	v34 =	vmul.f32 $-2.277162820e-01, v34  }
0x206: {  	v15 =	vmul.f32 v15, v20;
	v30 =	vmul.f32 v30, v14  }
0x207: {  	v29 =	vpop (erf);
	v31 =	vmul.f32 $1.442695020e+00, v31;
	v34 =	vmul.f32 $1.442695020e+00, v34  }
0x208: {  	v28 =	vmul.f32 v15, v29;
	v29 =	vmul.f32 $-3.613959790e+00, v19  }
0x209: {  	v20 =	vld.idx.msk [tilespmem:v48+s19+$0x0], $0xffff;
	v58 =	vmul.f32 $-3.613959790e+00, v30;
	v59 =	vmul.f32 $-1.064253450e+00, v30  }
0x20a: {  	v48 =	vmul.f32 $-4.550485610e-01, v30;
	v30 =	vmul.f32 $-2.277162820e-01, v30  }
0x20b: {  	v15 =	vld [tilespmem:s5+$0x20];
	v29 =	vmul.f32 $1.442695020e+00, v29;
	v39 =	vmul.f32 $1.442695020e+00, v58  }
0x20c: {  	v40 =	vmul.f32 $1.442695020e+00, v59;
	v60 =	vmul.f32 $1.442695020e+00, v48  }
0x20d: {  	v58 =	vmul.f32 $1.442695020e+00, v62;
	v59 =	vmul.f32 $1.442695020e+00, v52  }
0x20e: {  	v20 =	vadd.f32 v20, v51;
	v30 =	vmul.f32 $1.442695020e+00, v30;
	(erf) = vpow2.f32 v29  }
0x20f: {  	v29 =	vmul.f32 $1.442695020e+00, v43;
	v43 =	vmul.f32 $1.442695020e+00, v45  }
0x210: {  	v20 =	vmul.f32 v20, v15;
	(erf) = vpow2.f32 v56  }
0x211: {  	vm7 =	vge.f32 v25, $5.000000000e+00;
	v56 =	vmul.f32 $-2.277162820e-01, v16;
	(erf) = vpow2.f32 v21  }
0x212: {  	v54 =	vsub.f32 $5.000000000e+00, v14;
	v41 =	vmul.f32 $-3.613959790e+00, v20;
	v42 =	vmul.f32 $-1.064253450e+00, v20  }
0x213: {  	v55 =	vsub.f32 $5.000000000e+00, v15;
	v49 =	vmul.f32 $-4.550485610e-01, v20;
	(erf) = vpow2.f32 v37  }
0x214: {  	v21 =	vsub.f32 $5.000000000e+00, v27;
	v37 =	vmul.f32 $1.442695020e+00, v46;
	v57 =	vmul.f32 $-2.277162820e-01, v20  }
0x215: {  	v63 =	vsub.f32 $5.000000000e+00, v24;
	v20 =	vmul.f32 $6.666666860e-01, v54;
	v16 =	vmul.f32 $6.666666860e-01, v55  }
0x216: {  	vm5 =	vlt.f32 v25, $3.500000000e+00;
	(erf) = vpow2.f32 v22;
	v18 =	vmul.f32 $6.666666860e-01, v21  }
0x217: {  	vm4 =	vge.f32 v23, $5.000000000e+00;
	v21 =	vmul.f32 $6.666666860e-01, v63;
	v41 =	vmul.f32 $1.442695020e+00, v41  }
0x218: {  	vm10 =	vlt.f32 v23, $3.500000000e+00;
	v42 =	vmul.f32 $1.442695020e+00, v42;
	(erf) = vpow2.f32 v33  }
0x219: {  	v22 =	vsub.f32 $5.000000000e+00, v25;
	v61 =	vmul.f32 $1.442695020e+00, v49;
	v33 =	vmul.f32 $1.442695020e+00, v57  }
0x21a: {  	vm13 =	vge.f32 v27, $5.000000000e+00;
	v51 =	vmul.f32 $6.000000000e+00, v20;
	(erf) = vpow2.f32 v36  }
0x21b: {  	v22 =	vmul.f32 $6.666666860e-01, v22;
	(erf) = vpow2.f32 v31;
	v31 =	vsub.f32 $5.000000000e+00, v26  }
0x21c: {  	vm2 =	vlt.f32 v27, $3.500000000e+00;
	v63 =	vmul.f32 $6.000000000e+00, v21;
	(erf) = vpow2.f32 v38  }
0x21d: {  	v51 =	vadd.f32 $-1.500000000e+01, v51;
	(erf) = vpow2.f32 v35;
	v19 =	vmul.f32 $6.666666860e-01, v31  }
0x21e: {  	vm8 =	vge.f32 v26, $5.000000000e+00;
	v35 =	vmul.f32 $1.442695020e+00, v53;
	v53 =	vmul.f32 $6.000000000e+00, v16  }
0x21f: {  	v46 =	vadd.f32 $-1.500000000e+01, v63;
	v47 =	vpop (erf);
	v63 =	vmul.f32 v51, v20;
	(erf) = vpow2.f32 v39  }
0x220: {  	vm9 =	vlt.f32 v26, $3.500000000e+00;
	v48 =	vpop (erf);
	v47 =	vmul.f32 $9.087499970e-02, v47;
	(erf) = vpow2.f32 v40  }
0x221: {  	v50 =	vadd.f32 $-1.500000000e+01, v50;
	v31 =	vpop (erf);
	v62 =	vmul.f32 $6.000000000e+00, v19;
	v48 =	vmul.f32 $2.549299900e-01, v48  }
0x222: {  	vm3 =	vge.f32 v24, $5.000000000e+00;
	(erf) = vpow2.f32 v41;
	v31 =	vmul.f32 $9.087499970e-02, v31  }
0x223: {  	v38 =	vpop (erf);
	(erf) = vpow2.f32 v42;
	v45 =	vadd.f32 $-1.500000000e+01, v62;
	v62 =	vmul.f32 v50, v17  }
0x224: {  	vm6 =	vlt.f32 v24, $3.500000000e+00;
	v54 =	vmul.f32 $2.549299900e-01, v38;
	(erf) = vpow2.f32 v29;
	v29 =	vpop (erf)  }
0x225: {  	vm12 =	vlt.f32 v14, $3.500000000e+00;
	(erf) = vpow2.f32 v32;
	v29 =	vmul.f32 $9.087499970e-02, v29  }
0x226: {  	vm0 =	vge.f32 v14, $5.000000000e+00;
	v32 =	vpop (erf);
	(erf) = vpow2.f32 v43;
	v43 =	vmul.f32 $1.442695020e+00, v56  }
0x227: {  	vm1 =	vge.f32 v15, $5.000000000e+00;
	v42 =	vpop (erf);
	v32 =	vmul.f32 $2.549299900e-01, v32;
	(erf) = vpow2.f32 v37  }
0x228: {  	vm11 =	vlt.f32 v15, $3.500000000e+00;
	v37 =	vpop (erf);
	v42 =	vmul.f32 $9.087499970e-02, v42;
	(erf) = vpow2.f32 v44  }
0x229: {  	v53 =	vadd.f32 $-1.500000000e+01, v53;
	v44 =	vpop (erf);
	v37 =	vmul.f32 $2.549299900e-01, v37;
	(erf) = vpow2.f32 v60  }
0x22a: {  	v38 =	vadd.f32 $1.000000000e+01, v63;
	v60 =	vmul.f32 $6.000000000e+00, v18;
	v44 =	vmul.f32 $9.087499970e-02, v44  }
0x22b: {  	v51 =	vadd.f32 $1.000000000e+01, v62;
	v56 =	vpop (erf);
	(erf) = vpow2.f32 v61;
	v61 =	vmul.f32 $6.000000000e+00, v22  }
0x22c: {  	v31 =	vadd.f32 v54, v31;
	v52 =	vpop (erf);
	v55 =	vmul.f32 $2.549299900e-01, v56;
	(erf) = vpow2.f32 v58  }
0x22d: {  	v36 =	vadd.f32 $-1.500000000e+01, v60;
	v39 =	vpop (erf);
	v60 =	vmul.f32 v45, v19;
	v56 =	vmul.f32 $9.087499970e-02, v52  }
0x22e: {  	v32 =	vadd.f32 v32, v29;
	(erf) = vpow2.f32 v59;
	v39 =	vmul.f32 $2.549299900e-01, v39  }
0x22f: {  	v41 =	vadd.f32 $-1.500000000e+01, v61;
	v40 =	vpop (erf);
	(erf) = vpow2.f32 v35;
	v57 =	vmul.f32 v36, v18  }
0x230: {  	v37 =	vadd.f32 v37, v42;
	v40 =	vmul.f32 $9.087499970e-02, v40;
	(erf) = vpow2.f32 v34  }
0x231: {  	v44 =	vadd.f32 v55, v44;
	v58 =	vmul.f32 v41, v22;
	v36 =	vpop (erf);
	(erf) = vpow2.f32 v43  }
0x232: {  	v35 =	vadd.f32 $1.000000000e+01, v57;
	v59 =	vpop (erf);
	(erf) = vpow2.f32 v30;
	v30 =	vmul.f32 v46, v21  }
0x233: {  	v34 =	vadd.f32 $1.000000000e+01, v58;
	v58 =	vmul.f32 $2.549299900e-01, v36;
	v61 =	vpop (erf);
	(erf) = vpow2.f32 v33  }
0x234: {  	v39 =	vadd.f32 v39, v56;
	v59 =	vmul.f32 $1.401100010e-01, v59;
	v33 =	vmul.f32 v35, v18  }
0x235: {  	v35 =	vmul.f32 v51, v17;
	v50 =	vadd.f32 $1.000000000e+01, v30;
	v30 =	vmul.f32 v53, v16;
	v29 =	vpop (erf)  }
0x236: {  	v43 =	vadd.f32 $1.000000000e+01, v60;
	v45 =	vmul.f32 $1.401100010e-01, v61;
	v57 =	vpop (erf);
	v61 =	vmul.f32 $1.401100010e-01, v29  }
0x237: {  	v46 =	vadd.f32 $1.000000000e+01, v30;
	v30 =	vadd.f32 v48, v47;
	v60 =	vpop (erf);
	v62 =	vmul.f32 $1.401100010e-01, v57  }
0x238: {  	v45 =	vadd.f32 v31, v45;
	v31 =	vmul.f32 v50, v21;
	v29 =	vpop (erf);
	v63 =	vmul.f32 $1.401100010e-01, v60  }
0x239: {  	v42 =	vadd.f32 v32, v61;
	v32 =	vmul.f32 v38, v20;
	(erf) = vrcp.f32 v27;
	v56 =	vpop (erf)  }
0x23a: {  	v49 =	vadd.f32 v58, v40;
	v58 =	vmul.f32 $1.401100010e-01, v29;
	v29 =	vmul.f32 v34, v22;
	v54 =	vpop (erf)  }
0x23b: {  	v57 =	vadd.f32 v30, v59;
	v30 =	vmul.f32 v43, v19;
	v34 =	vmul.f32 v46, v16;
	v60 =	vpop (erf)  }
0x23c: {  	v41 =	vadd.f32 v37, v62;
	(erf) = vrcp.f32 v25;
	v59 =	vmul.f32 $1.401100010e-01, v56;
	v61 =	vpop (erf)  }
0x23d: {  	v40 =	vadd.f32 v44, v63;
	(erf) = vrcp.f32 v26;
	v62 =	vmul.f32 $1.408500040e-02, v54;
	v27 =	vpop (erf)  }
0x23e: {  	v39 =	vadd.f32 v39, v58;
	(erf) = vrcp.f32 v24;
	v63 =	vmul.f32 $1.408500040e-02, v60;
	v37 =	vpop (erf)  }
0x23f: {  	s11 =	simm.s32 $0xF4C0;
	v36 =	vadd.f32 v49, v59;
	(erf) = vrcp.f32 v23;
	v43 =	vmul.f32 $1.408500040e-02, v61;
	v38 =	vpop (erf)  }
0x240: {  	s12 =	simm.s32 $0x0;
	s13 =	simm.s32 $0xD540;
	[tilespmem:s11+$0x30] =	vst v28;
	v25 =	vadd.f32 v57, v62;
	v24 =	vadd.f32 v45, v63;
	v26 =	vmul.f32 $1.408500040e-02, v27;
	v28 =	vpop (erf)  }
.LBB2_8:
0x241: {  	v23 =	vld [tilespmem:s13+$0x30];
	v27 =	vadd.f32 v42, v43;
	v37 =	vmul.f32 $1.408500040e-02, v37;
	s29 =	sadd.s32 $0x80, s29;
	(erf) = vrcp.f32 v14  }
0x242: {  	v38 =	vmul.f32 $1.408500040e-02, v38;
	v14 =	vld [tilespmem:s29+$0x30];
	v26 =	vadd.f32 v41, v26;
	(erf) = vrcp.f32 v15  }
0x243: {  	s12 =	sadd.s32 $0x8, s12;
	v33 =	vmul.f32 v33, v18;
	v28 =	vmul.f32 $1.408500040e-02, v28;
	v15 =	vld [tilespmem:s29+$0xFFFFFFC0];
	v37 =	vadd.f32 v40, v37  }
0x244: {  	v44 =	vmul.f32 v29, v22;
	v30 =	vmul.f32 v30, v19;
	p0 =	slt.u32 s12, $0x28;
	v38 =	vadd.f32 v39, v38;
	v40 =	vld [tilespmem:s13+$0xFFFFFFD0]  }
0x245: {  	v31 =	vmul.f32 v31, v21;
	v35 =	vmul.f32 v35, v17;
	v28 =	vadd.f32 v36, v28;
	v39 =	vld [tilespmem:s29+$0xFFFFFFD0];
	v36 =	vpop (erf)  }
0x246: {  	v45 =	vmul.f32 v32, v20;
	v34 =	vmul.f32 v34, v16;
	v41 =	vld [tilespmem:s13+$0xFFFFFFE0];
	v42 =	vpop (erf)  }
0x247: {  	v33 =	vmul.f32 v33, v18;
	v22 =	vmul.f32 v44, v22;
	v43 =	vld [tilespmem:s29+$0xFFFFFFE0];
	v29 =	vpop (erf)  }
0x248: {  	v19 =	vmul.f32 v30, v19;
	v21 =	vmul.f32 v31, v21;
	v44 =	vld [tilespmem:s13+$0xFFFFFFF0];
	v30 =	vpop (erf)  }
0x249: {  	v31 =	vmul.f32 v35, v17;
	v20 =	vmul.f32 v45, v20;
	v18 =	vld.idx.msk [tilespmem:v23+s1+$0x0], $0xffff;
	v23 =	vsel vm13, $0x0, v33;
	v32 =	vpop (erf)  }
0x24a: {  	v1 =	vmul.f32 v1, v6;
	v6 =	vsel vm7, $0x0, v22;
	v17 =	vld.idx.msk [tilespmem:v14+s1+$0x0], $0xffff;
	v14 =	vmul.f32 v34, v16;
	v16 =	vpop (erf)  }
0x24b: {  	v2 =	vmul.f32 v3, v2;
	v3 =	vmul.f32 v7, v5;
	v19 =	vsel vm8, $0x0, v19;
	v33 =	vld [tilespmem:s29+$0xFFFFFFF0];
	v34 =	vpop (erf)  }
0x24c: {  	v7 =	vmul.f32 v9, v8;
	v8 =	vmul.f32 v11, v10;
	v5 =	vsel vm3, $0x0, v21;
	v35 =	vld [tilespmem:s13+$0x0]  }
0x24d: {  	v10 =	vmul.f32 v25, v1;
	v1 =	vmul.f32 v13, v12;
	v11 =	vsel vm4, $0x0, v31;
	v9 =	vld [tilespmem:s29+$0x0]  }
0x24e: {  	v4 =	vmul.f32 v24, v4;
	v2 =	vmul.f32 v27, v2;
	v13 =	vsel vm0, $0x0, v20;
	v12 =	vld [tilespmem:s13+$0x10]  }
0x24f: {  	v3 =	vmul.f32 v26, v3;
	v14 =	vsel vm1, $0x0, v14;
	v21 =	vtrunc.f32 v18;
	v20 =	vld [tilespmem:s29+$0x10]  }
0x250: {  	v23 =	vsel vm2, $0x3F800000, v23;
	v21 =	vcvt.f32.s32 v21;
	v22 =	vtrunc.f32 v17;
	v24 =	vld [tilespmem:s13+$0x20]  }
0x251: {  	v7 =	vmul.f32 v37, v7;
	v6 =	vsel vm5, $0x3F800000, v6;
	v22 =	vcvt.f32.s32 v22;
	v25 =	vld [tilespmem:s29+$0x20]  }
0x252: {  	v8 =	vmul.f32 v38, v8;
	v27 =	vmul.f32 v28, v1;
	v19 =	vsel vm9, $0x3F800000, v19;
	v26 =	vld [tilespmem:s13+$0xFFFFFFC0]  }
0x253: {  	v5 =	vsel vm6, $0x3F800000, v5;
	v11 =	vsel vm10, $0x3F800000, v11;
	v13 =	vsel vm12, $0x3F800000, v13;
	v1 =	vld.idx.msk [tilespmem:v15+s1+$0x0], $0xffff  }
0x254: {  	v4 =	vmul.f32 v4, v6;
	v10 =	vmul.f32 v10, v23;
	v6 =	vsel vm11, $0x3F800000, v14;
	v15 =	vld.idx.msk [tilespmem:v40+s1+$0x0], $0xffff  }
0x255: {  	v19 =	vmul.f32 v2, v19;
	v5 =	vmul.f32 v3, v5;
	v14 =	vld.idx.msk [tilespmem:v39+s1+$0x0], $0xffff  }
0x256: {  	v11 =	vmul.f32 v7, v11;
	v8 =	vmul.f32 v8, v13;
	v21 =	vld.idx.msk [tilespmem:v21+s19+$0x0], $0xffff  }
0x257: {  	v7 =	vmul.f32 v10, v36;
	v10 =	vmul.f32 v27, v6;
	v13 =	vld.idx.msk [tilespmem:v22+s19+$0x0], $0xffff  }
0x258: {  	v4 =	vmul.f32 v4, v42;
	v19 =	vmul.f32 v19, v29;
	v2 =	vld.idx.msk [tilespmem:v41+s1+$0x0], $0xffff  }
0x259: {  	s5 =	sadd.s32 $0x80, s5;
	v6 =	vtrunc.f32 v1;
	v3 =	vld.idx.msk [tilespmem:v43+s1+$0x0], $0xffff;
	[tilespmem:s11+$0xFFFFFFC0] =	vst v7;
	v7 =	vmul.f32 v5, v30  }
0x25a: {  	v23 =	vcvt.f32.s32 v6;
	v5 =	vtrunc.f32 v15;
	v22 =	vld [tilespmem:s5+$0x30];
	[tilespmem:s11+$0xFFFFFFD0] =	vst v4  }
0x25b: {  	v4 =	vtrunc.f32 v14;
	v6 =	vld.idx.msk [tilespmem:v26+s1+$0x0], $0xffff;
	v26 =	vcvt.f32.s32 v5;
	[tilespmem:s11+$0xFFFFFFE0] =	vst v19  }
0x25c: {  	v19 =	vcvt.f32.s32 v4;
	v4 =	vmul.f32 v14, v15;
	v5 =	vld.idx.msk [tilespmem:v44+s1+$0x0], $0xffff;
	[tilespmem:s11+$0xFFFFFFF0] =	vst v7  }
0x25d: {  	v11 =	vmul.f32 v11, v32;
	v14 =	vmul.f32 v8, v16;
	v13 =	vadd.f32 v13, v21;
	v7 =	vld.idx.msk [tilespmem:v33+s1+$0x0], $0xffff  }
0x25e: {  	v16 =	vmul.f32 v10, v34;
	v15 =	vtrunc.f32 v2;
	v8 =	vld.idx.msk [tilespmem:v35+s1+$0x0], $0xffff  }
0x25f: {  	v10 =	vtrunc.f32 v3;
	v9 =	vld.idx.msk [tilespmem:v9+s1+$0x0], $0xffff;
	v21 =	vmul.f32 v13, v22;
	[tilespmem:s11+$0x0] =	vst v11  }
0x260: {  	v15 =	vcvt.f32.s32 v15;
	v27 =	vcvt.f32.s32 v10;
	v10 =	vld.idx.msk [tilespmem:v12+s1+$0x0], $0xffff;
	[tilespmem:s11+$0x10] =	vst v14  }
0x261: {  	v14 =	vtrunc.f32 v6;
	v11 =	vld.idx.msk [tilespmem:v20+s1+$0x0], $0xffff;
	v20 =	vmul.f32 $-3.613959790e+00, v21;
	[tilespmem:s11+$0x20] =	vst v16  }
0x262: {  	v16 =	vtrunc.f32 v5;
	v12 =	vld.idx.msk [tilespmem:v24+s1+$0x0], $0xffff;
	v24 =	vmul.f32 $-1.064253450e+00, v21  }
0x263: {  	v28 =	vtrunc.f32 v7;
	v13 =	vld.idx.msk [tilespmem:v25+s1+$0x0], $0xffff;
	v20 =	vmul.f32 $1.442695020e+00, v20  }
0x264: {  	v30 =	vld.idx.msk [tilespmem:v23+s19+$0x0], $0xffff;
	v23 =	vmul.f32 $1.442695020e+00, v24;
	v24 =	vmul.f32 $-4.550485610e-01, v21  }
0x265: {  	v25 =	vsub.f32 $5.000000000e+00, v22;
	v21 =	vmul.f32 $-2.277162820e-01, v21;
	v29 =	vld.idx.msk [tilespmem:v26+s19+$0x0], $0xffff;
	(erf) = vpow2.f32 v20  }
0x266: {  	v19 =	vld.idx.msk [tilespmem:v19+s19+$0x0], $0xffff;
	v20 =	vmul.f32 $1.442695020e+00, v24;
	(erf) = vpow2.f32 v23  }
0x267: {  	v31 =	vtrunc.f32 v8;
	v32 =	vmul.f32 $6.666666860e-01, v25;
	v15 =	vld.idx.msk [tilespmem:v15+s19+$0x0], $0xffff  }
0x268: {  	v21 =	vmul.f32 $1.442695020e+00, v21;
	v33 =	vld.idx.msk [tilespmem:v27+s19+$0x0], $0xffff;
	(erf) = vpow2.f32 v20  }
0x269: {  	v34 =	vtrunc.f32 v10;
	v20 =	vtrunc.f32 v9;
	v23 =	vld [tilespmem:s5+$0xFFFFFFC0]  }
0x26a: {  	v27 =	vmul.f32 $6.000000000e+00, v32;
	v24 =	vld [tilespmem:s5+$0xFFFFFFD0];
	(erf) = vpow2.f32 v21  }
0x26b: {  	v35 =	vtrunc.f32 v12;
	v21 =	vtrunc.f32 v11;
	v25 =	vld [tilespmem:s5+$0xFFFFFFE0]  }
0x26c: {  	v36 =	vcvt.f32.s32 v14;
	v37 =	vtrunc.f32 v13;
	v40 =	vadd.f32 $-1.500000000e+01, v27;
	v26 =	vld [tilespmem:s5+$0xFFFFFFF0]  }
0x26d: {  	v39 =	vcvt.f32.s32 v16;
	v28 =	vcvt.f32.s32 v28;
	v29 =	vadd.f32 v19, v29;
	v27 =	vld [tilespmem:s5+$0x0]  }
0x26e: {  	v31 =	vcvt.f32.s32 v31;
	v19 =	vmul.f32 v40, v32;
	v33 =	vadd.f32 v33, v15;
	v14 =	vld [tilespmem:s5+$0x10];
	v38 =	vpop (erf)  }
0x26f: {  	v34 =	vcvt.f32.s32 v34;
	v40 =	vcvt.f32.s32 v20;
	v16 =	vsub.f32 $5.000000000e+00, v23;
	v15 =	vld [tilespmem:s5+$0x20];
	v20 =	vpop (erf)  }
0x270: {  	v41 =	vadd.f32 $1.000000000e+01, v19;
	v38 =	vmul.f32 $9.087499970e-02, v38;
	v20 =	vmul.f32 $2.549299900e-01, v20  }
0x271: {  	v42 =	vcvt.f32.s32 v21;
	v19 =	vsub.f32 $5.000000000e+00, v24;
	v21 =	vpop (erf);
	(erf) = vrcp.f32 v22  }
0x272: {  	v41 =	vmul.f32 v41, v32;
	v36 =	vld.idx.msk [tilespmem:v36+s19+$0x0], $0xffff;
	v38 =	vadd.f32 v20, v38;
	v21 =	vmul.f32 $1.401100010e-01, v21  }
0x273: {  	v35 =	vcvt.f32.s32 v35;
	v37 =	vcvt.f32.s32 v37;
	v20 =	vsub.f32 $5.000000000e+00, v25;
	v39 =	vld.idx.msk [tilespmem:v39+s19+$0x0], $0xffff;
	v43 =	vpop (erf)  }
0x274: {  	v41 =	vmul.f32 v41, v32;
	v44 =	vld.idx.msk [tilespmem:v28+s19+$0x0], $0xffff;
	v38 =	vadd.f32 v38, v21;
	v43 =	vmul.f32 $1.408500040e-02, v43  }
0x275: {  	v29 =	vmul.f32 v29, v24;
	v28 =	vmul.f32 v33, v25;
	v21 =	vsub.f32 $5.000000000e+00, v26;
	v31 =	vld.idx.msk [tilespmem:v31+s19+$0x0], $0xffff  }
0x276: {  	v17 =	vmul.f32 v17, v18;
	v32 =	vmul.f32 v41, v32;
	v33 =	vld.idx.msk [tilespmem:v40+s19+$0x0], $0xffff;
	v38 =	vadd.f32 v38, v43  }
0x277: {  	vm0 =	vge.f32 v22, $5.000000000e+00;
	v18 =	vmul.f32 $-3.613959790e+00, v29;
	v40 =	vmul.f32 $-1.064253450e+00, v29;
	v34 =	vld.idx.msk [tilespmem:v34+s19+$0x0], $0xffff  }
0x278: {  	vm1 =	vlt.f32 v22, $3.500000000e+00;
	v22 =	vsel vm0, $0x0, v32;
	v41 =	vld.idx.msk [tilespmem:v42+s19+$0x0], $0xffff;
	v17 =	vmul.f32 v38, v17  }
0x279: {  	v32 =	vmul.f32 $-3.613959790e+00, v28;
	v30 =	vadd.f32 v30, v36;
	v22 =	vsel vm1, $0x3F800000, v22;
	v35 =	vld.idx.msk [tilespmem:v35+s19+$0x0], $0xffff  }
0x27a: {  	v36 =	vmul.f32 $-1.064253450e+00, v28;
	v38 =	vadd.f32 v44, v39;
	v37 =	vld.idx.msk [tilespmem:v37+s19+$0x0], $0xffff;
	v22 =	vmul.f32 v17, v22;
	v39 =	vpop (erf)  }
0x27b: {  	v18 =	vmul.f32 $1.442695020e+00, v18;
	v30 =	vmul.f32 v30, v23;
	v17 =	vsub.f32 $5.000000000e+00, v27  }
0x27c: {  	v38 =	vmul.f32 v38, v26;
	v31 =	vadd.f32 v33, v31;
	v22 =	vmul.f32 v22, v39  }
0x27d: {  	s11 =	sadd.s32 $0x80, s11;
	v42 =	vsub.f32 $5.000000000e+00, v14;
	v33 =	vmul.f32 $-3.613959790e+00, v30;
	v39 =	vmul.f32 $-1.064253450e+00, v30  }
0x27e: {  	v43 =	vmul.f32 $-3.613959790e+00, v38;
	v31 =	vmul.f32 v31, v27;
	v34 =	vadd.f32 v41, v34;
	[tilespmem:s11+$0x30] =	vst v22  }
0x27f: {  	v41 =	vsub.f32 $5.000000000e+00, v15;
	v22 =	vmul.f32 $1.442695020e+00, v33;
	v33 =	vmul.f32 $-1.064253450e+00, v38  }
0x280: {  	v44 =	vmul.f32 $-3.613959790e+00, v31;
	v34 =	vmul.f32 v34, v14;
	v35 =	vadd.f32 v37, v35  }
0x281: {  	vm13 =	vge.f32 v23, $5.000000000e+00;
	v37 =	vmul.f32 $1.442695020e+00, v39;
	v39 =	vmul.f32 $-1.064253450e+00, v31  }
0x282: {  	vm7 =	vge.f32 v24, $5.000000000e+00;
	v45 =	vmul.f32 $-3.613959790e+00, v34;
	v35 =	vmul.f32 v35, v15  }
0x283: {  	vm8 =	vge.f32 v25, $5.000000000e+00;
	v40 =	vmul.f32 $1.442695020e+00, v40;
	v46 =	vmul.f32 $-1.064253450e+00, v34  }
0x284: {  	vm3 =	vge.f32 v26, $5.000000000e+00;
	v47 =	vmul.f32 $-3.613959790e+00, v35;
	v48 =	vmul.f32 $-1.064253450e+00, v35  }
0x285: {  	vm4 =	vge.f32 v27, $5.000000000e+00;
	v32 =	vmul.f32 $1.442695020e+00, v32;
	v36 =	vmul.f32 $1.442695020e+00, v36  }
0x286: {  	vm0 =	vge.f32 v14, $5.000000000e+00;
	v43 =	vmul.f32 $1.442695020e+00, v43;
	v33 =	vmul.f32 $1.442695020e+00, v33  }
0x287: {  	vm1 =	vge.f32 v15, $5.000000000e+00;
	v44 =	vmul.f32 $1.442695020e+00, v44;
	v39 =	vmul.f32 $1.442695020e+00, v39  }
0x288: {  	vm2 =	vlt.f32 v23, $3.500000000e+00;
	v45 =	vmul.f32 $1.442695020e+00, v45;
	v46 =	vmul.f32 $1.442695020e+00, v46  }
0x289: {  	vm5 =	vlt.f32 v24, $3.500000000e+00;
	v47 =	vmul.f32 $1.442695020e+00, v47;
	v48 =	vmul.f32 $1.442695020e+00, v48  }
0x28a: {  	vm9 =	vlt.f32 v25, $3.500000000e+00;
	v50 =	vmul.f32 $-4.550485610e-01, v29;
	v49 =	vmul.f32 $-4.550485610e-01, v30  }
0x28b: {  	vm6 =	vlt.f32 v26, $3.500000000e+00;
	v51 =	vmul.f32 $-4.550485610e-01, v28;
	v52 =	vmul.f32 $-4.550485610e-01, v38  }
0x28c: {  	vm10 =	vlt.f32 v27, $3.500000000e+00;
	v53 =	vmul.f32 $-4.550485610e-01, v31;
	v54 =	vmul.f32 $-4.550485610e-01, v34  }
0x28d: {  	vm12 =	vlt.f32 v14, $3.500000000e+00;
	v55 =	vmul.f32 $-4.550485610e-01, v35;
	(erf) = vpow2.f32 v22  }
0x28e: {  	vm11 =	vlt.f32 v15, $3.500000000e+00;
	v49 =	vmul.f32 $1.442695020e+00, v49;
	(erf) = vpow2.f32 v37  }
0x28f: {  	v37 =	vmul.f32 $1.442695020e+00, v50;
	(erf) = vpow2.f32 v18  }
0x290: {  	v50 =	vmul.f32 $1.442695020e+00, v51;
	(erf) = vpow2.f32 v40  }
0x291: {  	v40 =	vmul.f32 $1.442695020e+00, v52;
	(erf) = vpow2.f32 v32  }
0x292: {  	v32 =	vmul.f32 $1.442695020e+00, v53;
	(erf) = vpow2.f32 v36  }
0x293: {  	v36 =	vmul.f32 $1.442695020e+00, v54;
	(erf) = vpow2.f32 v43  }
0x294: {  	v43 =	vmul.f32 $1.442695020e+00, v55;
	(erf) = vpow2.f32 v33  }
0x295: {  	v30 =	vmul.f32 $-2.277162820e-01, v30;
	(erf) = vpow2.f32 v44  }
0x296: {  	v29 =	vmul.f32 $-2.277162820e-01, v29;
	v33 =	vpop (erf);
	(erf) = vpow2.f32 v39  }
0x297: {  	v28 =	vmul.f32 $-2.277162820e-01, v28;
	v39 =	vpop (erf);
	(erf) = vpow2.f32 v45  }
0x298: {  	v38 =	vmul.f32 $-2.277162820e-01, v38;
	v44 =	vpop (erf);
	(erf) = vpow2.f32 v46  }
0x299: {  	v31 =	vmul.f32 $-2.277162820e-01, v31;
	v45 =	vpop (erf);
	(erf) = vpow2.f32 v47  }
0x29a: {  	v34 =	vmul.f32 $-2.277162820e-01, v34;
	v46 =	vpop (erf);
	(erf) = vpow2.f32 v48  }
0x29b: {  	v35 =	vmul.f32 $-2.277162820e-01, v35;
	v18 =	vmul.f32 $6.666666860e-01, v16;
	v47 =	vpop (erf)  }
0x29c: {  	v22 =	vmul.f32 $6.666666860e-01, v19;
	v19 =	vmul.f32 $6.666666860e-01, v20;
	v48 =	vpop (erf)  }
0x29d: {  	v21 =	vmul.f32 $6.666666860e-01, v21;
	v17 =	vmul.f32 $6.666666860e-01, v17;
	v51 =	vpop (erf)  }
0x29e: {  	v20 =	vmul.f32 $6.666666860e-01, v42;
	v16 =	vmul.f32 $6.666666860e-01, v41;
	v41 =	vpop (erf)  }
0x29f: {  	v30 =	vmul.f32 $1.442695020e+00, v30;
	(erf) = vpow2.f32 v49;
	v42 =	vpop (erf)  }
0x2a0: {  	v29 =	vmul.f32 $1.442695020e+00, v29;
	(erf) = vpow2.f32 v37;
	v37 =	vpop (erf)  }
0x2a1: {  	v28 =	vmul.f32 $1.442695020e+00, v28;
	(erf) = vpow2.f32 v50;
	v49 =	vpop (erf)  }
0x2a2: {  	v38 =	vmul.f32 $1.442695020e+00, v38;
	(erf) = vpow2.f32 v40;
	v40 =	vpop (erf)  }
0x2a3: {  	v31 =	vmul.f32 $1.442695020e+00, v31;
	(erf) = vpow2.f32 v32;
	v32 =	vpop (erf)  }
0x2a4: {  	v34 =	vmul.f32 $1.442695020e+00, v34;
	(erf) = vpow2.f32 v36  }
0x2a5: {  	v35 =	vmul.f32 $1.442695020e+00, v35;
	(erf) = vpow2.f32 v43  }
0x2a6: {  	v36 =	vmul.f32 $6.000000000e+00, v18;
	v43 =	vmul.f32 $6.000000000e+00, v22  }
0x2a7: {  	v52 =	vmul.f32 $6.000000000e+00, v21;
	v50 =	vmul.f32 $6.000000000e+00, v19  }
0x2a8: {  	v53 =	vmul.f32 $6.000000000e+00, v17;
	v54 =	vmul.f32 $6.000000000e+00, v20;
	v36 =	vadd.f32 $-1.500000000e+01, v36;
	v55 =	vpop (erf)  }
0x2a9: {  	v58 =	vmul.f32 $6.000000000e+00, v16;
	v43 =	vadd.f32 $-1.500000000e+01, v43;
	(erf) = vpow2.f32 v30;
	v30 =	vpop (erf)  }
0x2aa: {  	v52 =	vadd.f32 $-1.500000000e+01, v52;
	v50 =	vadd.f32 $-1.500000000e+01, v50;
	(erf) = vpow2.f32 v29;
	v29 =	vpop (erf)  }
0x2ab: {  	v53 =	vadd.f32 $-1.500000000e+01, v53;
	v54 =	vadd.f32 $-1.500000000e+01, v54;
	(erf) = vpow2.f32 v28;
	v57 =	vpop (erf)  }
0x2ac: {  	v28 =	vmul.f32 v36, v18;
	v36 =	vadd.f32 $-1.500000000e+01, v58;
	(erf) = vpow2.f32 v38;
	v56 =	vpop (erf)  }
0x2ad: {  	v38 =	vmul.f32 v43, v22;
	(erf) = vpow2.f32 v31;
	v31 =	vpop (erf)  }
0x2ae: {  	v43 =	vadd.f32 $1.000000000e+01, v28;
	v28 =	vmul.f32 v50, v19;
	(erf) = vpow2.f32 v34;
	v34 =	vpop (erf)  }
0x2af: {  	v50 =	vadd.f32 $1.000000000e+01, v38;
	v38 =	vmul.f32 v52, v21;
	(erf) = vpow2.f32 v35  }
0x2b0: {  	v58 =	vmul.f32 v54, v20;
	v35 =	vadd.f32 $1.000000000e+01, v28;
	v28 =	vmul.f32 v53, v17  }
0x2b1: {  	v33 =	vmul.f32 $9.087499970e-02, v33;
	v36 =	vmul.f32 v36, v16;
	v53 =	vadd.f32 $1.000000000e+01, v38  }
0x2b2: {  	v38 =	vmul.f32 $2.549299900e-01, v39;
	v39 =	vmul.f32 $9.087499970e-02, v44;
	v44 =	vadd.f32 $1.000000000e+01, v28;
	v54 =	vpop (erf)  }
0x2b3: {  	v28 =	vmul.f32 $2.549299900e-01, v45;
	v45 =	vmul.f32 $9.087499970e-02, v46;
	v46 =	vadd.f32 $1.000000000e+01, v58;
	v52 =	vpop (erf)  }
0x2b4: {  	v47 =	vmul.f32 $2.549299900e-01, v47;
	v48 =	vmul.f32 $9.087499970e-02, v48;
	v36 =	vadd.f32 $1.000000000e+01, v36;
	v58 =	vpop (erf)  }
0x2b5: {  	v51 =	vmul.f32 $2.549299900e-01, v51;
	v41 =	vmul.f32 $9.087499970e-02, v41;
	v33 =	vadd.f32 v38, v33;
	v59 =	vpop (erf)  }
0x2b6: {  	v60 =	vmul.f32 $2.549299900e-01, v42;
	v42 =	vmul.f32 $9.087499970e-02, v37;
	v39 =	vadd.f32 v28, v39;
	v37 =	vpop (erf)  }
0x2b7: {  	v40 =	vmul.f32 $9.087499970e-02, v40;
	v45 =	vadd.f32 v47, v45;
	v47 =	vmul.f32 $2.549299900e-01, v49;
	v38 =	vpop (erf)  }
0x2b8: {  	v48 =	vadd.f32 v51, v48;
	v32 =	vmul.f32 $2.549299900e-01, v32;
	v49 =	vadd.f32 v60, v41;
	v28 =	vpop (erf)  }
0x2b9: {  	v30 =	vmul.f32 $1.401100010e-01, v30;
	v41 =	vmul.f32 $1.401100010e-01, v55;
	v47 =	vadd.f32 v47, v42  }
0x2ba: {  	v51 =	vmul.f32 $1.401100010e-01, v57;
	v55 =	vadd.f32 v32, v40;
	v42 =	vmul.f32 $1.401100010e-01, v29  }
0x2bb: {  	v32 =	vmul.f32 $1.401100010e-01, v56;
	v56 =	vmul.f32 $1.401100010e-01, v31;
	v57 =	vadd.f32 v33, v41  }
0x2bc: {  	v33 =	vmul.f32 v43, v18;
	v60 =	vadd.f32 v39, v30;
	v43 =	vmul.f32 $1.401100010e-01, v34  }
0x2bd: {  	v29 =	vmul.f32 v50, v22;
	v30 =	vmul.f32 v35, v19;
	v42 =	vadd.f32 v45, v42  }
0x2be: {  	v31 =	vmul.f32 v53, v21;
	v41 =	vadd.f32 v48, v51;
	v35 =	vmul.f32 v44, v17  }
0x2bf: {  	v40 =	vadd.f32 v49, v32;
	v32 =	vmul.f32 v46, v20;
	v34 =	vmul.f32 v36, v16  }
.Ltmp3:
0x2c0: {  	v39 =	vadd.f32 v47, v56;
	v36 =	vadd.f32 v55, v43;
	(erf) = vrcp.f32 v23;
	(pc) =	sbr.rel @p0 .LBB2_8-.Ltmp3, $4  }
0x2c1: {  	v23 =	vmul.f32 $1.408500040e-02, v54;
	(erf) = vrcp.f32 v24  }
0x2c2: {  	v24 =	vmul.f32 $1.408500040e-02, v52;
	(erf) = vrcp.f32 v25  }
0x2c3: {  	v43 =	vmul.f32 $1.408500040e-02, v58;
	v25 =	vadd.f32 v57, v23;
	(erf) = vrcp.f32 v26  }
0x2c4: {  	s13 =	sadd.s32 $0x80, s13;
	v24 =	vadd.f32 v60, v24;
	v26 =	vmul.f32 $1.408500040e-02, v59;
	(erf) = vrcp.f32 v27  }
0x2c5: {  	v23 =	vmul.f32 $1.408500040e-02, v37  }
0x2c6: {  	(erf) = vrcp.f32 v14;
	v44 =	vmul.f32 $1.408500040e-02, v38  }
0x2c7: {  	v45 =	vmul.f32 v33, v18;
	v27 =	vmul.f32 $1.408500040e-02, v28  }
0x2c8: {  	v46 =	vmul.f32 v29, v22;
	v30 =	vmul.f32 v30, v19  }
0x2c9: {  	v31 =	vmul.f32 v31, v21;
	v48 =	vmul.f32 v35, v17  }
0x2ca: {  	v32 =	vmul.f32 v32, v20;
	v34 =	vmul.f32 v34, v16  }
0x2cb: {  	v1 =	vmul.f32 v1, v6;
	v2 =	vmul.f32 v3, v2  }
0x2cc: {  	v5 =	vmul.f32 v7, v5;
	v52 =	vmul.f32 v9, v8  }
0x2cd: {  	v54 =	vmul.f32 v11, v10;
	v56 =	vmul.f32 v13, v12  }
0x2ce: {  	(erf) = vrcp.f32 v15;
	v4 =	vmul.f32 v24, v4  }
0x2cf: {  	v47 =	vadd.f32 v42, v43;
	v15 =	vmul.f32 v45, v18;
	v49 =	vmul.f32 v46, v22  }
0x2d0: {  	v26 =	vadd.f32 v41, v26;
	v19 =	vmul.f32 v30, v19;
	v21 =	vmul.f32 v31, v21  }
0x2d1: {  	v23 =	vadd.f32 v40, v23;
	v17 =	vmul.f32 v48, v17;
	v20 =	vmul.f32 v32, v20  }
0x2d2: {  	v14 =	vadd.f32 v39, v44;
	v16 =	vmul.f32 v34, v16;
	v1 =	vmul.f32 v25, v1  }
0x2d3: {  	v50 =	vadd.f32 v36, v27;
	v2 =	vmul.f32 v47, v2;
	v5 =	vmul.f32 v26, v5  }
0x2d4: {  	v15 =	vsel vm13, $0x0, v15;
	v51 =	vsel vm7, $0x0, v49;
	v3 =	vsel vm8, $0x0, v19  }
0x2d5: {  	v53 =	vsel vm3, $0x0, v21;
	v55 =	vsel vm4, $0x0, v17;
	v15 =	vsel vm2, $0x3F800000, v15  }
0x2d6: {  	v6 =	vsel vm5, $0x3F800000, v51;
	v3 =	vsel vm9, $0x3F800000, v3;
	v1 =	vmul.f32 v1, v15  }
0x2d7: {  	v57 =	vsel vm0, $0x0, v20;
	v7 =	vmul.f32 v23, v52;
	v59 =	vpop (erf);
	v4 =	vmul.f32 v4, v6  }
0x2d8: {  	v60 =	vpop (erf);
	v8 =	vsel vm6, $0x3F800000, v53;
	v2 =	vmul.f32 v2, v3;
	v1 =	vmul.f32 v1, v59  }
0x2d9: {  	v58 =	vsel vm1, $0x0, v16;
	v9 =	vmul.f32 v14, v54;
	v5 =	vmul.f32 v5, v8;
	v3 =	vpop (erf)  }
0x2da: {  	v10 =	vsel vm10, $0x3F800000, v55;
	v4 =	vmul.f32 v4, v60;
	v2 =	vmul.f32 v2, v3  }
0x2db: {  	v11 =	vmul.f32 v50, v56;
	v62 =	vsel vm12, $0x3F800000, v57;
	v7 =	vmul.f32 v7, v10;
	v61 =	vpop (erf);
	[tilespmem:s11+$0xFFFFFFC0] =	vst v1  }
0x2dc: {  	v8 =	vmul.f32 v9, v62;
	v3 =	vsel vm11, $0x3F800000, v58;
	v5 =	vmul.f32 v5, v61;
	[tilespmem:s11+$0xFFFFFFD0] =	vst v4;
	v1 =	vpop (erf)  }
0x2dd: {  	v3 =	vmul.f32 v11, v3;
	[tilespmem:s11+$0xFFFFFFE0] =	vst v2;
	v63 =	vpop (erf);
	v1 =	vmul.f32 v7, v1  }
0x2de: {  	[tilespmem:s11+$0xFFFFFFF0] =	vst v5;
	v2 =	vpop (erf);
	v4 =	vmul.f32 v8, v63  }
0x2df: {  	v2 =	vmul.f32 v3, v2;
	[tilespmem:s11+$0x0] =	vst v1  }
0x2e0: {  	[tilespmem:s11+$0x10] =	vst v4  }
0x2e1: {  	[tilespmem:s11+$0x20] =	vst v2  }
.LBB2_10:
0x2e2: {  	s5 =	sshra.s32 s1, $0x2  }
0x2e3: {  	v1 =	vld [tilespmem:s5+$0xD780]  }
0x2e4: {  	v2 =	vld [tilespmem:s5+$0xE780];
	_ =	sdelay $0x6  }
0x2e5: {  	v1 =	vld.idx.msk [tilespmem:v1+s4+$0x0], $0xffff  }
0x2e6: {  	v2 =	vld.idx.msk [tilespmem:v2+s4+$0x0], $0xffff;
	_ =	sdelay $0x3  }
0x2e7: {  	v3 =	vtrunc.f32 v1  }
0x2e8: {  	v4 =	vtrunc.f32 v2;
	v3 =	vcvt.f32.s32 v3  }
0x2e9: {  	v4 =	vcvt.f32.s32 v4;
	_ =	sdelay $0x4  }
0x2ea: {  	v3 =	vld.idx.msk [tilespmem:v3+s19+$0x0], $0xffff  }
0x2eb: {  	v4 =	vld.idx.msk [tilespmem:v4+s19+$0x0], $0xffff;
	_ =	sdelay $0x1  }
0x2ec: {  	v5 =	vld [tilespmem:s5+$0xC780];
	_ =	sdelay $0x2  }
0x2ed: {  	v3 =	vadd.f32 v4, v3;
	_ =	sdelay $0x1  }
0x2ee: {  	v3 =	vmul.f32 v3, v5;
	_ =	sdelay $0x1  }
0x2ef: {  	v55 =	vmul.f32 $-3.613959790e+00, v3  }
0x2f0: {  	v6 =	vmul.f32 $-1.064253450e+00, v3  }
0x2f1: {  	v4 =	vmul.f32 $1.442695020e+00, v55  }
0x2f2: {  	v56 =	vmul.f32 $-4.550485610e-01, v3;
	v6 =	vmul.f32 $1.442695020e+00, v6  }
0x2f3: {  	v7 =	vsub.f32 $5.000000000e+00, v5;
	v3 =	vmul.f32 $-2.277162820e-01, v3;
	(erf) = vpow2.f32 v4  }
0x2f4: {  	v4 =	vmul.f32 $1.442695020e+00, v56;
	(erf) = vpow2.f32 v6  }
0x2f5: {  	v57 =	vmul.f32 $6.666666860e-01, v7  }
0x2f6: {  	v3 =	vmul.f32 $1.442695020e+00, v3;
	(erf) = vpow2.f32 v4  }
0x2f7: {  	v58 =	vmul.f32 $6.000000000e+00, v57  }
0x2f8: {  	(erf) = vpow2.f32 v3  }
0x2f9: {  	v3 =	vadd.f32 $-1.500000000e+01, v58;
	_ =	sdelay $0x1  }
0x2fa: {  	v3 =	vmul.f32 v3, v57  }
0x2fb: {  	v59 =	vpop (erf)  }
0x2fc: {  	v3 =	vadd.f32 $1.000000000e+01, v3;
	v60 =	vpop (erf)  }
0x2fd: {  	v4 =	vmul.f32 $9.087499970e-02, v59;
	v7 =	vmul.f32 $2.549299900e-01, v60  }
0x2fe: {  	v3 =	vmul.f32 v3, v57;
	v8 =	vpop (erf)  }
0x2ff: {  	(erf) = vrcp.f32 v5;
	v61 =	vmul.f32 $1.401100010e-01, v8;
	v4 =	vadd.f32 v7, v4  }
0x300: {  	v3 =	vmul.f32 v3, v57;
	v62 =	vpop (erf)  }
0x301: {  	v63 =	vmul.f32 $1.408500040e-02, v62;
	v4 =	vadd.f32 v4, v61  }
0x302: {  	v3 =	vmul.f32 v3, v57  }
0x303: {  	vm0 =	vge.f32 v5, $5.000000000e+00;
	v1 =	vmul.f32 v2, v1;
	v4 =	vadd.f32 v4, v63  }
0x304: {  	vm1 =	vlt.f32 v5, $3.500000000e+00;
	v2 =	vsel vm0, $0x0, v3  }
0x305: {  	v2 =	vsel vm1, $0x3F800000, v2;
	v1 =	vmul.f32 v4, v1  }
0x306: {  	p0 =	sne.s32 s1, $0x140  }
.Ltmp4:
0x307: {  	v1 =	vmul.f32 v1, v2;
	(pc) =	sbr.rel @p0 .LBB2_10-.Ltmp4, $3  }
0x308: {  	v2 =	vpop (erf)  }
0x309: {  	v1 =	vmul.f32 v1, v2;
	_ =	sdelay $0x1  }
0x30a: {  	s1 =	sadd.s32 $0x40, s1;
	[tilespmem:s5+$0xF780] =	vst v1  }
0x30b: {  	s1 =	simm.s32 $0xF480  }
0x30c: {  	[spmem:s2] =	stream.indirect.scatter.add.f32 [tilespmem:s1], [sflag:$0x3], $0x1, s24, s28, $0xb8;
	[tilespmem:$0x11D40] =	vst v63  }
0x30d: {  	s12 =	simm.s32 $0xD500;
	s5 =	simm.s32 $0xF500  }
0x30e: {  	[spmem:s2] =	stream.indirect.scatter.add.f32 [tilespmem:s5], [sflag:$0x3], $0x1, s12, s28, $0xb8;
	[tilespmem:$0x11D40] =	vst v63  }
0x30f: {  	s13 =	simm.s32 $0xD580;
	s17 =	simm.s32 $0xF580  }
0x310: {  	[spmem:s2] =	stream.indirect.scatter.add.f32 [tilespmem:s17], [sflag:$0x3], $0x1, s13, s28, $0xb8;
	[tilespmem:$0x11D40] =	vst v63  }
0x311: {  	s29 =	simm.s32 $0xD600;
	s30 =	simm.s32 $0xF600  }
0x312: {  	[spmem:s2] =	stream.indirect.scatter.add.f32 [tilespmem:s30], [sflag:$0x3], $0x1, s29, s28, $0xb8;
	[tilespmem:$0x11D40] =	vst v63  }
0x313: {  	s11 =	simm.s32 $0xF680;
	s5 =	simm.s32 $0xD680  }
0x314: {  	[spmem:s2] =	stream.indirect.scatter.add.f32 [tilespmem:s11], [sflag:$0x3], $0x1, s5, s28, $0xb8;
	[tilespmem:$0x11D40] =	vst v63  }
0x315: {  	s12 =	simm.s32 $0xD700;
	s13 =	simm.s32 $0xF700  }
0x316: {  	[spmem:s2] =	stream.indirect.scatter.add.f32 [tilespmem:s13], [sflag:$0x3], $0x1, s12, s28, $0xb8;
	[tilespmem:$0x11D40] =	vst v63  }
0x317: {  	s17 =	simm.s32 $0x60;
	s29 =	simm.s32 $0xD780;
	s11 =	simm.s32 $0xF780  }
0x318: {  	[spmem:s2] =	stream.indirect.scatter.add.f32 [tilespmem:s11], [sflag:$0x3], $0x1, s29, s17, $0xb8;
	[tilespmem:$0x11D40] =	vst v63  }
0x319: {  	_ =	swait.ge [sflag:s31], $0x80  }
0x31a: {  	[sflag:s31] =	ssyncset.done $0x0  }
0x31b: {  	[sflag:s31] =	ssyncadd.s32 $0xFFFFFF80  }
0x31c: {  	_ =	swait.ge [sflag:s31], $0x80  }
0x31d: {  	[sflag:s31] =	ssyncset.done $0x0  }
0x31e: {  	[sflag:s31] =	ssyncadd.s32 $0xFFFFFF80  }
0x31f: {  	_ =	swait.ge [sflag:s31], $0x80  }
0x320: {  	[sflag:s31] =	ssyncset.done $0x0  }
0x321: {  	[sflag:s31] =	ssyncadd.s32 $0xFFFFFF80  }
0x322: {  	_ =	swait.ge [sflag:s31], $0x80  }
0x323: {  	[sflag:s31] =	ssyncset.done $0x0  }
0x324: {  	[sflag:s31] =	ssyncadd.s32 $0xFFFFFF80  }
0x325: {  	_ =	swait.ge [sflag:s31], $0x80  }
0x326: {  	[sflag:s31] =	ssyncset.done $0x0  }
0x327: {  	[sflag:s31] =	ssyncadd.s32 $0xFFFFFF80  }
0x328: {  	_ =	swait.ge [sflag:s31], $0x80  }
0x329: {  	[sflag:s31] =	ssyncset.done $0x0  }
0x32a: {  	[sflag:s31] =	ssyncadd.s32 $0xFFFFFF80  }
0x32b: {  	_ =	swait.ge [sflag:s31], $0x80  }
0x32c: {  	[sflag:s31] =	ssyncset.done $0x0  }
0x32d: {  	[sflag:s31] =	ssyncadd.s32 $0xFFFFFF80  }
0x32e: {  	_ =	swait.ge [sflag:s31], $0x80  }
0x32f: {  	[sflag:s31] =	ssyncset.done $0x0  }
0x330: {  	[sflag:s31] =	ssyncadd.s32 $0xFFFFFF80  }
0x331: {  	_ =	swait.ge [sflag:s31], $0x80  }
0x332: {  	[sflag:s31] =	ssyncset.done $0x0  }
0x333: {  	[sflag:s31] =	ssyncadd.s32 $0xFFFFFF80  }
0x334: {  	_ =	swait.ge [sflag:s31], $0x80  }
0x335: {  	[sflag:s31] =	ssyncset.done $0x0  }
0x336: {  	[sflag:s31] =	ssyncadd.s32 $0xFFFFFF80  }
0x337: {  	_ =	swait.ge [sflag:s31], $0x80  }
0x338: {  	[sflag:s31] =	ssyncset.done $0x0  }
0x339: {  	[sflag:s31] =	ssyncadd.s32 $0xFFFFFF80  }
0x33a: {  	_ =	swait.ge [sflag:s31], $0x80  }
0x33b: {  	[sflag:s31] =	ssyncset.done $0x0  }
0x33c: {  	[sflag:s31] =	ssyncadd.s32 $0xFFFFFF80  }
0x33d: {  	_ =	swait.ge [sflag:s31], $0x80  }
0x33e: {  	[sflag:s31] =	ssyncset.done $0x0  }
0x33f: {  	[sflag:s31] =	ssyncadd.s32 $0xFFFFFF80  }
0x340: {  	_ =	swait.ge [sflag:s31], $0x80  }
0x341: {  	[sflag:s31] =	ssyncset.done $0x0  }
0x342: {  	[sflag:s31] =	ssyncadd.s32 $0xFFFFFF80  }
0x343: {  	_ =	swait.ge [sflag:s31], $0x80  }
0x344: {  	[sflag:s31] =	ssyncset.done $0x0  }
0x345: {  	[sflag:s31] =	ssyncadd.s32 $0xFFFFFF80  }
0x346: {  	_ =	swait.ge [sflag:s31], $0x80  }
0x347: {  	[sflag:s31] =	ssyncset.done $0x0  }
0x348: {  	[sflag:s31] =	ssyncadd.s32 $0xFFFFFF80  }
0x349: {  	_ =	swait.ge [sflag:s0], $0x80  }
0x34a: {  	[sflag:s0] =	ssyncset.done $0x0  }
0x34b: {  	[sflag:s0] =	ssyncadd.s32 $0xFFFFFF80  }
0x34c: {  	_ =	swait.ge [sflag:s0], $0x80  }
0x34d: {  	[sflag:s0] =	ssyncset.done $0x0  }
0x34e: {  	[sflag:s0] =	ssyncadd.s32 $0xFFFFFF80  }
0x34f: {  	_ =	swait.ge [sflag:s0], $0x80  }
0x350: {  	[sflag:s0] =	ssyncset.done $0x0  }
0x351: {  	[sflag:s0] =	ssyncadd.s32 $0xFFFFFF80  }
0x352: {  	_ =	swait.ge [sflag:s0], $0x80  }
0x353: {  	[sflag:s0] =	ssyncset.done $0x0  }
0x354: {  	[sflag:s0] =	ssyncadd.s32 $0xFFFFFF80  }
0x355: {  	_ =	swait.ge [sflag:s0], $0x80  }
0x356: {  	[sflag:s0] =	ssyncset.done $0x0  }
0x357: {  	[sflag:s0] =	ssyncadd.s32 $0xFFFFFF80  }
0x358: {  	_ =	swait.ge [sflag:s0], $0x80  }
0x359: {  	[sflag:s0] =	ssyncset.done $0x0  }
0x35a: {  	[sflag:s0] =	ssyncadd.s32 $0xFFFFFF80  }
0x35b: {  	_ =	swait.ge [sflag:s0], $0x60  }
0x35c: {  	[sflag:s0] =	ssyncset.done $0x0  }
0x35d: {  	[sflag:s0] =	ssyncadd.s32 $0xFFFFFFA0  }
0x35e: {  	[bflag:$0x0] =	sbarrier.arrive $0xFFFF  }
0x35f: {  	[tilespmem:s20], [sflag:$0x6] =	stream.linear.gather [spmem:s10], $0xC40, $0x38;
	[tilespmem:$0x11D40] =	vst v63  }
0x360: {  	s3 =	sadd.s32 $0x1, s3;
	_ =	swait.ge [sflag:s21], $0xC40  }
0x361: {  	p0 =	sne.s32 s3, s18;
	[sflag:s21] =	ssyncset.done $0x0  }
.Ltmp5:
0x362: {  	s30 =	rddreg [dreg:$0x8];
	[sflag:s21] =	ssyncadd.s32 $0xFFFFF3C0;
	(pc) =	sbr.rel @p0 .LBB2_1-.Ltmp5, $4  }
0x363: {  	[hbm4b:s30+s4] =	stream.linear.scatter [tilespmem:s20], [sflag:$0x6], $0xC40, $0x38;
	[tilespmem:$0x11D40] =	vst v63  }
0x364: {  	_ =	swait.ge [sflag:s21], $0xC40  }
0x365: {  	[sflag:s21] =	ssyncset.done $0x0  }
0x366: {  	[sflag:s21] =	ssyncadd.s32 $0xFFFFF3C0  }
0x367: {  	_ =	sfence.sel $0x180000  }
0x368: {  	[bflag:$0x0] =	sbarrier.arrive $0xFFFF  }
0x369: {  	_ =	strace $0x90000047  }
0x36a: {  	s0 =	stileid.u32;
	[bflag:$0x2] =	sbarrier.arrive $0xFFFF  }
0x36b: {  	p0 =	sne.s32 s0, $0x0;
	s0 =	rddreg [dreg:$0x3]  }
0x36c: {  	s0 =	sadd.s32 @!p0 $0x100000, s0  }
0x36d: {  	[sflag:s0] =	ssyncadd.tile.s32 @!p0 $0x1;
	_ =	shalt  }
.Lfunc_end2:
_tile_overlayer_lowered:
.L_overlay_start_2:
0x36e: {  	(tag) =	ssettag $0x2  }
0x36f: {  	s0 =	rddreg [dreg:$0x0];
	s2 =	stileid.u32  }
0x370: {  	s1 =	rddreg [dreg:$0x1];
	p0 =	sne.s32 s2, $0x0  }
0x371: {  	s3 =	rddreg [dreg:$0x2];
	[bflag:$0x3] =	sbarrier.arrive $0xFFFF;
	s2 =	simm.s32 @!p0 $0x1C06  }
0x372: {  	[timem:s3], [sflag:s2] =	dma.local @!p0 [hbm:s0], s1  }
0x373: {  	s0 =	simm.s32 @!p0 $0x6  }
0x374: {  	_ =	swait.ge @!p0 [sflag:s0], s1  }
0x375: {  	s1 =	ssub.s32 @!p0 $0x0, s1;
	[sflag:s0] =	ssyncset.done @!p0 $0x0  }
0x376: {  	[sflag:s0] =	ssyncadd.s32 @!p0 s1  }
0x377: {  	[bflag:$0x3] =	sbarrier.arrive $0xFFFF  }
0x378: {  	_ =	shalt  }

</sc_bundles>
